<compile_context>
chip_gen: v7x
topology: tpu7x:2x2x1
jax: 0.10.2.dev20260603
libtpu: 0.0.44.dev20260713+nightly
codegen_flags: <defaults>
</compile_context>

<pallas_src>
import functools

import jax
import jax.numpy as jnp
from jax import lax
from jax.experimental import pallas as pl
from jax.experimental.pallas import tpu as pltpu
from jax.experimental.pallas import tpu_sc as plsc

BB, CC, NN, KK, OO = 8, 64, 2048, 20, 64
BN = BB * NN


RA = 256
NBA = NN // RA


def _topk_body(xt_ref, x_ref, w_ref, idx_ref, a_ref, g_ref):
    b = pl.program_id(0)
    xt_blk = xt_ref[0]
    x_b = x_ref[0]
    inner = lax.dot_general(
        -2.0 * xt_blk, x_b, (((1,), (0,)), ((), ())),
        preferred_element_type=jnp.float32)
    xxr = jnp.sum(xt_blk * xt_blk, axis=1, keepdims=True)
    xxc = jnp.sum(x_b * x_b, axis=0, keepdims=True)
    d = (xxr + (xxc + 1.0)) + inner
    fmax = jnp.float32(jnp.inf)
    s0 = jnp.full((RA, 128), fmax, jnp.float32)
    s1, s2, s3 = s0, s0, s0
    for c in range(NN // 128):
        dc = d[:, c * 128:(c + 1) * 128]
        v = lax.bitcast_convert_type(
            jnp.bitwise_or(
                jnp.bitwise_and(lax.bitcast_convert_type(dc, jnp.int32),
                                jnp.int32(~0xF)),
                jnp.int32(c)),
            jnp.float32)
        lo = jnp.minimum(s0, v); v = jnp.maximum(s0, v); s0 = lo
        lo = jnp.minimum(s1, v); v = jnp.maximum(s1, v); s1 = lo
        lo = jnp.minimum(s2, v); v = jnp.maximum(s2, v); s2 = lo
        s3 = jnp.minimum(s3, v)
    pool = jnp.concatenate([s0, s1, s2, s3], axis=1)
    piota = lax.broadcasted_iota(jnp.int32, (RA, 512), 1).astype(jnp.float32)
    cols = []
    for _ in range(KK):
        m = jnp.min(pool, axis=1, keepdims=True)
        eq = pool == m
        jp = jnp.min(jnp.where(eq, piota, jnp.float32(1024.0)),
                     axis=1, keepdims=True)
        pool = jnp.where(eq, fmax, pool)
        col = (jnp.bitwise_and(lax.bitcast_convert_type(m, jnp.int32),
                               jnp.int32(0xF)) * 128
               + jnp.bitwise_and(jp.astype(jnp.int32), jnp.int32(127)))
        cols.append(col)
    idx_ref[...] = jnp.concatenate(cols, axis=1) + b * NN
    w1 = w_ref[:, :CC]
    w2 = w_ref[:, CC:]
    a_ref[...] = lax.dot_general(
        xt_blk, w1 - w2, (((1,), (1,)), ((), ())),
        preferred_element_type=jnp.float32)
    g_ref[...] = lax.dot_general(
        xt_blk, w2, (((1,), (1,)), ((), ())),
        preferred_element_type=jnp.float32)


def _stage_a(xt, x, W):
    return pl.pallas_call(
        _topk_body,
        grid=(BB, NBA),
        in_specs=[
            pl.BlockSpec((1, RA, CC), lambda b, r: (b, r, 0)),
            pl.BlockSpec((1, CC, NN), lambda b, r: (b, 0, 0)),
            pl.BlockSpec((OO, 2 * CC), lambda b, r: (0, 0)),
        ],
        out_specs=[
            pl.BlockSpec((RA, KK), lambda b, r: (b * NBA + r, 0)),
            pl.BlockSpec((RA, OO), lambda b, r: (b * NBA + r, 0)),
            pl.BlockSpec((RA, OO), lambda b, r: (b * NBA + r, 0)),
        ],
        out_shape=[
            jax.ShapeDtypeStruct((BN, KK), jnp.int32),
            jax.ShapeDtypeStruct((BN, OO), jnp.float32),
            jax.ShapeDtypeStruct((BN, OO), jnp.float32),
        ],
    )(xt, x, W)



NW = 32
PTS_W = BN // NW
PCH = 32
NCH = PTS_W // PCH
ROWS_CH = PCH * KK


def _sc_chunk_compute(rows_v, a_v, mx_v, carry):
    def point(p, acc):
        a1, a2 = acc
        r0 = p * KK
        m = [rows_v[r0, pl.ds(c * 16, 16)] for c in range(4)]
        sacc = list(m)
        ql = [v * v for v in m]
        for j in range(1, KK):
            for c in range(4):
                v = rows_v[r0 + j, pl.ds(c * 16, 16)]
                m[c] = jnp.maximum(m[c], v)
                sacc[c] = sacc[c] + v
                ql[c] = ql[c] + v * v
        a1n, a2n = [], []
        for c in range(4):
            mx_v[p, pl.ds(c * 16, 16)] = m[c]
            av = a_v[p, pl.ds(c * 16, 16)]
            a1n.append(a1[c] + (KF * av + sacc[c]))
            a2n.append(a2[c] + (KF * av * av + 2.0 * av * sacc[c] + ql[c]))
        return (tuple(a1n), tuple(a2n))

    return lax.fori_loop(0, PCH, point, carry)


def _sc_body(idx_hbm, g_hbm, a_hbm, mx_hbm, s1_hbm, s2_hbm,
             idx_a, idx_b, rows_a, rows_b, a_va, a_vb, mx_a, mx_b, st_v,
             sem_a, sem_b, sem_oa, sem_ob):
    wid = lax.axis_index("s") * 2 + lax.axis_index("c")
    pt0 = wid * PTS_W

    idxs = (idx_a, idx_b)
    rows = (rows_a, rows_b)
    avs = (a_va, a_vb)
    mxs = (mx_a, mx_b)
    gsem = (sem_a, sem_b)
    osem = (sem_oa, sem_ob)

    pltpu.sync_copy(idx_hbm.at[pl.ds(pt0 * KK, ROWS_CH)], idx_a)
    pltpu.async_copy(g_hbm.at[idx_a], rows_a, sem_a)
    pltpu.async_copy(a_hbm.at[pl.ds(pt0, PCH)], a_va, sem_a)

    def outer(gix, carry):
        for par in range(2):
            cb = gix * 2 + par
            base_pt = pt0 + cb * PCH
            nxt = 1 - par

            @pl.when(cb + 1 < NCH)
            def _():
                pltpu.sync_copy(
                    idx_hbm.at[pl.ds((base_pt + PCH) * KK, ROWS_CH)],
                    idxs[nxt])
                pltpu.async_copy(g_hbm.at[idxs[nxt]], rows[nxt], gsem[nxt])
                pltpu.async_copy(a_hbm.at[pl.ds(base_pt + PCH, PCH)],
                                 avs[nxt], gsem[nxt])

            pltpu.make_async_copy(
                g_hbm.at[idxs[par]], rows[par], gsem[par]).wait()
            pltpu.make_async_copy(
                a_hbm.at[pl.ds(0, PCH)], avs[par], gsem[par]).wait()

            @pl.when(cb >= 2)
            def _():
                pltpu.make_async_copy(
                    mx_hbm.at[pl.ds(0, PCH)], mxs[par], osem[par]).wait()

            carry = _sc_chunk_compute(rows[par], avs[par], mxs[par], carry)

            pltpu.async_copy(mxs[par], mx_hbm.at[pl.ds(base_pt, PCH)],
                             osem[par])
        return carry

    zero = jnp.zeros((16,), jnp.float32)
    z4 = (zero, zero, zero, zero)
    s1, s2 = lax.fori_loop(0, NCH // 2, outer, (z4, z4))
    for c in range(4):
        st_v[0, pl.ds(c * 16, 16)] = s1[c]
        st_v[1, pl.ds(c * 16, 16)] = s2[c]
    for par in range(2):
        pltpu.make_async_copy(
            mx_hbm.at[pl.ds(0, PCH)], mxs[par], osem[par]).wait()
    pltpu.sync_copy(st_v.at[0], s1_hbm.at[wid])
    pltpu.sync_copy(st_v.at[1], s2_hbm.at[wid])


def _stage_b(idx1, g, a):
    mesh = plsc.VectorSubcoreMesh(core_axis_name="c", subcore_axis_name="s")
    f = pl.kernel(
        _sc_body,
        mesh=mesh,
        compiler_params=pltpu.CompilerParams(use_tc_tiling_on_sc=False),
        out_type=[
            jax.ShapeDtypeStruct((BN, OO), jnp.float32),
            jax.ShapeDtypeStruct((NW, OO), jnp.float32),
            jax.ShapeDtypeStruct((NW, OO), jnp.float32),
        ],
        scratch_types=[
            pltpu.VMEM((ROWS_CH,), jnp.int32),
            pltpu.VMEM((ROWS_CH,), jnp.int32),
            pltpu.VMEM((ROWS_CH, OO), jnp.float32),
            pltpu.VMEM((ROWS_CH, OO), jnp.float32),
            pltpu.VMEM((PCH, OO), jnp.float32),
            pltpu.VMEM((PCH, OO), jnp.float32),
            pltpu.VMEM((PCH, OO), jnp.float32),
            pltpu.VMEM((PCH, OO), jnp.float32),
            pltpu.VMEM((2, OO), jnp.float32),
            pltpu.SemaphoreType.DMA,
            pltpu.SemaphoreType.DMA,
            pltpu.SemaphoreType.DMA,
            pltpu.SemaphoreType.DMA,
        ],
    )
    return f(idx1, g, a)



KF = float(KK)
CNT = float(BN * KK)
RF = 2048
NBF = BN // RF


def _final_body(a_ref, mx_ref, s1_ref, s2_ref, gam_ref, bet_ref, o_ref):
    mean = jnp.sum(s1_ref[...], axis=0, keepdims=True) / CNT
    ex2 = jnp.sum(s2_ref[...], axis=0, keepdims=True) / CNT
    var = ex2 - mean * mean
    rstd = lax.rsqrt(var + 1e-5)
    scl = gam_ref[...] * rstd
    sft = bet_ref[...] - mean * scl
    o = (a_ref[...] + mx_ref[...]) * scl + sft
    o_ref[...] = jnp.where(o >= 0, o, 0.2 * o)


def _stage_final(a, mx, s1p, s2p, gamma, beta):
    return pl.pallas_call(
        _final_body,
        grid=(NBF,),
        in_specs=[
            pl.BlockSpec((RF, OO), lambda i: (i, 0)),
            pl.BlockSpec((RF, OO), lambda i: (i, 0)),
            pl.BlockSpec((NW, OO), lambda i: (0, 0)),
            pl.BlockSpec((NW, OO), lambda i: (0, 0)),
            pl.BlockSpec((1, OO), lambda i: (0, 0)),
            pl.BlockSpec((1, OO), lambda i: (0, 0)),
        ],
        out_specs=pl.BlockSpec((RF, OO), lambda i: (i, 0)),
        out_shape=jax.ShapeDtypeStruct((BN, OO), jnp.float32),
    )(a, mx, s1p, s2p, gamma, beta)




def kernel(x, W, gamma, beta):
    xt = jnp.swapaxes(x, 2, 1)
    idxf, a, g = _stage_a(xt, x, W)
    idx1 = idxf.reshape(BN * KK)
    mx, s1p, s2p = _stage_b(idx1, g, a)
    o = _stage_final(a, mx, s1p, s2p,
                     gamma.reshape(1, OO), beta.reshape(1, OO))
    return o.reshape(BB, NN, OO).transpose(0, 2, 1)

# --- scband reference (transcript-rebuilt; emitter-appended) ---
"""Pipeline reference for scband-edge-conv-33354716020955 (READ-ONLY COPY).

The authoritative reference and input builder live on the scoring server;
editing this copy changes nothing except your own understanding.
"""

import jax, jax.numpy as jnp
import numpy as np

B, C, N, K, OUT = 8, 64, 2048, 20, 64

def setup_inputs(seed: int = 0) -> dict:
    key = jax.random.key(seed)
    k1, k2 = jax.random.split(key, 2)
    x = jax.random.normal(k1, (B, C, N), dtype=jnp.float32)
    W = jax.random.normal(k2, (OUT, 2 * C), dtype=jnp.float32) * (1.0 / np.sqrt(2 * C))
    gamma = jnp.ones((OUT,), dtype=jnp.float32)
    beta = jnp.zeros((OUT,), dtype=jnp.float32)
    return {"x": x, "W": W, "gamma": gamma, "beta": beta}

def reference(x, W, gamma, beta):
    k = K
    # knn_graph: dist = xx + xx^T - 2 x^T x, take k smallest
    xt = jnp.swapaxes(x, 2, 1)                      # [B, N, C]
    inner = -2.0 * jnp.einsum('bcn,bcm->bnm', x, x)  # -2 * bmm(x^T, x) -> [B, N, N]
    xx = jnp.sum(x * x, axis=1, keepdims=True)       # [B, 1, N]
    dist = xx + jnp.swapaxes(xx, 2, 1) + inner       # [B, N, N]
    _, idx = jax.lax.top_k(-dist, k)                 # k smallest distances -> [B, N, k]
    # gather neighbor features: neighbors[b, n, j, :] = xt[b, idx[b, n, j], :]
    neighbors = jax.vmap(lambda feat, ind: feat[ind])(xt, idx)  # [B, N, k, C]
    xi = xt[:, :, None, :]                           # [B, N, 1, C]
    edge = jnp.concatenate([jnp.broadcast_to(xi, neighbors.shape), neighbors - xi], axis=-1)  # [B, N, k, 2C]
    # 1x1 conv (no bias) == matmul with W [OUT, 2C]
    h = jnp.einsum('bnkc,oc->bnko', edge, W)         # [B, N, k, OUT]
    # BatchNorm2d in training mode: batch stats over (B, N, k) per channel, biased var, eps=1e-5
    mean = jnp.mean(h, axis=(0, 1, 2))
    var = jnp.var(h, axis=(0, 1, 2))
    hn = (h - mean) / jnp.sqrt(var + 1e-5) * gamma + beta
    # LeakyReLU(0.2)
    act = jnp.where(hn >= 0, hn, 0.2 * hn)
    # max over k neighbors
    out = jnp.max(act, axis=2)                       # [B, N, OUT]
    return jnp.transpose(out, (0, 2, 1))             # [B, OUT, N]

if __name__ == "__main__":
    import jax
    _d = setup_inputs()
    print(jax.jit(kernel)(*tuple(_d.values())))

</pallas_src>

<mosaic_0001>
#map = affine_map<(d0, d1) -> (0)>
#map1 = affine_map<(d0, d1) -> (0, 0)>
module attributes {stable_mosaic.version = 14 : i64} {
  func.func @_sc_body(%arg0: i32, %arg1: i32, %arg2: memref<327680xi32, #tpu.memory_space<hbm>>, %arg3: memref<16384x64xf32, #tpu.memory_space<hbm>>, %arg4: memref<16384x64xf32, #tpu.memory_space<hbm>>, %arg5: memref<16384x64xf32, #tpu.memory_space<hbm>>, %arg6: memref<32x64xf32, #tpu.memory_space<hbm>>, %arg7: memref<32x64xf32, #tpu.memory_space<hbm>>, %arg8: memref<640xi32, #tpu.memory_space<vmem>>, %arg9: memref<640xi32, #tpu.memory_space<vmem>>, %arg10: memref<640x64xf32, #tpu.memory_space<vmem>>, %arg11: memref<640x64xf32, #tpu.memory_space<vmem>>, %arg12: memref<32x64xf32, #tpu.memory_space<vmem>>, %arg13: memref<32x64xf32, #tpu.memory_space<vmem>>, %arg14: memref<32x64xf32, #tpu.memory_space<vmem>>, %arg15: memref<32x64xf32, #tpu.memory_space<vmem>>, %arg16: memref<2x64xf32, #tpu.memory_space<vmem>>, %arg17: memref<!tpu.dma_semaphore, #tpu.memory_space<semaphore_mem>>, %arg18: memref<!tpu.dma_semaphore, #tpu.memory_space<semaphore_mem>>, %arg19: memref<!tpu.dma_semaphore, #tpu.memory_space<semaphore_mem>>, %arg20: memref<!tpu.dma_semaphore, #tpu.memory_space<semaphore_mem>>) attributes {dimension_semantics = [#tpu.dimension_semantics<core_parallel>, #tpu.dimension_semantics<subcore_parallel>], iteration_bounds = array<i64: 2, 16>, scalar_prefetch = 0 : i64, scratch_operands = 13 : i64, tpu.core_type = #tpu.core_type<sc_vector_subcore>, window_params = [{transform_indices = #map}, {transform_indices = #map1}, {transform_indices = #map1}, {transform_indices = #map1}, {transform_indices = #map1}, {transform_indices = #map1}]} {
    %mul3A = arith.constant 2 : i32
    %mul3A_0 = arith.muli %arg1, %mul3A : i32
    %add3A = arith.addi %mul3A_0, %arg0 : i32
    %mul3A_1 = arith.constant 512 : i32
    %mul3A_2 = arith.muli %add3A, %mul3A_1 : i32
    %mul3A_3 = arith.constant 20 : i32
    %mul3A_4 = arith.muli %mul3A_2, %mul3A_3 : i32
    "tpu.region"() ({
      %run_scoped3A_76 = tpu.sem_alloc : memref<!tpu.dma_semaphore, #tpu.memory_space<semaphore_mem>>
      %dma_start3A_77 = tpu.memref_slice %arg2[%mul3A_4] : memref<327680xi32, #tpu.memory_space<hbm>> -> memref<640xi32, #tpu.memory_space<hbm>>
      %dma_start3A_78 = tpu.memref_slice %arg2[%mul3A_4] : memref<327680xi32, #tpu.memory_space<hbm>> -> memref<640xi32, #tpu.memory_space<hbm>>
      tpu.enqueue_dma source(%dma_start3A_78 : memref<640xi32, #tpu.memory_space<hbm>>) target(%arg8 : memref<640xi32, #tpu.memory_space<vmem>>) target_semaphore(%run_scoped3A_76 : memref<!tpu.dma_semaphore, #tpu.memory_space<semaphore_mem>>)
      %dma_wait3A_79 = tpu.memref_slice %arg2[%mul3A_4] : memref<327680xi32, #tpu.memory_space<hbm>> -> memref<640xi32, #tpu.memory_space<hbm>>
      %dma_wait3A_80 = tpu.memref_slice %arg2[%mul3A_4] : memref<327680xi32, #tpu.memory_space<hbm>> -> memref<640xi32, #tpu.memory_space<hbm>>
      tpu.wait_dma2 semaphore(%run_scoped3A_76 : memref<!tpu.dma_semaphore, #tpu.memory_space<semaphore_mem>>) src(%dma_wait3A_80 : memref<640xi32, #tpu.memory_space<hbm>>) dst(%arg8 : memref<640xi32, #tpu.memory_space<vmem>>)
      tpu.yield
    }) : () -> ()
    %dma_start3A = arith.constant 0 : i32
    %dma_start3A_5 = arith.constant 0 : i32
    %dma_start3A_6 = tpu.memref_slice %arg3[%dma_start3A, %dma_start3A_5] : memref<16384x64xf32, #tpu.memory_space<hbm>> -> memref<16384x64xf32, #tpu.memory_space<hbm>>
    tpu.enqueue_indirect_dma source(%dma_start3A_6 : memref<16384x64xf32, #tpu.memory_space<hbm>>) target(%arg10 : memref<640x64xf32, #tpu.memory_space<vmem>>) offsets(%arg8 : memref<640xi32, #tpu.memory_space<vmem>>) semaphore(%arg17 : memref<!tpu.dma_semaphore, #tpu.memory_space<semaphore_mem>>)
    %dma_start3A_7 = arith.constant 0 : i32
    %dma_start3A_8 = tpu.memref_slice %arg4[%mul3A_2, %dma_start3A_7] : memref<16384x64xf32, #tpu.memory_space<hbm>> -> memref<32x64xf32, #tpu.memory_space<hbm>>
    %dma_start3A_9 = arith.constant 0 : i32
    %dma_start3A_10 = tpu.memref_slice %arg4[%mul3A_2, %dma_start3A_9] : memref<16384x64xf32, #tpu.memory_space<hbm>> -> memref<32x64xf32, #tpu.memory_space<hbm>>
    tpu.enqueue_dma source(%dma_start3A_10 : memref<32x64xf32, #tpu.memory_space<hbm>>) target(%arg12 : memref<32x64xf32, #tpu.memory_space<vmem>>) target_semaphore(%arg17 : memref<!tpu.dma_semaphore, #tpu.memory_space<semaphore_mem>>)
    %broadcast_in_dim3A = arith.constant 0.000000e+00 : f32
    %broadcast_in_dim3A_11 = vector.broadcast %broadcast_in_dim3A : f32 to vector<16xf32>
    %scan3A = arith.constant 0 : i32
    %scan3A_12 = arith.constant 8 : i32
    %scan3A_13 = arith.addi %scan3A, %scan3A_12 : i32
    %scan3A_14 = arith.constant 1 : i32
    %scan3A_15:8 = scf.for %scan3A_76 = %scan3A to %scan3A_13 step %scan3A_14 iter_args(%scan3A_77 = %broadcast_in_dim3A_11, %scan3A_78 = %broadcast_in_dim3A_11, %scan3A_79 = %broadcast_in_dim3A_11, %scan3A_80 = %broadcast_in_dim3A_11, %scan3A_81 = %broadcast_in_dim3A_11, %scan3A_82 = %broadcast_in_dim3A_11, %scan3A_83 = %broadcast_in_dim3A_11, %scan3A_84 = %broadcast_in_dim3A_11) -> (vector<16xf32>, vector<16xf32>, vector<16xf32>, vector<16xf32>, vector<16xf32>, vector<16xf32>, vector<16xf32>, vector<16xf32>)  : i32 {
      %mul3A_85 = arith.constant 2 : i32
      %mul3A_86 = arith.muli %scan3A_76, %mul3A_85 : i32
      %add3A_87 = arith.constant 0 : i32
      %add3A_88 = arith.addi %mul3A_86, %add3A_87 : i32
      %mul3A_89 = arith.constant 32 : i32
      %mul3A_90 = arith.muli %add3A_88, %mul3A_89 : i32
      %add3A_91 = arith.addi %mul3A_2, %mul3A_90 : i32
      %add3A_92 = arith.constant 1 : i32
      %add3A_93 = arith.addi %add3A_88, %add3A_92 : i32
      %lt3A = arith.constant 16 : i32
      %lt3A_94 = arith.cmpi slt, %add3A_93, %lt3A : i32
      %convert_element_type3A = arith.extui %lt3A_94 : i1 to i32
      %cond3A = arith.constant 0 : i32
      %cond3A_95 = arith.cmpi ne, %convert_element_type3A, %cond3A : i32
      scf.if %cond3A_95 {
        %add3A_157 = arith.constant 32 : i32
        %add3A_158 = arith.addi %add3A_91, %add3A_157 : i32
        %mul3A_159 = arith.constant 20 : i32
        %mul3A_160 = arith.muli %add3A_158, %mul3A_159 : i32
        "tpu.region"() ({
          %run_scoped3A_170 = tpu.sem_alloc : memref<!tpu.dma_semaphore, #tpu.memory_space<semaphore_mem>>
          %dma_start3A_171 = tpu.memref_slice %arg2[%mul3A_160] : memref<327680xi32, #tpu.memory_space<hbm>> -> memref<640xi32, #tpu.memory_space<hbm>>
          %dma_start3A_172 = tpu.memref_slice %arg2[%mul3A_160] : memref<327680xi32, #tpu.memory_space<hbm>> -> memref<640xi32, #tpu.memory_space<hbm>>
          tpu.enqueue_dma source(%dma_start3A_172 : memref<640xi32, #tpu.memory_space<hbm>>) target(%arg9 : memref<640xi32, #tpu.memory_space<vmem>>) target_semaphore(%run_scoped3A_170 : memref<!tpu.dma_semaphore, #tpu.memory_space<semaphore_mem>>)
          %dma_wait3A_173 = tpu.memref_slice %arg2[%mul3A_160] : memref<327680xi32, #tpu.memory_space<hbm>> -> memref<640xi32, #tpu.memory_space<hbm>>
          %dma_wait3A_174 = tpu.memref_slice %arg2[%mul3A_160] : memref<327680xi32, #tpu.memory_space<hbm>> -> memref<640xi32, #tpu.memory_space<hbm>>
          tpu.wait_dma2 semaphore(%run_scoped3A_170 : memref<!tpu.dma_semaphore, #tpu.memory_space<semaphore_mem>>) src(%dma_wait3A_174 : memref<640xi32, #tpu.memory_space<hbm>>) dst(%arg9 : memref<640xi32, #tpu.memory_space<vmem>>)
          tpu.yield
        }) : () -> ()
        %dma_start3A_161 = arith.constant 0 : i32
        %dma_start3A_162 = arith.constant 0 : i32
        %dma_start3A_163 = tpu.memref_slice %arg3[%dma_start3A_161, %dma_start3A_162] : memref<16384x64xf32, #tpu.memory_space<hbm>> -> memref<16384x64xf32, #tpu.memory_space<hbm>>
        tpu.enqueue_indirect_dma source(%dma_start3A_163 : memref<16384x64xf32, #tpu.memory_space<hbm>>) target(%arg11 : memref<640x64xf32, #tpu.memory_space<vmem>>) offsets(%arg9 : memref<640xi32, #tpu.memory_space<vmem>>) semaphore(%arg18 : memref<!tpu.dma_semaphore, #tpu.memory_space<semaphore_mem>>)
        %add3A_164 = arith.constant 32 : i32
        %add3A_165 = arith.addi %add3A_91, %add3A_164 : i32
        %dma_start3A_166 = arith.constant 0 : i32
        %dma_start3A_167 = tpu.memref_slice %arg4[%add3A_165, %dma_start3A_166] : memref<16384x64xf32, #tpu.memory_space<hbm>> -> memref<32x64xf32, #tpu.memory_space<hbm>>
        %dma_start3A_168 = arith.constant 0 : i32
        %dma_start3A_169 = tpu.memref_slice %arg4[%add3A_165, %dma_start3A_168] : memref<16384x64xf32, #tpu.memory_space<hbm>> -> memref<32x64xf32, #tpu.memory_space<hbm>>
        tpu.enqueue_dma source(%dma_start3A_169 : memref<32x64xf32, #tpu.memory_space<hbm>>) target(%arg13 : memref<32x64xf32, #tpu.memory_space<vmem>>) target_semaphore(%arg18 : memref<!tpu.dma_semaphore, #tpu.memory_space<semaphore_mem>>)
      } else {
      }
      %dma_wait3A_96 = arith.constant 0 : i32
      %dma_wait3A_97 = arith.constant 0 : i32
      %dma_wait3A_98 = tpu.memref_slice %arg3[%dma_wait3A_96, %dma_wait3A_97] : memref<16384x64xf32, #tpu.memory_space<hbm>> -> memref<16384x64xf32, #tpu.memory_space<hbm>>
      tpu.wait_indirect_dma semaphore(%arg17 : memref<!tpu.dma_semaphore, #tpu.memory_space<semaphore_mem>>) src(%dma_wait3A_98 : memref<16384x64xf32, #tpu.memory_space<hbm>>) dst(%arg10 : memref<640x64xf32, #tpu.memory_space<vmem>>)
      %dma_wait3A_99 = arith.constant 0 : i32
      %dma_wait3A_100 = arith.constant 0 : i32
      %dma_wait3A_101 = tpu.memref_slice %arg4[%dma_wait3A_99, %dma_wait3A_100] : memref<16384x64xf32, #tpu.memory_space<hbm>> -> memref<32x64xf32, #tpu.memory_space<hbm>>
      %dma_wait3A_102 = arith.constant 0 : i32
      %dma_wait3A_103 = arith.constant 0 : i32
      %dma_wait3A_104 = tpu.memref_slice %arg4[%dma_wait3A_102, %dma_wait3A_103] : memref<16384x64xf32, #tpu.memory_space<hbm>> -> memref<32x64xf32, #tpu.memory_space<hbm>>
      tpu.wait_dma2 semaphore(%arg17 : memref<!tpu.dma_semaphore, #tpu.memory_space<semaphore_mem>>) src(%dma_wait3A_104 : memref<32x64xf32, #tpu.memory_space<hbm>>) dst(%arg12 : memref<32x64xf32, #tpu.memory_space<vmem>>)
      %ge3A = arith.constant 2 : i32
      %ge3A_105 = arith.cmpi sge, %add3A_88, %ge3A : i32
      %convert_element_type3A_106 = arith.extui %ge3A_105 : i1 to i32
      %cond3A_107 = arith.constant 0 : i32
      %cond3A_108 = arith.cmpi ne, %convert_element_type3A_106, %cond3A_107 : i32
      scf.if %cond3A_108 {
        %dma_wait3A_157 = arith.constant 0 : i32
        %dma_wait3A_158 = arith.constant 0 : i32
        %dma_wait3A_159 = tpu.memref_slice %arg5[%dma_wait3A_157, %dma_wait3A_158] : memref<16384x64xf32, #tpu.memory_space<hbm>> -> memref<32x64xf32, #tpu.memory_space<hbm>>
        %dma_wait3A_160 = arith.constant 0 : i32
        %dma_wait3A_161 = arith.constant 0 : i32
        %dma_wait3A_162 = tpu.memref_slice %arg5[%dma_wait3A_160, %dma_wait3A_161] : memref<16384x64xf32, #tpu.memory_space<hbm>> -> memref<32x64xf32, #tpu.memory_space<hbm>>
        tpu.wait_dma2 semaphore(%arg19 : memref<!tpu.dma_semaphore, #tpu.memory_space<semaphore_mem>>) src(%dma_wait3A_162 : memref<32x64xf32, #tpu.memory_space<hbm>>) dst(%arg14 : memref<32x64xf32, #tpu.memory_space<vmem>>)
      } else {
      }
      %scan3A_109 = arith.constant 0 : i32
      %scan3A_110 = arith.constant 32 : i32
      %scan3A_111 = arith.addi %scan3A_109, %scan3A_110 : i32
      %scan3A_112 = arith.constant 1 : i32
      %scan3A_113:8 = scf.for %scan3A_157 = %scan3A_109 to %scan3A_111 step %scan3A_112 iter_args(%scan3A_158 = %scan3A_77, %scan3A_159 = %scan3A_78, %scan3A_160 = %scan3A_79, %scan3A_161 = %scan3A_80, %scan3A_162 = %scan3A_81, %scan3A_163 = %scan3A_82, %scan3A_164 = %scan3A_83, %scan3A_165 = %scan3A_84) -> (vector<16xf32>, vector<16xf32>, vector<16xf32>, vector<16xf32>, vector<16xf32>, vector<16xf32>, vector<16xf32>, vector<16xf32>)  : i32 {
        %mul3A_166 = arith.constant 20 : i32
        %mul3A_167 = arith.muli %scan3A_157, %mul3A_166 : i32
        %get3A = arith.index_cast %mul3A_167 : i32 to index
        %get3A_168 = arith.constant 0 : index
        %get3A_169 = tpu.vector_load %arg10[%get3A, %get3A_168] {strides = array<i32>} : memref<640x64xf32, #tpu.memory_space<vmem>>, vector<1x16xf32>,
        %get3A_170 = vector.shape_cast %get3A_169 : vector<1x16xf32> to vector<16xf32>
        %get3A_171 = arith.index_cast %mul3A_167 : i32 to index
        %get3A_172 = arith.constant 16 : index
        %get3A_173 = tpu.vector_load %arg10[%get3A_171, %get3A_172] {strides = array<i32>} : memref<640x64xf32, #tpu.memory_space<vmem>>, vector<1x16xf32>,
        %get3A_174 = vector.shape_cast %get3A_173 : vector<1x16xf32> to vector<16xf32>
        %get3A_175 = arith.index_cast %mul3A_167 : i32 to index
        %get3A_176 = arith.constant 32 : index
        %get3A_177 = tpu.vector_load %arg10[%get3A_175, %get3A_176] {strides = array<i32>} : memref<640x64xf32, #tpu.memory_space<vmem>>, vector<1x16xf32>,
        %get3A_178 = vector.shape_cast %get3A_177 : vector<1x16xf32> to vector<16xf32>
        %get3A_179 = arith.index_cast %mul3A_167 : i32 to index
        %get3A_180 = arith.constant 48 : index
        %get3A_181 = tpu.vector_load %arg10[%get3A_179, %get3A_180] {strides = array<i32>} : memref<640x64xf32, #tpu.memory_space<vmem>>, vector<1x16xf32>,
        %get3A_182 = vector.shape_cast %get3A_181 : vector<1x16xf32> to vector<16xf32>
        %mul3A_183 = arith.mulf %get3A_170, %get3A_170 : vector<16xf32>
        %mul3A_184 = arith.mulf %get3A_174, %get3A_174 : vector<16xf32>
        %mul3A_185 = arith.mulf %get3A_178, %get3A_178 : vector<16xf32>
        %mul3A_186 = arith.mulf %get3A_182, %get3A_182 : vector<16xf32>
        %add3A_187 = arith.constant 1 : i32
        %add3A_188 = arith.addi %mul3A_167, %add3A_187 : i32
        %get3A_189 = arith.index_cast %add3A_188 : i32 to index
        %get3A_190 = arith.constant 0 : index
        %get3A_191 = tpu.vector_load %arg10[%get3A_189, %get3A_190] {strides = array<i32>} : memref<640x64xf32, #tpu.memory_space<vmem>>, vector<1x16xf32>,
        %get3A_192 = vector.shape_cast %get3A_191 : vector<1x16xf32> to vector<16xf32>
        %max3A = arith.maximumf %get3A_170, %get3A_192 : vector<16xf32>
        %add3A_193 = arith.addf %get3A_170, %get3A_192 : vector<16xf32>
        %mul3A_194 = arith.mulf %get3A_192, %get3A_192 : vector<16xf32>
        %add3A_195 = arith.addf %mul3A_183, %mul3A_194 : vector<16xf32>
        %add3A_196 = arith.constant 1 : i32
        %add3A_197 = arith.addi %mul3A_167, %add3A_196 : i32
        %get3A_198 = arith.index_cast %add3A_197 : i32 to index
        %get3A_199 = arith.constant 16 : index
        %get3A_200 = tpu.vector_load %arg10[%get3A_198, %get3A_199] {strides = array<i32>} : memref<640x64xf32, #tpu.memory_space<vmem>>, vector<1x16xf32>,
        %get3A_201 = vector.shape_cast %get3A_200 : vector<1x16xf32> to vector<16xf32>
        %max3A_202 = arith.maximumf %get3A_174, %get3A_201 : vector<16xf32>
        %add3A_203 = arith.addf %get3A_174, %get3A_201 : vector<16xf32>
        %mul3A_204 = arith.mulf %get3A_201, %get3A_201 : vector<16xf32>
        %add3A_205 = arith.addf %mul3A_184, %mul3A_204 : vector<16xf32>
        %add3A_206 = arith.constant 1 : i32
        %add3A_207 = arith.addi %mul3A_167, %add3A_206 : i32
        %get3A_208 = arith.index_cast %add3A_207 : i32 to index
        %get3A_209 = arith.constant 32 : index
        %get3A_210 = tpu.vector_load %arg10[%get3A_208, %get3A_209] {strides = array<i32>} : memref<640x64xf32, #tpu.memory_space<vmem>>, vector<1x16xf32>,
        %get3A_211 = vector.shape_cast %get3A_210 : vector<1x16xf32> to vector<16xf32>
        %max3A_212 = arith.maximumf %get3A_178, %get3A_211 : vector<16xf32>
        %add3A_213 = arith.addf %get3A_178, %get3A_211 : vector<16xf32>
        %mul3A_214 = arith.mulf %get3A_211, %get3A_211 : vector<16xf32>
        %add3A_215 = arith.addf %mul3A_185, %mul3A_214 : vector<16xf32>
        %add3A_216 = arith.constant 1 : i32
        %add3A_217 = arith.addi %mul3A_167, %add3A_216 : i32
        %get3A_218 = arith.index_cast %add3A_217 : i32 to index
        %get3A_219 = arith.constant 48 : index
        %get3A_220 = tpu.vector_load %arg10[%get3A_218, %get3A_219] {strides = array<i32>} : memref<640x64xf32, #tpu.memory_space<vmem>>, vector<1x16xf32>,
        %get3A_221 = vector.shape_cast %get3A_220 : vector<1x16xf32> to vector<16xf32>
        %max3A_222 = arith.maximumf %get3A_182, %get3A_221 : vector<16xf32>
        %add3A_223 = arith.addf %get3A_182, %get3A_221 : vector<16xf32>
        %mul3A_224 = arith.mulf %get3A_221, %get3A_221 : vector<16xf32>
        %add3A_225 = arith.addf %mul3A_186, %mul3A_224 : vector<16xf32>
        %add3A_226 = arith.constant 2 : i32
        %add3A_227 = arith.addi %mul3A_167, %add3A_226 : i32
        %get3A_228 = arith.index_cast %add3A_227 : i32 to index
        %get3A_229 = arith.constant 0 : index
        %get3A_230 = tpu.vector_load %arg10[%get3A_228, %get3A_229] {strides = array<i32>} : memref<640x64xf32, #tpu.memory_space<vmem>>, vector<1x16xf32>,
        %get3A_231 = vector.shape_cast %get3A_230 : vector<1x16xf32> to vector<16xf32>
        %max3A_232 = arith.maximumf %max3A, %get3A_231 : vector<16xf32>
        %add3A_233 = arith.addf %add3A_193, %get3A_231 : vector<16xf32>
        %mul3A_234 = arith.mulf %get3A_231, %get3A_231 : vector<16xf32>
        %add3A_235 = arith.addf %add3A_195, %mul3A_234 : vector<16xf32>
        %add3A_236 = arith.constant 2 : i32
        %add3A_237 = arith.addi %mul3A_167, %add3A_236 : i32
        %get3A_238 = arith.index_cast %add3A_237 : i32 to index
        %get3A_239 = arith.constant 16 : index
        %get3A_240 = tpu.vector_load %arg10[%get3A_238, %get3A_239] {strides = array<i32>} : memref<640x64xf32, #tpu.memory_space<vmem>>, vector<1x16xf32>,
        %get3A_241 = vector.shape_cast %get3A_240 : vector<1x16xf32> to vector<16xf32>
        %max3A_242 = arith.maximumf %max3A_202, %get3A_241 : vector<16xf32>
        %add3A_243 = arith.addf %add3A_203, %get3A_241 : vector<16xf32>
        %mul3A_244 = arith.mulf %get3A_241, %get3A_241 : vector<16xf32>
        %add3A_245 = arith.addf %add3A_205, %mul3A_244 : vector<16xf32>
        %add3A_246 = arith.constant 2 : i32
        %add3A_247 = arith.addi %mul3A_167, %add3A_246 : i32
        %get3A_248 = arith.index_cast %add3A_247 : i32 to index
        %get3A_249 = arith.constant 32 : index
        %get3A_250 = tpu.vector_load %arg10[%get3A_248, %get3A_249] {strides = array<i32>} : memref<640x64xf32, #tpu.memory_space<vmem>>, vector<1x16xf32>,
        %get3A_251 = vector.shape_cast %get3A_250 : vector<1x16xf32> to vector<16xf32>
        %max3A_252 = arith.maximumf %max3A_212, %get3A_251 : vector<16xf32>
        %add3A_253 = arith.addf %add3A_213, %get3A_251 : vector<16xf32>
        %mul3A_254 = arith.mulf %get3A_251, %get3A_251 : vector<16xf32>
        %add3A_255 = arith.addf %add3A_215, %mul3A_254 : vector<16xf32>
        %add3A_256 = arith.constant 2 : i32
        %add3A_257 = arith.addi %mul3A_167, %add3A_256 : i32
        %get3A_258 = arith.index_cast %add3A_257 : i32 to index
        %get3A_259 = arith.constant 48 : index
        %get3A_260 = tpu.vector_load %arg10[%get3A_258, %get3A_259] {strides = array<i32>} : memref<640x64xf32, #tpu.memory_space<vmem>>, vector<1x16xf32>,
        %get3A_261 = vector.shape_cast %get3A_260 : vector<1x16xf32> to vector<16xf32>
        %max3A_262 = arith.maximumf %max3A_222, %get3A_261 : vector<16xf32>
        %add3A_263 = arith.addf %add3A_223, %get3A_261 : vector<16xf32>
        %mul3A_264 = arith.mulf %get3A_261, %get3A_261 : vector<16xf32>
        %add3A_265 = arith.addf %add3A_225, %mul3A_264 : vector<16xf32>
        %add3A_266 = arith.constant 3 : i32
        %add3A_267 = arith.addi %mul3A_167, %add3A_266 : i32
        %get3A_268 = arith.index_cast %add3A_267 : i32 to index
        %get3A_269 = arith.constant 0 : index
        %get3A_270 = tpu.vector_load %arg10[%get3A_268, %get3A_269] {strides = array<i32>} : memref<640x64xf32, #tpu.memory_space<vmem>>, vector<1x16xf32>,
        %get3A_271 = vector.shape_cast %get3A_270 : vector<1x16xf32> to vector<16xf32>
        %max3A_272 = arith.maximumf %max3A_232, %get3A_271 : vector<16xf32>
        %add3A_273 = arith.addf %add3A_233, %get3A_271 : vector<16xf32>
        %mul3A_274 = arith.mulf %get3A_271, %get3A_271 : vector<16xf32>
        %add3A_275 = arith.addf %add3A_235, %mul3A_274 : vector<16xf32>
        %add3A_276 = arith.constant 3 : i32
        %add3A_277 = arith.addi %mul3A_167, %add3A_276 : i32
        %get3A_278 = arith.index_cast %add3A_277 : i32 to index
        %get3A_279 = arith.constant 16 : index
        %get3A_280 = tpu.vector_load %arg10[%get3A_278, %get3A_279] {strides = array<i32>} : memref<640x64xf32, #tpu.memory_space<vmem>>, vector<1x16xf32>,
        %get3A_281 = vector.shape_cast %get3A_280 : vector<1x16xf32> to vector<16xf32>
        %max3A_282 = arith.maximumf %max3A_242, %get3A_281 : vector<16xf32>
        %add3A_283 = arith.addf %add3A_243, %get3A_281 : vector<16xf32>
        %mul3A_284 = arith.mulf %get3A_281, %get3A_281 : vector<16xf32>
        %add3A_285 = arith.addf %add3A_245, %mul3A_284 : vector<16xf32>
        %add3A_286 = arith.constant 3 : i32
        %add3A_287 = arith.addi %mul3A_167, %add3A_286 : i32
        %get3A_288 = arith.index_cast %add3A_287 : i32 to index
        %get3A_289 = arith.constant 32 : index
        %get3A_290 = tpu.vector_load %arg10[%get3A_288, %get3A_289] {strides = array<i32>} : memref<640x64xf32, #tpu.memory_space<vmem>>, vector<1x16xf32>,
        %get3A_291 = vector.shape_cast %get3A_290 : vector<1x16xf32> to vector<16xf32>
        %max3A_292 = arith.maximumf %max3A_252, %get3A_291 : vector<16xf32>
        %add3A_293 = arith.addf %add3A_253, %get3A_291 : vector<16xf32>
        %mul3A_294 = arith.mulf %get3A_291, %get3A_291 : vector<16xf32>
        %add3A_295 = arith.addf %add3A_255, %mul3A_294 : vector<16xf32>
        %add3A_296 = arith.constant 3 : i32
        %add3A_297 = arith.addi %mul3A_167, %add3A_296 : i32
        %get3A_298 = arith.index_cast %add3A_297 : i32 to index
        %get3A_299 = arith.constant 48 : index
        %get3A_300 = tpu.vector_load %arg10[%get3A_298, %get3A_299] {strides = array<i32>} : memref<640x64xf32, #tpu.memory_space<vmem>>, vector<1x16xf32>,
        %get3A_301 = vector.shape_cast %get3A_300 : vector<1x16xf32> to vector<16xf32>
        %max3A_302 = arith.maximumf %max3A_262, %get3A_301 : vector<16xf32>
        %add3A_303 = arith.addf %add3A_263, %get3A_301 : vector<16xf32>
        %mul3A_304 = arith.mulf %get3A_301, %get3A_301 : vector<16xf32>
        %add3A_305 = arith.addf %add3A_265, %mul3A_304 : vector<16xf32>
        %add3A_306 = arith.constant 4 : i32
        %add3A_307 = arith.addi %mul3A_167, %add3A_306 : i32
        %get3A_308 = arith.index_cast %add3A_307 : i32 to index
        %get3A_309 = arith.constant 0 : index
        %get3A_310 = tpu.vector_load %arg10[%get3A_308, %get3A_309] {strides = array<i32>} : memref<640x64xf32, #tpu.memory_space<vmem>>, vector<1x16xf32>,
        %get3A_311 = vector.shape_cast %get3A_310 : vector<1x16xf32> to vector<16xf32>
        %max3A_312 = arith.maximumf %max3A_272, %get3A_311 : vector<16xf32>
        %add3A_313 = arith.addf %add3A_273, %get3A_311 : vector<16xf32>
        %mul3A_314 = arith.mulf %get3A_311, %get3A_311 : vector<16xf32>
        %add3A_315 = arith.addf %add3A_275, %mul3A_314 : vector<16xf32>
        %add3A_316 = arith.constant 4 : i32
        %add3A_317 = arith.addi %mul3A_167, %add3A_316 : i32
        %get3A_318 = arith.index_cast %add3A_317 : i32 to index
        %get3A_319 = arith.constant 16 : index
        %get3A_320 = tpu.vector_load %arg10[%get3A_318, %get3A_319] {strides = array<i32>} : memref<640x64xf32, #tpu.memory_space<vmem>>, vector<1x16xf32>,
        %get3A_321 = vector.shape_cast %get3A_320 : vector<1x16xf32> to vector<16xf32>
        %max3A_322 = arith.maximumf %max3A_282, %get3A_321 : vector<16xf32>
        %add3A_323 = arith.addf %add3A_283, %get3A_321 : vector<16xf32>
        %mul3A_324 = arith.mulf %get3A_321, %get3A_321 : vector<16xf32>
        %add3A_325 = arith.addf %add3A_285, %mul3A_324 : vector<16xf32>
        %add3A_326 = arith.constant 4 : i32
        %add3A_327 = arith.addi %mul3A_167, %add3A_326 : i32
        %get3A_328 = arith.index_cast %add3A_327 : i32 to index
        %get3A_329 = arith.constant 32 : index
        %get3A_330 = tpu.vector_load %arg10[%get3A_328, %get3A_329] {strides = array<i32>} : memref<640x64xf32, #tpu.memory_space<vmem>>, vector<1x16xf32>,
        %get3A_331 = vector.shape_cast %get3A_330 : vector<1x16xf32> to vector<16xf32>
        %max3A_332 = arith.maximumf %max3A_292, %get3A_331 : vector<16xf32>
        %add3A_333 = arith.addf %add3A_293, %get3A_331 : vector<16xf32>
        %mul3A_334 = arith.mulf %get3A_331, %get3A_331 : vector<16xf32>
        %add3A_335 = arith.addf %add3A_295, %mul3A_334 : vector<16xf32>
        %add3A_336 = arith.constant 4 : i32
        %add3A_337 = arith.addi %mul3A_167, %add3A_336 : i32
        %get3A_338 = arith.index_cast %add3A_337 : i32 to index
        %get3A_339 = arith.constant 48 : index
        %get3A_340 = tpu.vector_load %arg10[%get3A_338, %get3A_339] {strides = array<i32>} : memref<640x64xf32, #tpu.memory_space<vmem>>, vector<1x16xf32>,
        %get3A_341 = vector.shape_cast %get3A_340 : vector<1x16xf32> to vector<16xf32>
        %max3A_342 = arith.maximumf %max3A_302, %get3A_341 : vector<16xf32>
        %add3A_343 = arith.addf %add3A_303, %get3A_341 : vector<16xf32>
        %mul3A_344 = arith.mulf %get3A_341, %get3A_341 : vector<16xf32>
        %add3A_345 = arith.addf %add3A_305, %mul3A_344 : vector<16xf32>
        %add3A_346 = arith.constant 5 : i32
        %add3A_347 = arith.addi %mul3A_167, %add3A_346 : i32
        %get3A_348 = arith.index_cast %add3A_347 : i32 to index
        %get3A_349 = arith.constant 0 : index
        %get3A_350 = tpu.vector_load %arg10[%get3A_348, %get3A_349] {strides = array<i32>} : memref<640x64xf32, #tpu.memory_space<vmem>>, vector<1x16xf32>,
        %get3A_351 = vector.shape_cast %get3A_350 : vector<1x16xf32> to vector<16xf32>
        %max3A_352 = arith.maximumf %max3A_312, %get3A_351 : vector<16xf32>
        %add3A_353 = arith.addf %add3A_313, %get3A_351 : vector<16xf32>
        %mul3A_354 = arith.mulf %get3A_351, %get3A_351 : vector<16xf32>
        %add3A_355 = arith.addf %add3A_315, %mul3A_354 : vector<16xf32>
        %add3A_356 = arith.constant 5 : i32
        %add3A_357 = arith.addi %mul3A_167, %add3A_356 : i32
        %get3A_358 = arith.index_cast %add3A_357 : i32 to index
        %get3A_359 = arith.constant 16 : index
        %get3A_360 = tpu.vector_load %arg10[%get3A_358, %get3A_359] {strides = array<i32>} : memref<640x64xf32, #tpu.memory_space<vmem>>, vector<1x16xf32>,
        %get3A_361 = vector.shape_cast %get3A_360 : vector<1x16xf32> to vector<16xf32>
        %max3A_362 = arith.maximumf %max3A_322, %get3A_361 : vector<16xf32>
        %add3A_363 = arith.addf %add3A_323, %get3A_361 : vector<16xf32>
        %mul3A_364 = arith.mulf %get3A_361, %get3A_361 : vector<16xf32>
        %add3A_365 = arith.addf %add3A_325, %mul3A_364 : vector<16xf32>
        %add3A_366 = arith.constant 5 : i32
        %add3A_367 = arith.addi %mul3A_167, %add3A_366 : i32
        %get3A_368 = arith.index_cast %add3A_367 : i32 to index
        %get3A_369 = arith.constant 32 : index
        %get3A_370 = tpu.vector_load %arg10[%get3A_368, %get3A_369] {strides = array<i32>} : memref<640x64xf32, #tpu.memory_space<vmem>>, vector<1x16xf32>,
        %get3A_371 = vector.shape_cast %get3A_370 : vector<1x16xf32> to vector<16xf32>
        %max3A_372 = arith.maximumf %max3A_332, %get3A_371 : vector<16xf32>
        %add3A_373 = arith.addf %add3A_333, %get3A_371 : vector<16xf32>
        %mul3A_374 = arith.mulf %get3A_371, %get3A_371 : vector<16xf32>
        %add3A_375 = arith.addf %add3A_335, %mul3A_374 : vector<16xf32>
        %add3A_376 = arith.constant 5 : i32
        %add3A_377 = arith.addi %mul3A_167, %add3A_376 : i32
        %get3A_378 = arith.index_cast %add3A_377 : i32 to index
        %get3A_379 = arith.constant 48 : index
        %get3A_380 = tpu.vector_load %arg10[%get3A_378, %get3A_379] {strides = array<i32>} : memref<640x64xf32, #tpu.memory_space<vmem>>, vector<1x16xf32>,
        %get3A_381 = vector.shape_cast %get3A_380 : vector<1x16xf32> to vector<16xf32>
        %max3A_382 = arith.maximumf %max3A_342, %get3A_381 : vector<16xf32>
        %add3A_383 = arith.addf %add3A_343, %get3A_381 : vector<16xf32>
        %mul3A_384 = arith.mulf %get3A_381, %get3A_381 : vector<16xf32>
        %add3A_385 = arith.addf %add3A_345, %mul3A_384 : vector<16xf32>
        %add3A_386 = arith.constant 6 : i32
        %add3A_387 = arith.addi %mul3A_167, %add3A_386 : i32
        %get3A_388 = arith.index_cast %add3A_387 : i32 to index
        %get3A_389 = arith.constant 0 : index
        %get3A_390 = tpu.vector_load %arg10[%get3A_388, %get3A_389] {strides = array<i32>} : memref<640x64xf32, #tpu.memory_space<vmem>>, vector<1x16xf32>,
        %get3A_391 = vector.shape_cast %get3A_390 : vector<1x16xf32> to vector<16xf32>
        %max3A_392 = arith.maximumf %max3A_352, %get3A_391 : vector<16xf32>
        %add3A_393 = arith.addf %add3A_353, %get3A_391 : vector<16xf32>
        %mul3A_394 = arith.mulf %get3A_391, %get3A_391 : vector<16xf32>
        %add3A_395 = arith.addf %add3A_355, %mul3A_394 : vector<16xf32>
        %add3A_396 = arith.constant 6 : i32
        %add3A_397 = arith.addi %mul3A_167, %add3A_396 : i32
        %get3A_398 = arith.index_cast %add3A_397 : i32 to index
        %get3A_399 = arith.constant 16 : index
        %get3A_400 = tpu.vector_load %arg10[%get3A_398, %get3A_399] {strides = array<i32>} : memref<640x64xf32, #tpu.memory_space<vmem>>, vector<1x16xf32>,
        %get3A_401 = vector.shape_cast %get3A_400 : vector<1x16xf32> to vector<16xf32>
        %max3A_402 = arith.maximumf %max3A_362, %get3A_401 : vector<16xf32>
        %add3A_403 = arith.addf %add3A_363, %get3A_401 : vector<16xf32>
        %mul3A_404 = arith.mulf %get3A_401, %get3A_401 : vector<16xf32>
        %add3A_405 = arith.addf %add3A_365, %mul3A_404 : vector<16xf32>
        %add3A_406 = arith.constant 6 : i32
        %add3A_407 = arith.addi %mul3A_167, %add3A_406 : i32
        %get3A_408 = arith.index_cast %add3A_407 : i32 to index
        %get3A_409 = arith.constant 32 : index
        %get3A_410 = tpu.vector_load %arg10[%get3A_408, %get3A_409] {strides = array<i32>} : memref<640x64xf32, #tpu.memory_space<vmem>>, vector<1x16xf32>,
        %get3A_411 = vector.shape_cast %get3A_410 : vector<1x16xf32> to vector<16xf32>
        %max3A_412 = arith.maximumf %max3A_372, %get3A_411 : vector<16xf32>
        %add3A_413 = arith.addf %add3A_373, %get3A_411 : vector<16xf32>
        %mul3A_414 = arith.mulf %get3A_411, %get3A_411 : vector<16xf32>
        %add3A_415 = arith.addf %add3A_375, %mul3A_414 : vector<16xf32>
        %add3A_416 = arith.constant 6 : i32
        %add3A_417 = arith.addi %mul3A_167, %add3A_416 : i32
        %get3A_418 = arith.index_cast %add3A_417 : i32 to index
        %get3A_419 = arith.constant 48 : index
        %get3A_420 = tpu.vector_load %arg10[%get3A_418, %get3A_419] {strides = array<i32>} : memref<640x64xf32, #tpu.memory_space<vmem>>, vector<1x16xf32>,
        %get3A_421 = vector.shape_cast %get3A_420 : vector<1x16xf32> to vector<16xf32>
        %max3A_422 = arith.maximumf %max3A_382, %get3A_421 : vector<16xf32>
        %add3A_423 = arith.addf %add3A_383, %get3A_421 : vector<16xf32>
        %mul3A_424 = arith.mulf %get3A_421, %get3A_421 : vector<16xf32>
        %add3A_425 = arith.addf %add3A_385, %mul3A_424 : vector<16xf32>
        %add3A_426 = arith.constant 7 : i32
        %add3A_427 = arith.addi %mul3A_167, %add3A_426 : i32
        %get3A_428 = arith.index_cast %add3A_427 : i32 to index
        %get3A_429 = arith.constant 0 : index
        %get3A_430 = tpu.vector_load %arg10[%get3A_428, %get3A_429] {strides = array<i32>} : memref<640x64xf32, #tpu.memory_space<vmem>>, vector<1x16xf32>,
        %get3A_431 = vector.shape_cast %get3A_430 : vector<1x16xf32> to vector<16xf32>
        %max3A_432 = arith.maximumf %max3A_392, %get3A_431 : vector<16xf32>
        %add3A_433 = arith.addf %add3A_393, %get3A_431 : vector<16xf32>
        %mul3A_434 = arith.mulf %get3A_431, %get3A_431 : vector<16xf32>
        %add3A_435 = arith.addf %add3A_395, %mul3A_434 : vector<16xf32>
        %add3A_436 = arith.constant 7 : i32
        %add3A_437 = arith.addi %mul3A_167, %add3A_436 : i32
        %get3A_438 = arith.index_cast %add3A_437 : i32 to index
        %get3A_439 = arith.constant 16 : index
        %get3A_440 = tpu.vector_load %arg10[%get3A_438, %get3A_439] {strides = array<i32>} : memref<640x64xf32, #tpu.memory_space<vmem>>, vector<1x16xf32>,
        %get3A_441 = vector.shape_cast %get3A_440 : vector<1x16xf32> to vector<16xf32>
        %max3A_442 = arith.maximumf %max3A_402, %get3A_441 : vector<16xf32>
        %add3A_443 = arith.addf %add3A_403, %get3A_441 : vector<16xf32>
        %mul3A_444 = arith.mulf %get3A_441, %get3A_441 : vector<16xf32>
        %add3A_445 = arith.addf %add3A_405, %mul3A_444 : vector<16xf32>
        %add3A_446 = arith.constant 7 : i32
        %add3A_447 = arith.addi %mul3A_167, %add3A_446 : i32
        %get3A_448 = arith.index_cast %add3A_447 : i32 to index
        %get3A_449 = arith.constant 32 : index
        %get3A_450 = tpu.vector_load %arg10[%get3A_448, %get3A_449] {strides = array<i32>} : memref<640x64xf32, #tpu.memory_space<vmem>>, vector<1x16xf32>,
        %get3A_451 = vector.shape_cast %get3A_450 : vector<1x16xf32> to vector<16xf32>
        %max3A_452 = arith.maximumf %max3A_412, %get3A_451 : vector<16xf32>
        %add3A_453 = arith.addf %add3A_413, %get3A_451 : vector<16xf32>
        %mul3A_454 = arith.mulf %get3A_451, %get3A_451 : vector<16xf32>
        %add3A_455 = arith.addf %add3A_415, %mul3A_454 : vector<16xf32>
        %add3A_456 = arith.constant 7 : i32
        %add3A_457 = arith.addi %mul3A_167, %add3A_456 : i32
        %get3A_458 = arith.index_cast %add3A_457 : i32 to index
        %get3A_459 = arith.constant 48 : index
        %get3A_460 = tpu.vector_load %arg10[%get3A_458, %get3A_459] {strides = array<i32>} : memref<640x64xf32, #tpu.memory_space<vmem>>, vector<1x16xf32>,
        %get3A_461 = vector.shape_cast %get3A_460 : vector<1x16xf32> to vector<16xf32>
        %max3A_462 = arith.maximumf %max3A_422, %get3A_461 : vector<16xf32>
        %add3A_463 = arith.addf %add3A_423, %get3A_461 : vector<16xf32>
        %mul3A_464 = arith.mulf %get3A_461, %get3A_461 : vector<16xf32>
        %add3A_465 = arith.addf %add3A_425, %mul3A_464 : vector<16xf32>
        %add3A_466 = arith.constant 8 : i32
        %add3A_467 = arith.addi %mul3A_167, %add3A_466 : i32
        %get3A_468 = arith.index_cast %add3A_467 : i32 to index
        %get3A_469 = arith.constant 0 : index
        %get3A_470 = tpu.vector_load %arg10[%get3A_468, %get3A_469] {strides = array<i32>} : memref<640x64xf32, #tpu.memory_space<vmem>>, vector<1x16xf32>,
        %get3A_471 = vector.shape_cast %get3A_470 : vector<1x16xf32> to vector<16xf32>
        %max3A_472 = arith.maximumf %max3A_432, %get3A_471 : vector<16xf32>
        %add3A_473 = arith.addf %add3A_433, %get3A_471 : vector<16xf32>
        %mul3A_474 = arith.mulf %get3A_471, %get3A_471 : vector<16xf32>
        %add3A_475 = arith.addf %add3A_435, %mul3A_474 : vector<16xf32>
        %add3A_476 = arith.constant 8 : i32
        %add3A_477 = arith.addi %mul3A_167, %add3A_476 : i32
        %get3A_478 = arith.index_cast %add3A_477 : i32 to index
        %get3A_479 = arith.constant 16 : index
        %get3A_480 = tpu.vector_load %arg10[%get3A_478, %get3A_479] {strides = array<i32>} : memref<640x64xf32, #tpu.memory_space<vmem>>, vector<1x16xf32>,
        %get3A_481 = vector.shape_cast %get3A_480 : vector<1x16xf32> to vector<16xf32>
        %max3A_482 = arith.maximumf %max3A_442, %get3A_481 : vector<16xf32>
        %add3A_483 = arith.addf %add3A_443, %get3A_481 : vector<16xf32>
        %mul3A_484 = arith.mulf %get3A_481, %get3A_481 : vector<16xf32>
        %add3A_485 = arith.addf %add3A_445, %mul3A_484 : vector<16xf32>
        %add3A_486 = arith.constant 8 : i32
        %add3A_487 = arith.addi %mul3A_167, %add3A_486 : i32
        %get3A_488 = arith.index_cast %add3A_487 : i32 to index
        %get3A_489 = arith.constant 32 : index
        %get3A_490 = tpu.vector_load %arg10[%get3A_488, %get3A_489] {strides = array<i32>} : memref<640x64xf32, #tpu.memory_space<vmem>>, vector<1x16xf32>,
        %get3A_491 = vector.shape_cast %get3A_490 : vector<1x16xf32> to vector<16xf32>
        %max3A_492 = arith.maximumf %max3A_452, %get3A_491 : vector<16xf32>
        %add3A_493 = arith.addf %add3A_453, %get3A_491 : vector<16xf32>
        %mul3A_494 = arith.mulf %get3A_491, %get3A_491 : vector<16xf32>
        %add3A_495 = arith.addf %add3A_455, %mul3A_494 : vector<16xf32>
        %add3A_496 = arith.constant 8 : i32
        %add3A_497 = arith.addi %mul3A_167, %add3A_496 : i32
        %get3A_498 = arith.index_cast %add3A_497 : i32 to index
        %get3A_499 = arith.constant 48 : index
        %get3A_500 = tpu.vector_load %arg10[%get3A_498, %get3A_499] {strides = array<i32>} : memref<640x64xf32, #tpu.memory_space<vmem>>, vector<1x16xf32>,
        %get3A_501 = vector.shape_cast %get3A_500 : vector<1x16xf32> to vector<16xf32>
        %max3A_502 = arith.maximumf %max3A_462, %get3A_501 : vector<16xf32>
        %add3A_503 = arith.addf %add3A_463, %get3A_501 : vector<16xf32>
        %mul3A_504 = arith.mulf %get3A_501, %get3A_501 : vector<16xf32>
        %add3A_505 = arith.addf %add3A_465, %mul3A_504 : vector<16xf32>
        %add3A_506 = arith.constant 9 : i32
        %add3A_507 = arith.addi %mul3A_167, %add3A_506 : i32
        %get3A_508 = arith.index_cast %add3A_507 : i32 to index
        %get3A_509 = arith.constant 0 : index
        %get3A_510 = tpu.vector_load %arg10[%get3A_508, %get3A_509] {strides = array<i32>} : memref<640x64xf32, #tpu.memory_space<vmem>>, vector<1x16xf32>,
        %get3A_511 = vector.shape_cast %get3A_510 : vector<1x16xf32> to vector<16xf32>
        %max3A_512 = arith.maximumf %max3A_472, %get3A_511 : vector<16xf32>
        %add3A_513 = arith.addf %add3A_473, %get3A_511 : vector<16xf32>
        %mul3A_514 = arith.mulf %get3A_511, %get3A_511 : vector<16xf32>
        %add3A_515 = arith.addf %add3A_475, %mul3A_514 : vector<16xf32>
        %add3A_516 = arith.constant 9 : i32
        %add3A_517 = arith.addi %mul3A_167, %add3A_516 : i32
        %get3A_518 = arith.index_cast %add3A_517 : i32 to index
        %get3A_519 = arith.constant 16 : index
        %get3A_520 = tpu.vector_load %arg10[%get3A_518, %get3A_519] {strides = array<i32>} : memref<640x64xf32, #tpu.memory_space<vmem>>, vector<1x16xf32>,
        %get3A_521 = vector.shape_cast %get3A_520 : vector<1x16xf32> to vector<16xf32>
        %max3A_522 = arith.maximumf %max3A_482, %get3A_521 : vector<16xf32>
        %add3A_523 = arith.addf %add3A_483, %get3A_521 : vector<16xf32>
        %mul3A_524 = arith.mulf %get3A_521, %get3A_521 : vector<16xf32>
        %add3A_525 = arith.addf %add3A_485, %mul3A_524 : vector<16xf32>
        %add3A_526 = arith.constant 9 : i32
        %add3A_527 = arith.addi %mul3A_167, %add3A_526 : i32
        %get3A_528 = arith.index_cast %add3A_527 : i32 to index
        %get3A_529 = arith.constant 32 : index
        %get3A_530 = tpu.vector_load %arg10[%get3A_528, %get3A_529] {strides = array<i32>} : memref<640x64xf32, #tpu.memory_space<vmem>>, vector<1x16xf32>,
        %get3A_531 = vector.shape_cast %get3A_530 : vector<1x16xf32> to vector<16xf32>
        %max3A_532 = arith.maximumf %max3A_492, %get3A_531 : vector<16xf32>
        %add3A_533 = arith.addf %add3A_493, %get3A_531 : vector<16xf32>
        %mul3A_534 = arith.mulf %get3A_531, %get3A_531 : vector<16xf32>
        %add3A_535 = arith.addf %add3A_495, %mul3A_534 : vector<16xf32>
        %add3A_536 = arith.constant 9 : i32
        %add3A_537 = arith.addi %mul3A_167, %add3A_536 : i32
        %get3A_538 = arith.index_cast %add3A_537 : i32 to index
        %get3A_539 = arith.constant 48 : index
        %get3A_540 = tpu.vector_load %arg10[%get3A_538, %get3A_539] {strides = array<i32>} : memref<640x64xf32, #tpu.memory_space<vmem>>, vector<1x16xf32>,
        %get3A_541 = vector.shape_cast %get3A_540 : vector<1x16xf32> to vector<16xf32>
        %max3A_542 = arith.maximumf %max3A_502, %get3A_541 : vector<16xf32>
        %add3A_543 = arith.addf %add3A_503, %get3A_541 : vector<16xf32>
        %mul3A_544 = arith.mulf %get3A_541, %get3A_541 : vector<16xf32>
        %add3A_545 = arith.addf %add3A_505, %mul3A_544 : vector<16xf32>
        %add3A_546 = arith.constant 10 : i32
        %add3A_547 = arith.addi %mul3A_167, %add3A_546 : i32
        %get3A_548 = arith.index_cast %add3A_547 : i32 to index
        %get3A_549 = arith.constant 0 : index
        %get3A_550 = tpu.vector_load %arg10[%get3A_548, %get3A_549] {strides = array<i32>} : memref<640x64xf32, #tpu.memory_space<vmem>>, vector<1x16xf32>,
        %get3A_551 = vector.shape_cast %get3A_550 : vector<1x16xf32> to vector<16xf32>
        %max3A_552 = arith.maximumf %max3A_512, %get3A_551 : vector<16xf32>
        %add3A_553 = arith.addf %add3A_513, %get3A_551 : vector<16xf32>
        %mul3A_554 = arith.mulf %get3A_551, %get3A_551 : vector<16xf32>
        %add3A_555 = arith.addf %add3A_515, %mul3A_554 : vector<16xf32>
        %add3A_556 = arith.constant 10 : i32
        %add3A_557 = arith.addi %mul3A_167, %add3A_556 : i32
        %get3A_558 = arith.index_cast %add3A_557 : i32 to index
        %get3A_559 = arith.constant 16 : index
        %get3A_560 = tpu.vector_load %arg10[%get3A_558, %get3A_559] {strides = array<i32>} : memref<640x64xf32, #tpu.memory_space<vmem>>, vector<1x16xf32>,
        %get3A_561 = vector.shape_cast %get3A_560 : vector<1x16xf32> to vector<16xf32>
        %max3A_562 = arith.maximumf %max3A_522, %get3A_561 : vector<16xf32>
        %add3A_563 = arith.addf %add3A_523, %get3A_561 : vector<16xf32>
        %mul3A_564 = arith.mulf %get3A_561, %get3A_561 : vector<16xf32>
        %add3A_565 = arith.addf %add3A_525, %mul3A_564 : vector<16xf32>
        %add3A_566 = arith.constant 10 : i32
        %add3A_567 = arith.addi %mul3A_167, %add3A_566 : i32
        %get3A_568 = arith.index_cast %add3A_567 : i32 to index
        %get3A_569 = arith.constant 32 : index
        %get3A_570 = tpu.vector_load %arg10[%get3A_568, %get3A_569] {strides = array<i32>} : memref<640x64xf32, #tpu.memory_space<vmem>>, vector<1x16xf32>,
        %get3A_571 = vector.shape_cast %get3A_570 : vector<1x16xf32> to vector<16xf32>
        %max3A_572 = arith.maximumf %max3A_532, %get3A_571 : vector<16xf32>
        %add3A_573 = arith.addf %add3A_533, %get3A_571 : vector<16xf32>
        %mul3A_574 = arith.mulf %get3A_571, %get3A_571 : vector<16xf32>
        %add3A_575 = arith.addf %add3A_535, %mul3A_574 : vector<16xf32>
        %add3A_576 = arith.constant 10 : i32
        %add3A_577 = arith.addi %mul3A_167, %add3A_576 : i32
        %get3A_578 = arith.index_cast %add3A_577 : i32 to index
        %get3A_579 = arith.constant 48 : index
        %get3A_580 = tpu.vector_load %arg10[%get3A_578, %get3A_579] {strides = array<i32>} : memref<640x64xf32, #tpu.memory_space<vmem>>, vector<1x16xf32>,
        %get3A_581 = vector.shape_cast %get3A_580 : vector<1x16xf32> to vector<16xf32>
        %max3A_582 = arith.maximumf %max3A_542, %get3A_581 : vector<16xf32>
        %add3A_583 = arith.addf %add3A_543, %get3A_581 : vector<16xf32>
        %mul3A_584 = arith.mulf %get3A_581, %get3A_581 : vector<16xf32>
        %add3A_585 = arith.addf %add3A_545, %mul3A_584 : vector<16xf32>
        %add3A_586 = arith.constant 11 : i32
        %add3A_587 = arith.addi %mul3A_167, %add3A_586 : i32
        %get3A_588 = arith.index_cast %add3A_587 : i32 to index
        %get3A_589 = arith.constant 0 : index
        %get3A_590 = tpu.vector_load %arg10[%get3A_588, %get3A_589] {strides = array<i32>} : memref<640x64xf32, #tpu.memory_space<vmem>>, vector<1x16xf32>,
        %get3A_591 = vector.shape_cast %get3A_590 : vector<1x16xf32> to vector<16xf32>
        %max3A_592 = arith.maximumf %max3A_552, %get3A_591 : vector<16xf32>
        %add3A_593 = arith.addf %add3A_553, %get3A_591 : vector<16xf32>
        %mul3A_594 = arith.mulf %get3A_591, %get3A_591 : vector<16xf32>
        %add3A_595 = arith.addf %add3A_555, %mul3A_594 : vector<16xf32>
        %add3A_596 = arith.constant 11 : i32
        %add3A_597 = arith.addi %mul3A_167, %add3A_596 : i32
        %get3A_598 = arith.index_cast %add3A_597 : i32 to index
        %get3A_599 = arith.constant 16 : index
        %get3A_600 = tpu.vector_load %arg10[%get3A_598, %get3A_599] {strides = array<i32>} : memref<640x64xf32, #tpu.memory_space<vmem>>, vector<1x16xf32>,
        %get3A_601 = vector.shape_cast %get3A_600 : vector<1x16xf32> to vector<16xf32>
        %max3A_602 = arith.maximumf %max3A_562, %get3A_601 : vector<16xf32>
        %add3A_603 = arith.addf %add3A_563, %get3A_601 : vector<16xf32>
        %mul3A_604 = arith.mulf %get3A_601, %get3A_601 : vector<16xf32>
        %add3A_605 = arith.addf %add3A_565, %mul3A_604 : vector<16xf32>
        %add3A_606 = arith.constant 11 : i32
        %add3A_607 = arith.addi %mul3A_167, %add3A_606 : i32
        %get3A_608 = arith.index_cast %add3A_607 : i32 to index
        %get3A_609 = arith.constant 32 : index
        %get3A_610 = tpu.vector_load %arg10[%get3A_608, %get3A_609] {strides = array<i32>} : memref<640x64xf32, #tpu.memory_space<vmem>>, vector<1x16xf32>,
        %get3A_611 = vector.shape_cast %get3A_610 : vector<1x16xf32> to vector<16xf32>
        %max3A_612 = arith.maximumf %max3A_572, %get3A_611 : vector<16xf32>
        %add3A_613 = arith.addf %add3A_573, %get3A_611 : vector<16xf32>
        %mul3A_614 = arith.mulf %get3A_611, %get3A_611 : vector<16xf32>
        %add3A_615 = arith.addf %add3A_575, %mul3A_614 : vector<16xf32>
        %add3A_616 = arith.constant 11 : i32
        %add3A_617 = arith.addi %mul3A_167, %add3A_616 : i32
        %get3A_618 = arith.index_cast %add3A_617 : i32 to index
        %get3A_619 = arith.constant 48 : index
        %get3A_620 = tpu.vector_load %arg10[%get3A_618, %get3A_619] {strides = array<i32>} : memref<640x64xf32, #tpu.memory_space<vmem>>, vector<1x16xf32>,
        %get3A_621 = vector.shape_cast %get3A_620 : vector<1x16xf32> to vector<16xf32>
        %max3A_622 = arith.maximumf %max3A_582, %get3A_621 : vector<16xf32>
        %add3A_623 = arith.addf %add3A_583, %get3A_621 : vector<16xf32>
        %mul3A_624 = arith.mulf %get3A_621, %get3A_621 : vector<16xf32>
        %add3A_625 = arith.addf %add3A_585, %mul3A_624 : vector<16xf32>
        %add3A_626 = arith.constant 12 : i32
        %add3A_627 = arith.addi %mul3A_167, %add3A_626 : i32
        %get3A_628 = arith.index_cast %add3A_627 : i32 to index
        %get3A_629 = arith.constant 0 : index
        %get3A_630 = tpu.vector_load %arg10[%get3A_628, %get3A_629] {strides = array<i32>} : memref<640x64xf32, #tpu.memory_space<vmem>>, vector<1x16xf32>,
        %get3A_631 = vector.shape_cast %get3A_630 : vector<1x16xf32> to vector<16xf32>
        %max3A_632 = arith.maximumf %max3A_592, %get3A_631 : vector<16xf32>
        %add3A_633 = arith.addf %add3A_593, %get3A_631 : vector<16xf32>
        %mul3A_634 = arith.mulf %get3A_631, %get3A_631 : vector<16xf32>
        %add3A_635 = arith.addf %add3A_595, %mul3A_634 : vector<16xf32>
        %add3A_636 = arith.constant 12 : i32
        %add3A_637 = arith.addi %mul3A_167, %add3A_636 : i32
        %get3A_638 = arith.index_cast %add3A_637 : i32 to index
        %get3A_639 = arith.constant 16 : index
        %get3A_640 = tpu.vector_load %arg10[%get3A_638, %get3A_639] {strides = array<i32>} : memref<640x64xf32, #tpu.memory_space<vmem>>, vector<1x16xf32>,
        %get3A_641 = vector.shape_cast %get3A_640 : vector<1x16xf32> to vector<16xf32>
        %max3A_642 = arith.maximumf %max3A_602, %get3A_641 : vector<16xf32>
        %add3A_643 = arith.addf %add3A_603, %get3A_641 : vector<16xf32>
        %mul3A_644 = arith.mulf %get3A_641, %get3A_641 : vector<16xf32>
        %add3A_645 = arith.addf %add3A_605, %mul3A_644 : vector<16xf32>
        %add3A_646 = arith.constant 12 : i32
        %add3A_647 = arith.addi %mul3A_167, %add3A_646 : i32
        %get3A_648 = arith.index_cast %add3A_647 : i32 to index
        %get3A_649 = arith.constant 32 : index
        %get3A_650 = tpu.vector_load %arg10[%get3A_648, %get3A_649] {strides = array<i32>} : memref<640x64xf32, #tpu.memory_space<vmem>>, vector<1x16xf32>,
        %get3A_651 = vector.shape_cast %get3A_650 : vector<1x16xf32> to vector<16xf32>
        %max3A_652 = arith.maximumf %max3A_612, %get3A_651 : vector<16xf32>
        %add3A_653 = arith.addf %add3A_613, %get3A_651 : vector<16xf32>
        %mul3A_654 = arith.mulf %get3A_651, %get3A_651 : vector<16xf32>
        %add3A_655 = arith.addf %add3A_615, %mul3A_654 : vector<16xf32>
        %add3A_656 = arith.constant 12 : i32
        %add3A_657 = arith.addi %mul3A_167, %add3A_656 : i32
        %get3A_658 = arith.index_cast %add3A_657 : i32 to index
        %get3A_659 = arith.constant 48 : index
        %get3A_660 = tpu.vector_load %arg10[%get3A_658, %get3A_659] {strides = array<i32>} : memref<640x64xf32, #tpu.memory_space<vmem>>, vector<1x16xf32>,
        %get3A_661 = vector.shape_cast %get3A_660 : vector<1x16xf32> to vector<16xf32>
        %max3A_662 = arith.maximumf %max3A_622, %get3A_661 : vector<16xf32>
        %add3A_663 = arith.addf %add3A_623, %get3A_661 : vector<16xf32>
        %mul3A_664 = arith.mulf %get3A_661, %get3A_661 : vector<16xf32>
        %add3A_665 = arith.addf %add3A_625, %mul3A_664 : vector<16xf32>
        %add3A_666 = arith.constant 13 : i32
        %add3A_667 = arith.addi %mul3A_167, %add3A_666 : i32
        %get3A_668 = arith.index_cast %add3A_667 : i32 to index
        %get3A_669 = arith.constant 0 : index
        %get3A_670 = tpu.vector_load %arg10[%get3A_668, %get3A_669] {strides = array<i32>} : memref<640x64xf32, #tpu.memory_space<vmem>>, vector<1x16xf32>,
        %get3A_671 = vector.shape_cast %get3A_670 : vector<1x16xf32> to vector<16xf32>
        %max3A_672 = arith.maximumf %max3A_632, %get3A_671 : vector<16xf32>
        %add3A_673 = arith.addf %add3A_633, %get3A_671 : vector<16xf32>
        %mul3A_674 = arith.mulf %get3A_671, %get3A_671 : vector<16xf32>
        %add3A_675 = arith.addf %add3A_635, %mul3A_674 : vector<16xf32>
        %add3A_676 = arith.constant 13 : i32
        %add3A_677 = arith.addi %mul3A_167, %add3A_676 : i32
        %get3A_678 = arith.index_cast %add3A_677 : i32 to index
        %get3A_679 = arith.constant 16 : index
        %get3A_680 = tpu.vector_load %arg10[%get3A_678, %get3A_679] {strides = array<i32>} : memref<640x64xf32, #tpu.memory_space<vmem>>, vector<1x16xf32>,
        %get3A_681 = vector.shape_cast %get3A_680 : vector<1x16xf32> to vector<16xf32>
        %max3A_682 = arith.maximumf %max3A_642, %get3A_681 : vector<16xf32>
        %add3A_683 = arith.addf %add3A_643, %get3A_681 : vector<16xf32>
        %mul3A_684 = arith.mulf %get3A_681, %get3A_681 : vector<16xf32>
        %add3A_685 = arith.addf %add3A_645, %mul3A_684 : vector<16xf32>
        %add3A_686 = arith.constant 13 : i32
        %add3A_687 = arith.addi %mul3A_167, %add3A_686 : i32
        %get3A_688 = arith.index_cast %add3A_687 : i32 to index
        %get3A_689 = arith.constant 32 : index
        %get3A_690 = tpu.vector_load %arg10[%get3A_688, %get3A_689] {strides = array<i32>} : memref<640x64xf32, #tpu.memory_space<vmem>>, vector<1x16xf32>,
        %get3A_691 = vector.shape_cast %get3A_690 : vector<1x16xf32> to vector<16xf32>
        %max3A_692 = arith.maximumf %max3A_652, %get3A_691 : vector<16xf32>
        %add3A_693 = arith.addf %add3A_653, %get3A_691 : vector<16xf32>
        %mul3A_694 = arith.mulf %get3A_691, %get3A_691 : vector<16xf32>
        %add3A_695 = arith.addf %add3A_655, %mul3A_694 : vector<16xf32>
        %add3A_696 = arith.constant 13 : i32
        %add3A_697 = arith.addi %mul3A_167, %add3A_696 : i32
        %get3A_698 = arith.index_cast %add3A_697 : i32 to index
        %get3A_699 = arith.constant 48 : index
        %get3A_700 = tpu.vector_load %arg10[%get3A_698, %get3A_699] {strides = array<i32>} : memref<640x64xf32, #tpu.memory_space<vmem>>, vector<1x16xf32>,
        %get3A_701 = vector.shape_cast %get3A_700 : vector<1x16xf32> to vector<16xf32>
        %max3A_702 = arith.maximumf %max3A_662, %get3A_701 : vector<16xf32>
        %add3A_703 = arith.addf %add3A_663, %get3A_701 : vector<16xf32>
        %mul3A_704 = arith.mulf %get3A_701, %get3A_701 : vector<16xf32>
        %add3A_705 = arith.addf %add3A_665, %mul3A_704 : vector<16xf32>
        %add3A_706 = arith.constant 14 : i32
        %add3A_707 = arith.addi %mul3A_167, %add3A_706 : i32
        %get3A_708 = arith.index_cast %add3A_707 : i32 to index
        %get3A_709 = arith.constant 0 : index
        %get3A_710 = tpu.vector_load %arg10[%get3A_708, %get3A_709] {strides = array<i32>} : memref<640x64xf32, #tpu.memory_space<vmem>>, vector<1x16xf32>,
        %get3A_711 = vector.shape_cast %get3A_710 : vector<1x16xf32> to vector<16xf32>
        %max3A_712 = arith.maximumf %max3A_672, %get3A_711 : vector<16xf32>
        %add3A_713 = arith.addf %add3A_673, %get3A_711 : vector<16xf32>
        %mul3A_714 = arith.mulf %get3A_711, %get3A_711 : vector<16xf32>
        %add3A_715 = arith.addf %add3A_675, %mul3A_714 : vector<16xf32>
        %add3A_716 = arith.constant 14 : i32
        %add3A_717 = arith.addi %mul3A_167, %add3A_716 : i32
        %get3A_718 = arith.index_cast %add3A_717 : i32 to index
        %get3A_719 = arith.constant 16 : index
        %get3A_720 = tpu.vector_load %arg10[%get3A_718, %get3A_719] {strides = array<i32>} : memref<640x64xf32, #tpu.memory_space<vmem>>, vector<1x16xf32>,
        %get3A_721 = vector.shape_cast %get3A_720 : vector<1x16xf32> to vector<16xf32>
        %max3A_722 = arith.maximumf %max3A_682, %get3A_721 : vector<16xf32>
        %add3A_723 = arith.addf %add3A_683, %get3A_721 : vector<16xf32>
        %mul3A_724 = arith.mulf %get3A_721, %get3A_721 : vector<16xf32>
        %add3A_725 = arith.addf %add3A_685, %mul3A_724 : vector<16xf32>
        %add3A_726 = arith.constant 14 : i32
        %add3A_727 = arith.addi %mul3A_167, %add3A_726 : i32
        %get3A_728 = arith.index_cast %add3A_727 : i32 to index
        %get3A_729 = arith.constant 32 : index
        %get3A_730 = tpu.vector_load %arg10[%get3A_728, %get3A_729] {strides = array<i32>} : memref<640x64xf32, #tpu.memory_space<vmem>>, vector<1x16xf32>,
        %get3A_731 = vector.shape_cast %get3A_730 : vector<1x16xf32> to vector<16xf32>
        %max3A_732 = arith.maximumf %max3A_692, %get3A_731 : vector<16xf32>
        %add3A_733 = arith.addf %add3A_693, %get3A_731 : vector<16xf32>
        %mul3A_734 = arith.mulf %get3A_731, %get3A_731 : vector<16xf32>
        %add3A_735 = arith.addf %add3A_695, %mul3A_734 : vector<16xf32>
        %add3A_736 = arith.constant 14 : i32
        %add3A_737 = arith.addi %mul3A_167, %add3A_736 : i32
        %get3A_738 = arith.index_cast %add3A_737 : i32 to index
        %get3A_739 = arith.constant 48 : index
        %get3A_740 = tpu.vector_load %arg10[%get3A_738, %get3A_739] {strides = array<i32>} : memref<640x64xf32, #tpu.memory_space<vmem>>, vector<1x16xf32>,
        %get3A_741 = vector.shape_cast %get3A_740 : vector<1x16xf32> to vector<16xf32>
        %max3A_742 = arith.maximumf %max3A_702, %get3A_741 : vector<16xf32>
        %add3A_743 = arith.addf %add3A_703, %get3A_741 : vector<16xf32>
        %mul3A_744 = arith.mulf %get3A_741, %get3A_741 : vector<16xf32>
        %add3A_745 = arith.addf %add3A_705, %mul3A_744 : vector<16xf32>
        %add3A_746 = arith.constant 15 : i32
        %add3A_747 = arith.addi %mul3A_167, %add3A_746 : i32
        %get3A_748 = arith.index_cast %add3A_747 : i32 to index
        %get3A_749 = arith.constant 0 : index
        %get3A_750 = tpu.vector_load %arg10[%get3A_748, %get3A_749] {strides = array<i32>} : memref<640x64xf32, #tpu.memory_space<vmem>>, vector<1x16xf32>,
        %get3A_751 = vector.shape_cast %get3A_750 : vector<1x16xf32> to vector<16xf32>
        %max3A_752 = arith.maximumf %max3A_712, %get3A_751 : vector<16xf32>
        %add3A_753 = arith.addf %add3A_713, %get3A_751 : vector<16xf32>
        %mul3A_754 = arith.mulf %get3A_751, %get3A_751 : vector<16xf32>
        %add3A_755 = arith.addf %add3A_715, %mul3A_754 : vector<16xf32>
        %add3A_756 = arith.constant 15 : i32
        %add3A_757 = arith.addi %mul3A_167, %add3A_756 : i32
        %get3A_758 = arith.index_cast %add3A_757 : i32 to index
        %get3A_759 = arith.constant 16 : index
        %get3A_760 = tpu.vector_load %arg10[%get3A_758, %get3A_759] {strides = array<i32>} : memref<640x64xf32, #tpu.memory_space<vmem>>, vector<1x16xf32>,
        %get3A_761 = vector.shape_cast %get3A_760 : vector<1x16xf32> to vector<16xf32>
        %max3A_762 = arith.maximumf %max3A_722, %get3A_761 : vector<16xf32>
        %add3A_763 = arith.addf %add3A_723, %get3A_761 : vector<16xf32>
        %mul3A_764 = arith.mulf %get3A_761, %get3A_761 : vector<16xf32>
        %add3A_765 = arith.addf %add3A_725, %mul3A_764 : vector<16xf32>
        %add3A_766 = arith.constant 15 : i32
        %add3A_767 = arith.addi %mul3A_167, %add3A_766 : i32
        %get3A_768 = arith.index_cast %add3A_767 : i32 to index
        %get3A_769 = arith.constant 32 : index
        %get3A_770 = tpu.vector_load %arg10[%get3A_768, %get3A_769] {strides = array<i32>} : memref<640x64xf32, #tpu.memory_space<vmem>>, vector<1x16xf32>,
        %get3A_771 = vector.shape_cast %get3A_770 : vector<1x16xf32> to vector<16xf32>
        %max3A_772 = arith.maximumf %max3A_732, %get3A_771 : vector<16xf32>
        %add3A_773 = arith.addf %add3A_733, %get3A_771 : vector<16xf32>
        %mul3A_774 = arith.mulf %get3A_771, %get3A_771 : vector<16xf32>
        %add3A_775 = arith.addf %add3A_735, %mul3A_774 : vector<16xf32>
        %add3A_776 = arith.constant 15 : i32
        %add3A_777 = arith.addi %mul3A_167, %add3A_776 : i32
        %get3A_778 = arith.index_cast %add3A_777 : i32 to index
        %get3A_779 = arith.constant 48 : index
        %get3A_780 = tpu.vector_load %arg10[%get3A_778, %get3A_779] {strides = array<i32>} : memref<640x64xf32, #tpu.memory_space<vmem>>, vector<1x16xf32>,
        %get3A_781 = vector.shape_cast %get3A_780 : vector<1x16xf32> to vector<16xf32>
        %max3A_782 = arith.maximumf %max3A_742, %get3A_781 : vector<16xf32>
        %add3A_783 = arith.addf %add3A_743, %get3A_781 : vector<16xf32>
        %mul3A_784 = arith.mulf %get3A_781, %get3A_781 : vector<16xf32>
        %add3A_785 = arith.addf %add3A_745, %mul3A_784 : vector<16xf32>
        %add3A_786 = arith.constant 16 : i32
        %add3A_787 = arith.addi %mul3A_167, %add3A_786 : i32
        %get3A_788 = arith.index_cast %add3A_787 : i32 to index
        %get3A_789 = arith.constant 0 : index
        %get3A_790 = tpu.vector_load %arg10[%get3A_788, %get3A_789] {strides = array<i32>} : memref<640x64xf32, #tpu.memory_space<vmem>>, vector<1x16xf32>,
        %get3A_791 = vector.shape_cast %get3A_790 : vector<1x16xf32> to vector<16xf32>
        %max3A_792 = arith.maximumf %max3A_752, %get3A_791 : vector<16xf32>
        %add3A_793 = arith.addf %add3A_753, %get3A_791 : vector<16xf32>
        %mul3A_794 = arith.mulf %get3A_791, %get3A_791 : vector<16xf32>
        %add3A_795 = arith.addf %add3A_755, %mul3A_794 : vector<16xf32>
        %add3A_796 = arith.constant 16 : i32
        %add3A_797 = arith.addi %mul3A_167, %add3A_796 : i32
        %get3A_798 = arith.index_cast %add3A_797 : i32 to index
        %get3A_799 = arith.constant 16 : index
        %get3A_800 = tpu.vector_load %arg10[%get3A_798, %get3A_799] {strides = array<i32>} : memref<640x64xf32, #tpu.memory_space<vmem>>, vector<1x16xf32>,
        %get3A_801 = vector.shape_cast %get3A_800 : vector<1x16xf32> to vector<16xf32>
        %max3A_802 = arith.maximumf %max3A_762, %get3A_801 : vector<16xf32>
        %add3A_803 = arith.addf %add3A_763, %get3A_801 : vector<16xf32>
        %mul3A_804 = arith.mulf %get3A_801, %get3A_801 : vector<16xf32>
        %add3A_805 = arith.addf %add3A_765, %mul3A_804 : vector<16xf32>
        %add3A_806 = arith.constant 16 : i32
        %add3A_807 = arith.addi %mul3A_167, %add3A_806 : i32
        %get3A_808 = arith.index_cast %add3A_807 : i32 to index
        %get3A_809 = arith.constant 32 : index
        %get3A_810 = tpu.vector_load %arg10[%get3A_808, %get3A_809] {strides = array<i32>} : memref<640x64xf32, #tpu.memory_space<vmem>>, vector<1x16xf32>,
        %get3A_811 = vector.shape_cast %get3A_810 : vector<1x16xf32> to vector<16xf32>
        %max3A_812 = arith.maximumf %max3A_772, %get3A_811 : vector<16xf32>
        %add3A_813 = arith.addf %add3A_773, %get3A_811 : vector<16xf32>
        %mul3A_814 = arith.mulf %get3A_811, %get3A_811 : vector<16xf32>
        %add3A_815 = arith.addf %add3A_775, %mul3A_814 : vector<16xf32>
        %add3A_816 = arith.constant 16 : i32
        %add3A_817 = arith.addi %mul3A_167, %add3A_816 : i32
        %get3A_818 = arith.index_cast %add3A_817 : i32 to index
        %get3A_819 = arith.constant 48 : index
        %get3A_820 = tpu.vector_load %arg10[%get3A_818, %get3A_819] {strides = array<i32>} : memref<640x64xf32, #tpu.memory_space<vmem>>, vector<1x16xf32>,
        %get3A_821 = vector.shape_cast %get3A_820 : vector<1x16xf32> to vector<16xf32>
        %max3A_822 = arith.maximumf %max3A_782, %get3A_821 : vector<16xf32>
        %add3A_823 = arith.addf %add3A_783, %get3A_821 : vector<16xf32>
        %mul3A_824 = arith.mulf %get3A_821, %get3A_821 : vector<16xf32>
        %add3A_825 = arith.addf %add3A_785, %mul3A_824 : vector<16xf32>
        %add3A_826 = arith.constant 17 : i32
        %add3A_827 = arith.addi %mul3A_167, %add3A_826 : i32
        %get3A_828 = arith.index_cast %add3A_827 : i32 to index
        %get3A_829 = arith.constant 0 : index
        %get3A_830 = tpu.vector_load %arg10[%get3A_828, %get3A_829] {strides = array<i32>} : memref<640x64xf32, #tpu.memory_space<vmem>>, vector<1x16xf32>,
        %get3A_831 = vector.shape_cast %get3A_830 : vector<1x16xf32> to vector<16xf32>
        %max3A_832 = arith.maximumf %max3A_792, %get3A_831 : vector<16xf32>
        %add3A_833 = arith.addf %add3A_793, %get3A_831 : vector<16xf32>
        %mul3A_834 = arith.mulf %get3A_831, %get3A_831 : vector<16xf32>
        %add3A_835 = arith.addf %add3A_795, %mul3A_834 : vector<16xf32>
        %add3A_836 = arith.constant 17 : i32
        %add3A_837 = arith.addi %mul3A_167, %add3A_836 : i32
        %get3A_838 = arith.index_cast %add3A_837 : i32 to index
        %get3A_839 = arith.constant 16 : index
        %get3A_840 = tpu.vector_load %arg10[%get3A_838, %get3A_839] {strides = array<i32>} : memref<640x64xf32, #tpu.memory_space<vmem>>, vector<1x16xf32>,
        %get3A_841 = vector.shape_cast %get3A_840 : vector<1x16xf32> to vector<16xf32>
        %max3A_842 = arith.maximumf %max3A_802, %get3A_841 : vector<16xf32>
        %add3A_843 = arith.addf %add3A_803, %get3A_841 : vector<16xf32>
        %mul3A_844 = arith.mulf %get3A_841, %get3A_841 : vector<16xf32>
        %add3A_845 = arith.addf %add3A_805, %mul3A_844 : vector<16xf32>
        %add3A_846 = arith.constant 17 : i32
        %add3A_847 = arith.addi %mul3A_167, %add3A_846 : i32
        %get3A_848 = arith.index_cast %add3A_847 : i32 to index
        %get3A_849 = arith.constant 32 : index
        %get3A_850 = tpu.vector_load %arg10[%get3A_848, %get3A_849] {strides = array<i32>} : memref<640x64xf32, #tpu.memory_space<vmem>>, vector<1x16xf32>,
        %get3A_851 = vector.shape_cast %get3A_850 : vector<1x16xf32> to vector<16xf32>
        %max3A_852 = arith.maximumf %max3A_812, %get3A_851 : vector<16xf32>
        %add3A_853 = arith.addf %add3A_813, %get3A_851 : vector<16xf32>
        %mul3A_854 = arith.mulf %get3A_851, %get3A_851 : vector<16xf32>
        %add3A_855 = arith.addf %add3A_815, %mul3A_854 : vector<16xf32>
        %add3A_856 = arith.constant 17 : i32
        %add3A_857 = arith.addi %mul3A_167, %add3A_856 : i32
        %get3A_858 = arith.index_cast %add3A_857 : i32 to index
        %get3A_859 = arith.constant 48 : index
        %get3A_860 = tpu.vector_load %arg10[%get3A_858, %get3A_859] {strides = array<i32>} : memref<640x64xf32, #tpu.memory_space<vmem>>, vector<1x16xf32>,
        %get3A_861 = vector.shape_cast %get3A_860 : vector<1x16xf32> to vector<16xf32>
        %max3A_862 = arith.maximumf %max3A_822, %get3A_861 : vector<16xf32>
        %add3A_863 = arith.addf %add3A_823, %get3A_861 : vector<16xf32>
        %mul3A_864 = arith.mulf %get3A_861, %get3A_861 : vector<16xf32>
        %add3A_865 = arith.addf %add3A_825, %mul3A_864 : vector<16xf32>
        %add3A_866 = arith.constant 18 : i32
        %add3A_867 = arith.addi %mul3A_167, %add3A_866 : i32
        %get3A_868 = arith.index_cast %add3A_867 : i32 to index
        %get3A_869 = arith.constant 0 : index
        %get3A_870 = tpu.vector_load %arg10[%get3A_868, %get3A_869] {strides = array<i32>} : memref<640x64xf32, #tpu.memory_space<vmem>>, vector<1x16xf32>,
        %get3A_871 = vector.shape_cast %get3A_870 : vector<1x16xf32> to vector<16xf32>
        %max3A_872 = arith.maximumf %max3A_832, %get3A_871 : vector<16xf32>
        %add3A_873 = arith.addf %add3A_833, %get3A_871 : vector<16xf32>
        %mul3A_874 = arith.mulf %get3A_871, %get3A_871 : vector<16xf32>
        %add3A_875 = arith.addf %add3A_835, %mul3A_874 : vector<16xf32>
        %add3A_876 = arith.constant 18 : i32
        %add3A_877 = arith.addi %mul3A_167, %add3A_876 : i32
        %get3A_878 = arith.index_cast %add3A_877 : i32 to index
        %get3A_879 = arith.constant 16 : index
        %get3A_880 = tpu.vector_load %arg10[%get3A_878, %get3A_879] {strides = array<i32>} : memref<640x64xf32, #tpu.memory_space<vmem>>, vector<1x16xf32>,
        %get3A_881 = vector.shape_cast %get3A_880 : vector<1x16xf32> to vector<16xf32>
        %max3A_882 = arith.maximumf %max3A_842, %get3A_881 : vector<16xf32>
        %add3A_883 = arith.addf %add3A_843, %get3A_881 : vector<16xf32>
        %mul3A_884 = arith.mulf %get3A_881, %get3A_881 : vector<16xf32>
        %add3A_885 = arith.addf %add3A_845, %mul3A_884 : vector<16xf32>
        %add3A_886 = arith.constant 18 : i32
        %add3A_887 = arith.addi %mul3A_167, %add3A_886 : i32
        %get3A_888 = arith.index_cast %add3A_887 : i32 to index
        %get3A_889 = arith.constant 32 : index
        %get3A_890 = tpu.vector_load %arg10[%get3A_888, %get3A_889] {strides = array<i32>} : memref<640x64xf32, #tpu.memory_space<vmem>>, vector<1x16xf32>,
        %get3A_891 = vector.shape_cast %get3A_890 : vector<1x16xf32> to vector<16xf32>
        %max3A_892 = arith.maximumf %max3A_852, %get3A_891 : vector<16xf32>
        %add3A_893 = arith.addf %add3A_853, %get3A_891 : vector<16xf32>
        %mul3A_894 = arith.mulf %get3A_891, %get3A_891 : vector<16xf32>
        %add3A_895 = arith.addf %add3A_855, %mul3A_894 : vector<16xf32>
        %add3A_896 = arith.constant 18 : i32
        %add3A_897 = arith.addi %mul3A_167, %add3A_896 : i32
        %get3A_898 = arith.index_cast %add3A_897 : i32 to index
        %get3A_899 = arith.constant 48 : index
        %get3A_900 = tpu.vector_load %arg10[%get3A_898, %get3A_899] {strides = array<i32>} : memref<640x64xf32, #tpu.memory_space<vmem>>, vector<1x16xf32>,
        %get3A_901 = vector.shape_cast %get3A_900 : vector<1x16xf32> to vector<16xf32>
        %max3A_902 = arith.maximumf %max3A_862, %get3A_901 : vector<16xf32>
        %add3A_903 = arith.addf %add3A_863, %get3A_901 : vector<16xf32>
        %mul3A_904 = arith.mulf %get3A_901, %get3A_901 : vector<16xf32>
        %add3A_905 = arith.addf %add3A_865, %mul3A_904 : vector<16xf32>
        %add3A_906 = arith.constant 19 : i32
        %add3A_907 = arith.addi %mul3A_167, %add3A_906 : i32
        %get3A_908 = arith.index_cast %add3A_907 : i32 to index
        %get3A_909 = arith.constant 0 : index
        %get3A_910 = tpu.vector_load %arg10[%get3A_908, %get3A_909] {strides = array<i32>} : memref<640x64xf32, #tpu.memory_space<vmem>>, vector<1x16xf32>,
        %get3A_911 = vector.shape_cast %get3A_910 : vector<1x16xf32> to vector<16xf32>
        %max3A_912 = arith.maximumf %max3A_872, %get3A_911 : vector<16xf32>
        %add3A_913 = arith.addf %add3A_873, %get3A_911 : vector<16xf32>
        %mul3A_914 = arith.mulf %get3A_911, %get3A_911 : vector<16xf32>
        %add3A_915 = arith.addf %add3A_875, %mul3A_914 : vector<16xf32>
        %add3A_916 = arith.constant 19 : i32
        %add3A_917 = arith.addi %mul3A_167, %add3A_916 : i32
        %get3A_918 = arith.index_cast %add3A_917 : i32 to index
        %get3A_919 = arith.constant 16 : index
        %get3A_920 = tpu.vector_load %arg10[%get3A_918, %get3A_919] {strides = array<i32>} : memref<640x64xf32, #tpu.memory_space<vmem>>, vector<1x16xf32>,
        %get3A_921 = vector.shape_cast %get3A_920 : vector<1x16xf32> to vector<16xf32>
        %max3A_922 = arith.maximumf %max3A_882, %get3A_921 : vector<16xf32>
        %add3A_923 = arith.addf %add3A_883, %get3A_921 : vector<16xf32>
        %mul3A_924 = arith.mulf %get3A_921, %get3A_921 : vector<16xf32>
        %add3A_925 = arith.addf %add3A_885, %mul3A_924 : vector<16xf32>
        %add3A_926 = arith.constant 19 : i32
        %add3A_927 = arith.addi %mul3A_167, %add3A_926 : i32
        %get3A_928 = arith.index_cast %add3A_927 : i32 to index
        %get3A_929 = arith.constant 32 : index
        %get3A_930 = tpu.vector_load %arg10[%get3A_928, %get3A_929] {strides = array<i32>} : memref<640x64xf32, #tpu.memory_space<vmem>>, vector<1x16xf32>,
        %get3A_931 = vector.shape_cast %get3A_930 : vector<1x16xf32> to vector<16xf32>
        %max3A_932 = arith.maximumf %max3A_892, %get3A_931 : vector<16xf32>
        %add3A_933 = arith.addf %add3A_893, %get3A_931 : vector<16xf32>
        %mul3A_934 = arith.mulf %get3A_931, %get3A_931 : vector<16xf32>
        %add3A_935 = arith.addf %add3A_895, %mul3A_934 : vector<16xf32>
        %add3A_936 = arith.constant 19 : i32
        %add3A_937 = arith.addi %mul3A_167, %add3A_936 : i32
        %get3A_938 = arith.index_cast %add3A_937 : i32 to index
        %get3A_939 = arith.constant 48 : index
        %get3A_940 = tpu.vector_load %arg10[%get3A_938, %get3A_939] {strides = array<i32>} : memref<640x64xf32, #tpu.memory_space<vmem>>, vector<1x16xf32>,
        %get3A_941 = vector.shape_cast %get3A_940 : vector<1x16xf32> to vector<16xf32>
        %max3A_942 = arith.maximumf %max3A_902, %get3A_941 : vector<16xf32>
        %add3A_943 = arith.addf %add3A_903, %get3A_941 : vector<16xf32>
        %mul3A_944 = arith.mulf %get3A_941, %get3A_941 : vector<16xf32>
        %add3A_945 = arith.addf %add3A_905, %mul3A_944 : vector<16xf32>
        %swap3A_946 = arith.index_cast %scan3A_157 : i32 to index
        %swap3A_947 = arith.constant 0 : index
        %swap3A_948 = tpu.vector_load %arg14[%swap3A_946, %swap3A_947] {strides = array<i32>} : memref<32x64xf32, #tpu.memory_space<vmem>>, vector<1x16xf32>,
        %swap3A_949 = vector.shape_cast %swap3A_948 : vector<1x16xf32> to vector<16xf32>
        %swap3A_950 = vector.shape_cast %max3A_912 : vector<16xf32> to vector<1x16xf32>
        tpu.vector_store %arg14[%swap3A_946, %swap3A_947], %swap3A_950 {strides = array<i32>} : memref<32x64xf32, #tpu.memory_space<vmem>>, vector<1x16xf32>,
        %get3A_951 = arith.index_cast %scan3A_157 : i32 to index
        %get3A_952 = arith.constant 0 : index
        %get3A_953 = tpu.vector_load %arg12[%get3A_951, %get3A_952] {strides = array<i32>} : memref<32x64xf32, #tpu.memory_space<vmem>>, vector<1x16xf32>,
        %get3A_954 = vector.shape_cast %get3A_953 : vector<1x16xf32> to vector<16xf32>
        %mul3A_955 = arith.constant 2.000000e+01 : f32
        %mul3A_956 = vector.broadcast %mul3A_955 : f32 to vector<16xf32>
        %mul3A_957 = arith.mulf %mul3A_956, %get3A_954 : vector<16xf32>
        %add3A_958 = arith.addf %mul3A_957, %add3A_913 : vector<16xf32>
        %add3A_959 = arith.addf %scan3A_158, %add3A_958 : vector<16xf32>
        %mul3A_960 = arith.constant 2.000000e+01 : f32
        %mul3A_961 = vector.broadcast %mul3A_960 : f32 to vector<16xf32>
        %mul3A_962 = arith.mulf %mul3A_961, %get3A_954 : vector<16xf32>
        %mul3A_963 = arith.mulf %mul3A_962, %get3A_954 : vector<16xf32>
        %mul3A_964 = arith.constant 2.000000e+00 : f32
        %mul3A_965 = vector.broadcast %mul3A_964 : f32 to vector<16xf32>
        %mul3A_966 = arith.mulf %mul3A_965, %get3A_954 : vector<16xf32>
        %mul3A_967 = arith.mulf %mul3A_966, %add3A_913 : vector<16xf32>
        %add3A_968 = arith.addf %mul3A_963, %mul3A_967 : vector<16xf32>
        %add3A_969 = arith.addf %add3A_968, %add3A_915 : vector<16xf32>
        %add3A_970 = arith.addf %scan3A_162, %add3A_969 : vector<16xf32>
        %swap3A_971 = arith.index_cast %scan3A_157 : i32 to index
        %swap3A_972 = arith.constant 16 : index
        %swap3A_973 = tpu.vector_load %arg14[%swap3A_971, %swap3A_972] {strides = array<i32>} : memref<32x64xf32, #tpu.memory_space<vmem>>, vector<1x16xf32>,
        %swap3A_974 = vector.shape_cast %swap3A_973 : vector<1x16xf32> to vector<16xf32>
        %swap3A_975 = vector.shape_cast %max3A_922 : vector<16xf32> to vector<1x16xf32>
        tpu.vector_store %arg14[%swap3A_971, %swap3A_972], %swap3A_975 {strides = array<i32>} : memref<32x64xf32, #tpu.memory_space<vmem>>, vector<1x16xf32>,
        %get3A_976 = arith.index_cast %scan3A_157 : i32 to index
        %get3A_977 = arith.constant 16 : index
        %get3A_978 = tpu.vector_load %arg12[%get3A_976, %get3A_977] {strides = array<i32>} : memref<32x64xf32, #tpu.memory_space<vmem>>, vector<1x16xf32>,
        %get3A_979 = vector.shape_cast %get3A_978 : vector<1x16xf32> to vector<16xf32>
        %mul3A_980 = arith.constant 2.000000e+01 : f32
        %mul3A_981 = vector.broadcast %mul3A_980 : f32 to vector<16xf32>
        %mul3A_982 = arith.mulf %mul3A_981, %get3A_979 : vector<16xf32>
        %add3A_983 = arith.addf %mul3A_982, %add3A_923 : vector<16xf32>
        %add3A_984 = arith.addf %scan3A_159, %add3A_983 : vector<16xf32>
        %mul3A_985 = arith.constant 2.000000e+01 : f32
        %mul3A_986 = vector.broadcast %mul3A_985 : f32 to vector<16xf32>
        %mul3A_987 = arith.mulf %mul3A_986, %get3A_979 : vector<16xf32>
        %mul3A_988 = arith.mulf %mul3A_987, %get3A_979 : vector<16xf32>
        %mul3A_989 = arith.constant 2.000000e+00 : f32
        %mul3A_990 = vector.broadcast %mul3A_989 : f32 to vector<16xf32>
        %mul3A_991 = arith.mulf %mul3A_990, %get3A_979 : vector<16xf32>
        %mul3A_992 = arith.mulf %mul3A_991, %add3A_923 : vector<16xf32>
        %add3A_993 = arith.addf %mul3A_988, %mul3A_992 : vector<16xf32>
        %add3A_994 = arith.addf %add3A_993, %add3A_925 : vector<16xf32>
        %add3A_995 = arith.addf %scan3A_163, %add3A_994 : vector<16xf32>
        %swap3A_996 = arith.index_cast %scan3A_157 : i32 to index
        %swap3A_997 = arith.constant 32 : index
        %swap3A_998 = tpu.vector_load %arg14[%swap3A_996, %swap3A_997] {strides = array<i32>} : memref<32x64xf32, #tpu.memory_space<vmem>>, vector<1x16xf32>,
        %swap3A_999 = vector.shape_cast %swap3A_998 : vector<1x16xf32> to vector<16xf32>
        %swap3A_1000 = vector.shape_cast %max3A_932 : vector<16xf32> to vector<1x16xf32>
        tpu.vector_store %arg14[%swap3A_996, %swap3A_997], %swap3A_1000 {strides = array<i32>} : memref<32x64xf32, #tpu.memory_space<vmem>>, vector<1x16xf32>,
        %get3A_1001 = arith.index_cast %scan3A_157 : i32 to index
        %get3A_1002 = arith.constant 32 : index
        %get3A_1003 = tpu.vector_load %arg12[%get3A_1001, %get3A_1002] {strides = array<i32>} : memref<32x64xf32, #tpu.memory_space<vmem>>, vector<1x16xf32>,
        %get3A_1004 = vector.shape_cast %get3A_1003 : vector<1x16xf32> to vector<16xf32>
        %mul3A_1005 = arith.constant 2.000000e+01 : f32
        %mul3A_1006 = vector.broadcast %mul3A_1005 : f32 to vector<16xf32>
        %mul3A_1007 = arith.mulf %mul3A_1006, %get3A_1004 : vector<16xf32>
        %add3A_1008 = arith.addf %mul3A_1007, %add3A_933 : vector<16xf32>
        %add3A_1009 = arith.addf %scan3A_160, %add3A_1008 : vector<16xf32>
        %mul3A_1010 = arith.constant 2.000000e+01 : f32
        %mul3A_1011 = vector.broadcast %mul3A_1010 : f32 to vector<16xf32>
        %mul3A_1012 = arith.mulf %mul3A_1011, %get3A_1004 : vector<16xf32>
        %mul3A_1013 = arith.mulf %mul3A_1012, %get3A_1004 : vector<16xf32>
        %mul3A_1014 = arith.constant 2.000000e+00 : f32
        %mul3A_1015 = vector.broadcast %mul3A_1014 : f32 to vector<16xf32>
        %mul3A_1016 = arith.mulf %mul3A_1015, %get3A_1004 : vector<16xf32>
        %mul3A_1017 = arith.mulf %mul3A_1016, %add3A_933 : vector<16xf32>
        %add3A_1018 = arith.addf %mul3A_1013, %mul3A_1017 : vector<16xf32>
        %add3A_1019 = arith.addf %add3A_1018, %add3A_935 : vector<16xf32>
        %add3A_1020 = arith.addf %scan3A_164, %add3A_1019 : vector<16xf32>
        %swap3A_1021 = arith.index_cast %scan3A_157 : i32 to index
        %swap3A_1022 = arith.constant 48 : index
        %swap3A_1023 = tpu.vector_load %arg14[%swap3A_1021, %swap3A_1022] {strides = array<i32>} : memref<32x64xf32, #tpu.memory_space<vmem>>, vector<1x16xf32>,
        %swap3A_1024 = vector.shape_cast %swap3A_1023 : vector<1x16xf32> to vector<16xf32>
        %swap3A_1025 = vector.shape_cast %max3A_942 : vector<16xf32> to vector<1x16xf32>
        tpu.vector_store %arg14[%swap3A_1021, %swap3A_1022], %swap3A_1025 {strides = array<i32>} : memref<32x64xf32, #tpu.memory_space<vmem>>, vector<1x16xf32>,
        %get3A_1026 = arith.index_cast %scan3A_157 : i32 to index
        %get3A_1027 = arith.constant 48 : index
        %get3A_1028 = tpu.vector_load %arg12[%get3A_1026, %get3A_1027] {strides = array<i32>} : memref<32x64xf32, #tpu.memory_space<vmem>>, vector<1x16xf32>,
        %get3A_1029 = vector.shape_cast %get3A_1028 : vector<1x16xf32> to vector<16xf32>
        %mul3A_1030 = arith.constant 2.000000e+01 : f32
        %mul3A_1031 = vector.broadcast %mul3A_1030 : f32 to vector<16xf32>
        %mul3A_1032 = arith.mulf %mul3A_1031, %get3A_1029 : vector<16xf32>
        %add3A_1033 = arith.addf %mul3A_1032, %add3A_943 : vector<16xf32>
        %add3A_1034 = arith.addf %scan3A_161, %add3A_1033 : vector<16xf32>
        %mul3A_1035 = arith.constant 2.000000e+01 : f32
        %mul3A_1036 = vector.broadcast %mul3A_1035 : f32 to vector<16xf32>
        %mul3A_1037 = arith.mulf %mul3A_1036, %get3A_1029 : vector<16xf32>
        %mul3A_1038 = arith.mulf %mul3A_1037, %get3A_1029 : vector<16xf32>
        %mul3A_1039 = arith.constant 2.000000e+00 : f32
        %mul3A_1040 = vector.broadcast %mul3A_1039 : f32 to vector<16xf32>
        %mul3A_1041 = arith.mulf %mul3A_1040, %get3A_1029 : vector<16xf32>
        %mul3A_1042 = arith.mulf %mul3A_1041, %add3A_943 : vector<16xf32>
        %add3A_1043 = arith.addf %mul3A_1038, %mul3A_1042 : vector<16xf32>
        %add3A_1044 = arith.addf %add3A_1043, %add3A_945 : vector<16xf32>
        %add3A_1045 = arith.addf %scan3A_165, %add3A_1044 : vector<16xf32>
        scf.yield %add3A_959, %add3A_984, %add3A_1009, %add3A_1034, %add3A_970, %add3A_995, %add3A_1020, %add3A_1045 : vector<16xf32>, vector<16xf32>, vector<16xf32>, vector<16xf32>, vector<16xf32>, vector<16xf32>, vector<16xf32>, vector<16xf32>
      }
      %scan3A_114 = arith.constant 32 : i32
      %dma_start3A_115 = arith.constant 0 : i32
      %dma_start3A_116 = tpu.memref_slice %arg5[%add3A_91, %dma_start3A_115] : memref<16384x64xf32, #tpu.memory_space<hbm>> -> memref<32x64xf32, #tpu.memory_space<hbm>>
      %dma_start3A_117 = arith.constant 0 : i32
      %dma_start3A_118 = tpu.memref_slice %arg5[%add3A_91, %dma_start3A_117] : memref<16384x64xf32, #tpu.memory_space<hbm>> -> memref<32x64xf32, #tpu.memory_space<hbm>>
      tpu.enqueue_dma source(%arg14 : memref<32x64xf32, #tpu.memory_space<vmem>>) target(%dma_start3A_118 : memref<32x64xf32, #tpu.memory_space<hbm>>) target_semaphore(%arg19 : memref<!tpu.dma_semaphore, #tpu.memory_space<semaphore_mem>>)
      %mul3A_119 = arith.constant 2 : i32
      %mul3A_120 = arith.muli %scan3A_76, %mul3A_119 : i32
      %add3A_121 = arith.constant 1 : i32
      %add3A_122 = arith.addi %mul3A_120, %add3A_121 : i32
      %mul3A_123 = arith.constant 32 : i32
      %mul3A_124 = arith.muli %add3A_122, %mul3A_123 : i32
      %add3A_125 = arith.addi %mul3A_2, %mul3A_124 : i32
      %add3A_126 = arith.constant 1 : i32
      %add3A_127 = arith.addi %add3A_122, %add3A_126 : i32
      %lt3A_128 = arith.constant 16 : i32
      %lt3A_129 = arith.cmpi slt, %add3A_127, %lt3A_128 : i32
      %convert_element_type3A_130 = arith.extui %lt3A_129 : i1 to i32
      %cond3A_131 = arith.constant 0 : i32
      %cond3A_132 = arith.cmpi ne, %convert_element_type3A_130, %cond3A_131 : i32
      scf.if %cond3A_132 {
        %add3A_157 = arith.constant 32 : i32
        %add3A_158 = arith.addi %add3A_125, %add3A_157 : i32
        %mul3A_159 = arith.constant 20 : i32
        %mul3A_160 = arith.muli %add3A_158, %mul3A_159 : i32
        "tpu.region"() ({
          %run_scoped3A_170 = tpu.sem_alloc : memref<!tpu.dma_semaphore, #tpu.memory_space<semaphore_mem>>
          %dma_start3A_171 = tpu.memref_slice %arg2[%mul3A_160] : memref<327680xi32, #tpu.memory_space<hbm>> -> memref<640xi32, #tpu.memory_space<hbm>>
          %dma_start3A_172 = tpu.memref_slice %arg2[%mul3A_160] : memref<327680xi32, #tpu.memory_space<hbm>> -> memref<640xi32, #tpu.memory_space<hbm>>
          tpu.enqueue_dma source(%dma_start3A_172 : memref<640xi32, #tpu.memory_space<hbm>>) target(%arg8 : memref<640xi32, #tpu.memory_space<vmem>>) target_semaphore(%run_scoped3A_170 : memref<!tpu.dma_semaphore, #tpu.memory_space<semaphore_mem>>)
          %dma_wait3A_173 = tpu.memref_slice %arg2[%mul3A_160] : memref<327680xi32, #tpu.memory_space<hbm>> -> memref<640xi32, #tpu.memory_space<hbm>>
          %dma_wait3A_174 = tpu.memref_slice %arg2[%mul3A_160] : memref<327680xi32, #tpu.memory_space<hbm>> -> memref<640xi32, #tpu.memory_space<hbm>>
          tpu.wait_dma2 semaphore(%run_scoped3A_170 : memref<!tpu.dma_semaphore, #tpu.memory_space<semaphore_mem>>) src(%dma_wait3A_174 : memref<640xi32, #tpu.memory_space<hbm>>) dst(%arg8 : memref<640xi32, #tpu.memory_space<vmem>>)
          tpu.yield
        }) : () -> ()
        %dma_start3A_161 = arith.constant 0 : i32
        %dma_start3A_162 = arith.constant 0 : i32
        %dma_start3A_163 = tpu.memref_slice %arg3[%dma_start3A_161, %dma_start3A_162] : memref<16384x64xf32, #tpu.memory_space<hbm>> -> memref<16384x64xf32, #tpu.memory_space<hbm>>
        tpu.enqueue_indirect_dma source(%dma_start3A_163 : memref<16384x64xf32, #tpu.memory_space<hbm>>) target(%arg10 : memref<640x64xf32, #tpu.memory_space<vmem>>) offsets(%arg8 : memref<640xi32, #tpu.memory_space<vmem>>) semaphore(%arg17 : memref<!tpu.dma_semaphore, #tpu.memory_space<semaphore_mem>>)
        %add3A_164 = arith.constant 32 : i32
        %add3A_165 = arith.addi %add3A_125, %add3A_164 : i32
        %dma_start3A_166 = arith.constant 0 : i32
        %dma_start3A_167 = tpu.memref_slice %arg4[%add3A_165, %dma_start3A_166] : memref<16384x64xf32, #tpu.memory_space<hbm>> -> memref<32x64xf32, #tpu.memory_space<hbm>>
        %dma_start3A_168 = arith.constant 0 : i32
        %dma_start3A_169 = tpu.memref_slice %arg4[%add3A_165, %dma_start3A_168] : memref<16384x64xf32, #tpu.memory_space<hbm>> -> memref<32x64xf32, #tpu.memory_space<hbm>>
        tpu.enqueue_dma source(%dma_start3A_169 : memref<32x64xf32, #tpu.memory_space<hbm>>) target(%arg12 : memref<32x64xf32, #tpu.memory_space<vmem>>) target_semaphore(%arg17 : memref<!tpu.dma_semaphore, #tpu.memory_space<semaphore_mem>>)
      } else {
      }
      %dma_wait3A_133 = arith.constant 0 : i32
      %dma_wait3A_134 = arith.constant 0 : i32
      %dma_wait3A_135 = tpu.memref_slice %arg3[%dma_wait3A_133, %dma_wait3A_134] : memref<16384x64xf32, #tpu.memory_space<hbm>> -> memref<16384x64xf32, #tpu.memory_space<hbm>>
      tpu.wait_indirect_dma semaphore(%arg18 : memref<!tpu.dma_semaphore, #tpu.memory_space<semaphore_mem>>) src(%dma_wait3A_135 : memref<16384x64xf32, #tpu.memory_space<hbm>>) dst(%arg11 : memref<640x64xf32, #tpu.memory_space<vmem>>)
      %dma_wait3A_136 = arith.constant 0 : i32
      %dma_wait3A_137 = arith.constant 0 : i32
      %dma_wait3A_138 = tpu.memref_slice %arg4[%dma_wait3A_136, %dma_wait3A_137] : memref<16384x64xf32, #tpu.memory_space<hbm>> -> memref<32x64xf32, #tpu.memory_space<hbm>>
      %dma_wait3A_139 = arith.constant 0 : i32
      %dma_wait3A_140 = arith.constant 0 : i32
      %dma_wait3A_141 = tpu.memref_slice %arg4[%dma_wait3A_139, %dma_wait3A_140] : memref<16384x64xf32, #tpu.memory_space<hbm>> -> memref<32x64xf32, #tpu.memory_space<hbm>>
      tpu.wait_dma2 semaphore(%arg18 : memref<!tpu.dma_semaphore, #tpu.memory_space<semaphore_mem>>) src(%dma_wait3A_141 : memref<32x64xf32, #tpu.memory_space<hbm>>) dst(%arg13 : memref<32x64xf32, #tpu.memory_space<vmem>>)
      %ge3A_142 = arith.constant 2 : i32
      %ge3A_143 = arith.cmpi sge, %add3A_122, %ge3A_142 : i32
      %convert_element_type3A_144 = arith.extui %ge3A_143 : i1 to i32
      %cond3A_145 = arith.constant 0 : i32
      %cond3A_146 = arith.cmpi ne, %convert_element_type3A_144, %cond3A_145 : i32
      scf.if %cond3A_146 {
        %dma_wait3A_157 = arith.constant 0 : i32
        %dma_wait3A_158 = arith.constant 0 : i32
        %dma_wait3A_159 = tpu.memref_slice %arg5[%dma_wait3A_157, %dma_wait3A_158] : memref<16384x64xf32, #tpu.memory_space<hbm>> -> memref<32x64xf32, #tpu.memory_space<hbm>>
        %dma_wait3A_160 = arith.constant 0 : i32
        %dma_wait3A_161 = arith.constant 0 : i32
        %dma_wait3A_162 = tpu.memref_slice %arg5[%dma_wait3A_160, %dma_wait3A_161] : memref<16384x64xf32, #tpu.memory_space<hbm>> -> memref<32x64xf32, #tpu.memory_space<hbm>>
        tpu.wait_dma2 semaphore(%arg20 : memref<!tpu.dma_semaphore, #tpu.memory_space<semaphore_mem>>) src(%dma_wait3A_162 : memref<32x64xf32, #tpu.memory_space<hbm>>) dst(%arg15 : memref<32x64xf32, #tpu.memory_space<vmem>>)
      } else {
      }
      %scan3A_147 = arith.constant 0 : i32
      %scan3A_148 = arith.constant 32 : i32
      %scan3A_149 = arith.addi %scan3A_147, %scan3A_148 : i32
      %scan3A_150 = arith.constant 1 : i32
      %scan3A_151:8 = scf.for %scan3A_157 = %scan3A_147 to %scan3A_149 step %scan3A_150 iter_args(%scan3A_158 = %scan3A_113#0, %scan3A_159 = %scan3A_113#1, %scan3A_160 = %scan3A_113#2, %scan3A_161 = %scan3A_113#3, %scan3A_162 = %scan3A_113#4, %scan3A_163 = %scan3A_113#5, %scan3A_164 = %scan3A_113#6, %scan3A_165 = %scan3A_113#7) -> (vector<16xf32>, vector<16xf32>, vector<16xf32>, vector<16xf32>, vector<16xf32>, vector<16xf32>, vector<16xf32>, vector<16xf32>)  : i32 {
        %mul3A_166 = arith.constant 20 : i32
        %mul3A_167 = arith.muli %scan3A_157, %mul3A_166 : i32
        %get3A = arith.index_cast %mul3A_167 : i32 to index
        %get3A_168 = arith.constant 0 : index
        %get3A_169 = tpu.vector_load %arg11[%get3A, %get3A_168] {strides = array<i32>} : memref<640x64xf32, #tpu.memory_space<vmem>>, vector<1x16xf32>,
        %get3A_170 = vector.shape_cast %get3A_169 : vector<1x16xf32> to vector<16xf32>
        %get3A_171 = arith.index_cast %mul3A_167 : i32 to index
        %get3A_172 = arith.constant 16 : index
        %get3A_173 = tpu.vector_load %arg11[%get3A_171, %get3A_172] {strides = array<i32>} : memref<640x64xf32, #tpu.memory_space<vmem>>, vector<1x16xf32>,
        %get3A_174 = vector.shape_cast %get3A_173 : vector<1x16xf32> to vector<16xf32>
        %get3A_175 = arith.index_cast %mul3A_167 : i32 to index
        %get3A_176 = arith.constant 32 : index
        %get3A_177 = tpu.vector_load %arg11[%get3A_175, %get3A_176] {strides = array<i32>} : memref<640x64xf32, #tpu.memory_space<vmem>>, vector<1x16xf32>,
        %get3A_178 = vector.shape_cast %get3A_177 : vector<1x16xf32> to vector<16xf32>
        %get3A_179 = arith.index_cast %mul3A_167 : i32 to index
        %get3A_180 = arith.constant 48 : index
        %get3A_181 = tpu.vector_load %arg11[%get3A_179, %get3A_180] {strides = array<i32>} : memref<640x64xf32, #tpu.memory_space<vmem>>, vector<1x16xf32>,
        %get3A_182 = vector.shape_cast %get3A_181 : vector<1x16xf32> to vector<16xf32>
        %mul3A_183 = arith.mulf %get3A_170, %get3A_170 : vector<16xf32>
        %mul3A_184 = arith.mulf %get3A_174, %get3A_174 : vector<16xf32>
        %mul3A_185 = arith.mulf %get3A_178, %get3A_178 : vector<16xf32>
        %mul3A_186 = arith.mulf %get3A_182, %get3A_182 : vector<16xf32>
        %add3A_187 = arith.constant 1 : i32
        %add3A_188 = arith.addi %mul3A_167, %add3A_187 : i32
        %get3A_189 = arith.index_cast %add3A_188 : i32 to index
        %get3A_190 = arith.constant 0 : index
        %get3A_191 = tpu.vector_load %arg11[%get3A_189, %get3A_190] {strides = array<i32>} : memref<640x64xf32, #tpu.memory_space<vmem>>, vector<1x16xf32>,
        %get3A_192 = vector.shape_cast %get3A_191 : vector<1x16xf32> to vector<16xf32>
        %max3A = arith.maximumf %get3A_170, %get3A_192 : vector<16xf32>
        %add3A_193 = arith.addf %get3A_170, %get3A_192 : vector<16xf32>
        %mul3A_194 = arith.mulf %get3A_192, %get3A_192 : vector<16xf32>
        %add3A_195 = arith.addf %mul3A_183, %mul3A_194 : vector<16xf32>
        %add3A_196 = arith.constant 1 : i32
        %add3A_197 = arith.addi %mul3A_167, %add3A_196 : i32
        %get3A_198 = arith.index_cast %add3A_197 : i32 to index
        %get3A_199 = arith.constant 16 : index
        %get3A_200 = tpu.vector_load %arg11[%get3A_198, %get3A_199] {strides = array<i32>} : memref<640x64xf32, #tpu.memory_space<vmem>>, vector<1x16xf32>,
        %get3A_201 = vector.shape_cast %get3A_200 : vector<1x16xf32> to vector<16xf32>
        %max3A_202 = arith.maximumf %get3A_174, %get3A_201 : vector<16xf32>
        %add3A_203 = arith.addf %get3A_174, %get3A_201 : vector<16xf32>
        %mul3A_204 = arith.mulf %get3A_201, %get3A_201 : vector<16xf32>
        %add3A_205 = arith.addf %mul3A_184, %mul3A_204 : vector<16xf32>
        %add3A_206 = arith.constant 1 : i32
        %add3A_207 = arith.addi %mul3A_167, %add3A_206 : i32
        %get3A_208 = arith.index_cast %add3A_207 : i32 to index
        %get3A_209 = arith.constant 32 : index
        %get3A_210 = tpu.vector_load %arg11[%get3A_208, %get3A_209] {strides = array<i32>} : memref<640x64xf32, #tpu.memory_space<vmem>>, vector<1x16xf32>,
        %get3A_211 = vector.shape_cast %get3A_210 : vector<1x16xf32> to vector<16xf32>
        %max3A_212 = arith.maximumf %get3A_178, %get3A_211 : vector<16xf32>
        %add3A_213 = arith.addf %get3A_178, %get3A_211 : vector<16xf32>
        %mul3A_214 = arith.mulf %get3A_211, %get3A_211 : vector<16xf32>
        %add3A_215 = arith.addf %mul3A_185, %mul3A_214 : vector<16xf32>
        %add3A_216 = arith.constant 1 : i32
        %add3A_217 = arith.addi %mul3A_167, %add3A_216 : i32
        %get3A_218 = arith.index_cast %add3A_217 : i32 to index
        %get3A_219 = arith.constant 48 : index
        %get3A_220 = tpu.vector_load %arg11[%get3A_218, %get3A_219] {strides = array<i32>} : memref<640x64xf32, #tpu.memory_space<vmem>>, vector<1x16xf32>,
        %get3A_221 = vector.shape_cast %get3A_220 : vector<1x16xf32> to vector<16xf32>
        %max3A_222 = arith.maximumf %get3A_182, %get3A_221 : vector<16xf32>
        %add3A_223 = arith.addf %get3A_182, %get3A_221 : vector<16xf32>
        %mul3A_224 = arith.mulf %get3A_221, %get3A_221 : vector<16xf32>
        %add3A_225 = arith.addf %mul3A_186, %mul3A_224 : vector<16xf32>
        %add3A_226 = arith.constant 2 : i32
        %add3A_227 = arith.addi %mul3A_167, %add3A_226 : i32
        %get3A_228 = arith.index_cast %add3A_227 : i32 to index
        %get3A_229 = arith.constant 0 : index
        %get3A_230 = tpu.vector_load %arg11[%get3A_228, %get3A_229] {strides = array<i32>} : memref<640x64xf32, #tpu.memory_space<vmem>>, vector<1x16xf32>,
        %get3A_231 = vector.shape_cast %get3A_230 : vector<1x16xf32> to vector<16xf32>
        %max3A_232 = arith.maximumf %max3A, %get3A_231 : vector<16xf32>
        %add3A_233 = arith.addf %add3A_193, %get3A_231 : vector<16xf32>
        %mul3A_234 = arith.mulf %get3A_231, %get3A_231 : vector<16xf32>
        %add3A_235 = arith.addf %add3A_195, %mul3A_234 : vector<16xf32>
        %add3A_236 = arith.constant 2 : i32
        %add3A_237 = arith.addi %mul3A_167, %add3A_236 : i32
        %get3A_238 = arith.index_cast %add3A_237 : i32 to index
        %get3A_239 = arith.constant 16 : index
        %get3A_240 = tpu.vector_load %arg11[%get3A_238, %get3A_239] {strides = array<i32>} : memref<640x64xf32, #tpu.memory_space<vmem>>, vector<1x16xf32>,
        %get3A_241 = vector.shape_cast %get3A_240 : vector<1x16xf32> to vector<16xf32>
        %max3A_242 = arith.maximumf %max3A_202, %get3A_241 : vector<16xf32>
        %add3A_243 = arith.addf %add3A_203, %get3A_241 : vector<16xf32>
        %mul3A_244 = arith.mulf %get3A_241, %get3A_241 : vector<16xf32>
        %add3A_245 = arith.addf %add3A_205, %mul3A_244 : vector<16xf32>
        %add3A_246 = arith.constant 2 : i32
        %add3A_247 = arith.addi %mul3A_167, %add3A_246 : i32
        %get3A_248 = arith.index_cast %add3A_247 : i32 to index
        %get3A_249 = arith.constant 32 : index
        %get3A_250 = tpu.vector_load %arg11[%get3A_248, %get3A_249] {strides = array<i32>} : memref<640x64xf32, #tpu.memory_space<vmem>>, vector<1x16xf32>,
        %get3A_251 = vector.shape_cast %get3A_250 : vector<1x16xf32> to vector<16xf32>
        %max3A_252 = arith.maximumf %max3A_212, %get3A_251 : vector<16xf32>
        %add3A_253 = arith.addf %add3A_213, %get3A_251 : vector<16xf32>
        %mul3A_254 = arith.mulf %get3A_251, %get3A_251 : vector<16xf32>
        %add3A_255 = arith.addf %add3A_215, %mul3A_254 : vector<16xf32>
        %add3A_256 = arith.constant 2 : i32
        %add3A_257 = arith.addi %mul3A_167, %add3A_256 : i32
        %get3A_258 = arith.index_cast %add3A_257 : i32 to index
        %get3A_259 = arith.constant 48 : index
        %get3A_260 = tpu.vector_load %arg11[%get3A_258, %get3A_259] {strides = array<i32>} : memref<640x64xf32, #tpu.memory_space<vmem>>, vector<1x16xf32>,
        %get3A_261 = vector.shape_cast %get3A_260 : vector<1x16xf32> to vector<16xf32>
        %max3A_262 = arith.maximumf %max3A_222, %get3A_261 : vector<16xf32>
        %add3A_263 = arith.addf %add3A_223, %get3A_261 : vector<16xf32>
        %mul3A_264 = arith.mulf %get3A_261, %get3A_261 : vector<16xf32>
        %add3A_265 = arith.addf %add3A_225, %mul3A_264 : vector<16xf32>
        %add3A_266 = arith.constant 3 : i32
        %add3A_267 = arith.addi %mul3A_167, %add3A_266 : i32
        %get3A_268 = arith.index_cast %add3A_267 : i32 to index
        %get3A_269 = arith.constant 0 : index
        %get3A_270 = tpu.vector_load %arg11[%get3A_268, %get3A_269] {strides = array<i32>} : memref<640x64xf32, #tpu.memory_space<vmem>>, vector<1x16xf32>,
        %get3A_271 = vector.shape_cast %get3A_270 : vector<1x16xf32> to vector<16xf32>
        %max3A_272 = arith.maximumf %max3A_232, %get3A_271 : vector<16xf32>
        %add3A_273 = arith.addf %add3A_233, %get3A_271 : vector<16xf32>
        %mul3A_274 = arith.mulf %get3A_271, %get3A_271 : vector<16xf32>
        %add3A_275 = arith.addf %add3A_235, %mul3A_274 : vector<16xf32>
        %add3A_276 = arith.constant 3 : i32
        %add3A_277 = arith.addi %mul3A_167, %add3A_276 : i32
        %get3A_278 = arith.index_cast %add3A_277 : i32 to index
        %get3A_279 = arith.constant 16 : index
        %get3A_280 = tpu.vector_load %arg11[%get3A_278, %get3A_279] {strides = array<i32>} : memref<640x64xf32, #tpu.memory_space<vmem>>, vector<1x16xf32>,
        %get3A_281 = vector.shape_cast %get3A_280 : vector<1x16xf32> to vector<16xf32>
        %max3A_282 = arith.maximumf %max3A_242, %get3A_281 : vector<16xf32>
        %add3A_283 = arith.addf %add3A_243, %get3A_281 : vector<16xf32>
        %mul3A_284 = arith.mulf %get3A_281, %get3A_281 : vector<16xf32>
        %add3A_285 = arith.addf %add3A_245, %mul3A_284 : vector<16xf32>
        %add3A_286 = arith.constant 3 : i32
        %add3A_287 = arith.addi %mul3A_167, %add3A_286 : i32
        %get3A_288 = arith.index_cast %add3A_287 : i32 to index
        %get3A_289 = arith.constant 32 : index
        %get3A_290 = tpu.vector_load %arg11[%get3A_288, %get3A_289] {strides = array<i32>} : memref<640x64xf32, #tpu.memory_space<vmem>>, vector<1x16xf32>,
        %get3A_291 = vector.shape_cast %get3A_290 : vector<1x16xf32> to vector<16xf32>
        %max3A_292 = arith.maximumf %max3A_252, %get3A_291 : vector<16xf32>
        %add3A_293 = arith.addf %add3A_253, %get3A_291 : vector<16xf32>
        %mul3A_294 = arith.mulf %get3A_291, %get3A_291 : vector<16xf32>
        %add3A_295 = arith.addf %add3A_255, %mul3A_294 : vector<16xf32>
        %add3A_296 = arith.constant 3 : i32
        %add3A_297 = arith.addi %mul3A_167, %add3A_296 : i32
        %get3A_298 = arith.index_cast %add3A_297 : i32 to index
        %get3A_299 = arith.constant 48 : index
        %get3A_300 = tpu.vector_load %arg11[%get3A_298, %get3A_299] {strides = array<i32>} : memref<640x64xf32, #tpu.memory_space<vmem>>, vector<1x16xf32>,
        %get3A_301 = vector.shape_cast %get3A_300 : vector<1x16xf32> to vector<16xf32>
        %max3A_302 = arith.maximumf %max3A_262, %get3A_301 : vector<16xf32>
        %add3A_303 = arith.addf %add3A_263, %get3A_301 : vector<16xf32>
        %mul3A_304 = arith.mulf %get3A_301, %get3A_301 : vector<16xf32>
        %add3A_305 = arith.addf %add3A_265, %mul3A_304 : vector<16xf32>
        %add3A_306 = arith.constant 4 : i32
        %add3A_307 = arith.addi %mul3A_167, %add3A_306 : i32
        %get3A_308 = arith.index_cast %add3A_307 : i32 to index
        %get3A_309 = arith.constant 0 : index
        %get3A_310 = tpu.vector_load %arg11[%get3A_308, %get3A_309] {strides = array<i32>} : memref<640x64xf32, #tpu.memory_space<vmem>>, vector<1x16xf32>,
        %get3A_311 = vector.shape_cast %get3A_310 : vector<1x16xf32> to vector<16xf32>
        %max3A_312 = arith.maximumf %max3A_272, %get3A_311 : vector<16xf32>
        %add3A_313 = arith.addf %add3A_273, %get3A_311 : vector<16xf32>
        %mul3A_314 = arith.mulf %get3A_311, %get3A_311 : vector<16xf32>
        %add3A_315 = arith.addf %add3A_275, %mul3A_314 : vector<16xf32>
        %add3A_316 = arith.constant 4 : i32
        %add3A_317 = arith.addi %mul3A_167, %add3A_316 : i32
        %get3A_318 = arith.index_cast %add3A_317 : i32 to index
        %get3A_319 = arith.constant 16 : index
        %get3A_320 = tpu.vector_load %arg11[%get3A_318, %get3A_319] {strides = array<i32>} : memref<640x64xf32, #tpu.memory_space<vmem>>, vector<1x16xf32>,
        %get3A_321 = vector.shape_cast %get3A_320 : vector<1x16xf32> to vector<16xf32>
        %max3A_322 = arith.maximumf %max3A_282, %get3A_321 : vector<16xf32>
        %add3A_323 = arith.addf %add3A_283, %get3A_321 : vector<16xf32>
        %mul3A_324 = arith.mulf %get3A_321, %get3A_321 : vector<16xf32>
        %add3A_325 = arith.addf %add3A_285, %mul3A_324 : vector<16xf32>
        %add3A_326 = arith.constant 4 : i32
        %add3A_327 = arith.addi %mul3A_167, %add3A_326 : i32
        %get3A_328 = arith.index_cast %add3A_327 : i32 to index
        %get3A_329 = arith.constant 32 : index
        %get3A_330 = tpu.vector_load %arg11[%get3A_328, %get3A_329] {strides = array<i32>} : memref<640x64xf32, #tpu.memory_space<vmem>>, vector<1x16xf32>,
        %get3A_331 = vector.shape_cast %get3A_330 : vector<1x16xf32> to vector<16xf32>
        %max3A_332 = arith.maximumf %max3A_292, %get3A_331 : vector<16xf32>
        %add3A_333 = arith.addf %add3A_293, %get3A_331 : vector<16xf32>
        %mul3A_334 = arith.mulf %get3A_331, %get3A_331 : vector<16xf32>
        %add3A_335 = arith.addf %add3A_295, %mul3A_334 : vector<16xf32>
        %add3A_336 = arith.constant 4 : i32
        %add3A_337 = arith.addi %mul3A_167, %add3A_336 : i32
        %get3A_338 = arith.index_cast %add3A_337 : i32 to index
        %get3A_339 = arith.constant 48 : index
        %get3A_340 = tpu.vector_load %arg11[%get3A_338, %get3A_339] {strides = array<i32>} : memref<640x64xf32, #tpu.memory_space<vmem>>, vector<1x16xf32>,
        %get3A_341 = vector.shape_cast %get3A_340 : vector<1x16xf32> to vector<16xf32>
        %max3A_342 = arith.maximumf %max3A_302, %get3A_341 : vector<16xf32>
        %add3A_343 = arith.addf %add3A_303, %get3A_341 : vector<16xf32>
        %mul3A_344 = arith.mulf %get3A_341, %get3A_341 : vector<16xf32>
        %add3A_345 = arith.addf %add3A_305, %mul3A_344 : vector<16xf32>
        %add3A_346 = arith.constant 5 : i32
        %add3A_347 = arith.addi %mul3A_167, %add3A_346 : i32
        %get3A_348 = arith.index_cast %add3A_347 : i32 to index
        %get3A_349 = arith.constant 0 : index
        %get3A_350 = tpu.vector_load %arg11[%get3A_348, %get3A_349] {strides = array<i32>} : memref<640x64xf32, #tpu.memory_space<vmem>>, vector<1x16xf32>,
        %get3A_351 = vector.shape_cast %get3A_350 : vector<1x16xf32> to vector<16xf32>
        %max3A_352 = arith.maximumf %max3A_312, %get3A_351 : vector<16xf32>
        %add3A_353 = arith.addf %add3A_313, %get3A_351 : vector<16xf32>
        %mul3A_354 = arith.mulf %get3A_351, %get3A_351 : vector<16xf32>
        %add3A_355 = arith.addf %add3A_315, %mul3A_354 : vector<16xf32>
        %add3A_356 = arith.constant 5 : i32
        %add3A_357 = arith.addi %mul3A_167, %add3A_356 : i32
        %get3A_358 = arith.index_cast %add3A_357 : i32 to index
        %get3A_359 = arith.constant 16 : index
        %get3A_360 = tpu.vector_load %arg11[%get3A_358, %get3A_359] {strides = array<i32>} : memref<640x64xf32, #tpu.memory_space<vmem>>, vector<1x16xf32>,
        %get3A_361 = vector.shape_cast %get3A_360 : vector<1x16xf32> to vector<16xf32>
        %max3A_362 = arith.maximumf %max3A_322, %get3A_361 : vector<16xf32>
        %add3A_363 = arith.addf %add3A_323, %get3A_361 : vector<16xf32>
        %mul3A_364 = arith.mulf %get3A_361, %get3A_361 : vector<16xf32>
        %add3A_365 = arith.addf %add3A_325, %mul3A_364 : vector<16xf32>
        %add3A_366 = arith.constant 5 : i32
        %add3A_367 = arith.addi %mul3A_167, %add3A_366 : i32
        %get3A_368 = arith.index_cast %add3A_367 : i32 to index
        %get3A_369 = arith.constant 32 : index
        %get3A_370 = tpu.vector_load %arg11[%get3A_368, %get3A_369] {strides = array<i32>} : memref<640x64xf32, #tpu.memory_space<vmem>>, vector<1x16xf32>,
        %get3A_371 = vector.shape_cast %get3A_370 : vector<1x16xf32> to vector<16xf32>
        %max3A_372 = arith.maximumf %max3A_332, %get3A_371 : vector<16xf32>
        %add3A_373 = arith.addf %add3A_333, %get3A_371 : vector<16xf32>
        %mul3A_374 = arith.mulf %get3A_371, %get3A_371 : vector<16xf32>
        %add3A_375 = arith.addf %add3A_335, %mul3A_374 : vector<16xf32>
        %add3A_376 = arith.constant 5 : i32
        %add3A_377 = arith.addi %mul3A_167, %add3A_376 : i32
        %get3A_378 = arith.index_cast %add3A_377 : i32 to index
        %get3A_379 = arith.constant 48 : index
        %get3A_380 = tpu.vector_load %arg11[%get3A_378, %get3A_379] {strides = array<i32>} : memref<640x64xf32, #tpu.memory_space<vmem>>, vector<1x16xf32>,
        %get3A_381 = vector.shape_cast %get3A_380 : vector<1x16xf32> to vector<16xf32>
        %max3A_382 = arith.maximumf %max3A_342, %get3A_381 : vector<16xf32>
        %add3A_383 = arith.addf %add3A_343, %get3A_381 : vector<16xf32>
        %mul3A_384 = arith.mulf %get3A_381, %get3A_381 : vector<16xf32>
        %add3A_385 = arith.addf %add3A_345, %mul3A_384 : vector<16xf32>
        %add3A_386 = arith.constant 6 : i32
        %add3A_387 = arith.addi %mul3A_167, %add3A_386 : i32
        %get3A_388 = arith.index_cast %add3A_387 : i32 to index
        %get3A_389 = arith.constant 0 : index
        %get3A_390 = tpu.vector_load %arg11[%get3A_388, %get3A_389] {strides = array<i32>} : memref<640x64xf32, #tpu.memory_space<vmem>>, vector<1x16xf32>,
        %get3A_391 = vector.shape_cast %get3A_390 : vector<1x16xf32> to vector<16xf32>
        %max3A_392 = arith.maximumf %max3A_352, %get3A_391 : vector<16xf32>
        %add3A_393 = arith.addf %add3A_353, %get3A_391 : vector<16xf32>
        %mul3A_394 = arith.mulf %get3A_391, %get3A_391 : vector<16xf32>
        %add3A_395 = arith.addf %add3A_355, %mul3A_394 : vector<16xf32>
        %add3A_396 = arith.constant 6 : i32
        %add3A_397 = arith.addi %mul3A_167, %add3A_396 : i32
        %get3A_398 = arith.index_cast %add3A_397 : i32 to index
        %get3A_399 = arith.constant 16 : index
        %get3A_400 = tpu.vector_load %arg11[%get3A_398, %get3A_399] {strides = array<i32>} : memref<640x64xf32, #tpu.memory_space<vmem>>, vector<1x16xf32>,
        %get3A_401 = vector.shape_cast %get3A_400 : vector<1x16xf32> to vector<16xf32>
        %max3A_402 = arith.maximumf %max3A_362, %get3A_401 : vector<16xf32>
        %add3A_403 = arith.addf %add3A_363, %get3A_401 : vector<16xf32>
        %mul3A_404 = arith.mulf %get3A_401, %get3A_401 : vector<16xf32>
        %add3A_405 = arith.addf %add3A_365, %mul3A_404 : vector<16xf32>
        %add3A_406 = arith.constant 6 : i32
        %add3A_407 = arith.addi %mul3A_167, %add3A_406 : i32
        %get3A_408 = arith.index_cast %add3A_407 : i32 to index
        %get3A_409 = arith.constant 32 : index
        %get3A_410 = tpu.vector_load %arg11[%get3A_408, %get3A_409] {strides = array<i32>} : memref<640x64xf32, #tpu.memory_space<vmem>>, vector<1x16xf32>,
        %get3A_411 = vector.shape_cast %get3A_410 : vector<1x16xf32> to vector<16xf32>
        %max3A_412 = arith.maximumf %max3A_372, %get3A_411 : vector<16xf32>
        %add3A_413 = arith.addf %add3A_373, %get3A_411 : vector<16xf32>
        %mul3A_414 = arith.mulf %get3A_411, %get3A_411 : vector<16xf32>
        %add3A_415 = arith.addf %add3A_375, %mul3A_414 : vector<16xf32>
        %add3A_416 = arith.constant 6 : i32
        %add3A_417 = arith.addi %mul3A_167, %add3A_416 : i32
        %get3A_418 = arith.index_cast %add3A_417 : i32 to index
        %get3A_419 = arith.constant 48 : index
        %get3A_420 = tpu.vector_load %arg11[%get3A_418, %get3A_419] {strides = array<i32>} : memref<640x64xf32, #tpu.memory_space<vmem>>, vector<1x16xf32>,
        %get3A_421 = vector.shape_cast %get3A_420 : vector<1x16xf32> to vector<16xf32>
        %max3A_422 = arith.maximumf %max3A_382, %get3A_421 : vector<16xf32>
        %add3A_423 = arith.addf %add3A_383, %get3A_421 : vector<16xf32>
        %mul3A_424 = arith.mulf %get3A_421, %get3A_421 : vector<16xf32>
        %add3A_425 = arith.addf %add3A_385, %mul3A_424 : vector<16xf32>
        %add3A_426 = arith.constant 7 : i32
        %add3A_427 = arith.addi %mul3A_167, %add3A_426 : i32
        %get3A_428 = arith.index_cast %add3A_427 : i32 to index
        %get3A_429 = arith.constant 0 : index
        %get3A_430 = tpu.vector_load %arg11[%get3A_428, %get3A_429] {strides = array<i32>} : memref<640x64xf32, #tpu.memory_space<vmem>>, vector<1x16xf32>,
        %get3A_431 = vector.shape_cast %get3A_430 : vector<1x16xf32> to vector<16xf32>
        %max3A_432 = arith.maximumf %max3A_392, %get3A_431 : vector<16xf32>
        %add3A_433 = arith.addf %add3A_393, %get3A_431 : vector<16xf32>
        %mul3A_434 = arith.mulf %get3A_431, %get3A_431 : vector<16xf32>
        %add3A_435 = arith.addf %add3A_395, %mul3A_434 : vector<16xf32>
        %add3A_436 = arith.constant 7 : i32
        %add3A_437 = arith.addi %mul3A_167, %add3A_436 : i32
        %get3A_438 = arith.index_cast %add3A_437 : i32 to index
        %get3A_439 = arith.constant 16 : index
        %get3A_440 = tpu.vector_load %arg11[%get3A_438, %get3A_439] {strides = array<i32>} : memref<640x64xf32, #tpu.memory_space<vmem>>, vector<1x16xf32>,
        %get3A_441 = vector.shape_cast %get3A_440 : vector<1x16xf32> to vector<16xf32>
        %max3A_442 = arith.maximumf %max3A_402, %get3A_441 : vector<16xf32>
        %add3A_443 = arith.addf %add3A_403, %get3A_441 : vector<16xf32>
        %mul3A_444 = arith.mulf %get3A_441, %get3A_441 : vector<16xf32>
        %add3A_445 = arith.addf %add3A_405, %mul3A_444 : vector<16xf32>
        %add3A_446 = arith.constant 7 : i32
        %add3A_447 = arith.addi %mul3A_167, %add3A_446 : i32
        %get3A_448 = arith.index_cast %add3A_447 : i32 to index
        %get3A_449 = arith.constant 32 : index
        %get3A_450 = tpu.vector_load %arg11[%get3A_448, %get3A_449] {strides = array<i32>} : memref<640x64xf32, #tpu.memory_space<vmem>>, vector<1x16xf32>,
        %get3A_451 = vector.shape_cast %get3A_450 : vector<1x16xf32> to vector<16xf32>
        %max3A_452 = arith.maximumf %max3A_412, %get3A_451 : vector<16xf32>
        %add3A_453 = arith.addf %add3A_413, %get3A_451 : vector<16xf32>
        %mul3A_454 = arith.mulf %get3A_451, %get3A_451 : vector<16xf32>
        %add3A_455 = arith.addf %add3A_415, %mul3A_454 : vector<16xf32>
        %add3A_456 = arith.constant 7 : i32
        %add3A_457 = arith.addi %mul3A_167, %add3A_456 : i32
        %get3A_458 = arith.index_cast %add3A_457 : i32 to index
        %get3A_459 = arith.constant 48 : index
        %get3A_460 = tpu.vector_load %arg11[%get3A_458, %get3A_459] {strides = array<i32>} : memref<640x64xf32, #tpu.memory_space<vmem>>, vector<1x16xf32>,
        %get3A_461 = vector.shape_cast %get3A_460 : vector<1x16xf32> to vector<16xf32>
        %max3A_462 = arith.maximumf %max3A_422, %get3A_461 : vector<16xf32>
        %add3A_463 = arith.addf %add3A_423, %get3A_461 : vector<16xf32>
        %mul3A_464 = arith.mulf %get3A_461, %get3A_461 : vector<16xf32>
        %add3A_465 = arith.addf %add3A_425, %mul3A_464 : vector<16xf32>
        %add3A_466 = arith.constant 8 : i32
        %add3A_467 = arith.addi %mul3A_167, %add3A_466 : i32
        %get3A_468 = arith.index_cast %add3A_467 : i32 to index
        %get3A_469 = arith.constant 0 : index
        %get3A_470 = tpu.vector_load %arg11[%get3A_468, %get3A_469] {strides = array<i32>} : memref<640x64xf32, #tpu.memory_space<vmem>>, vector<1x16xf32>,
        %get3A_471 = vector.shape_cast %get3A_470 : vector<1x16xf32> to vector<16xf32>
        %max3A_472 = arith.maximumf %max3A_432, %get3A_471 : vector<16xf32>
        %add3A_473 = arith.addf %add3A_433, %get3A_471 : vector<16xf32>
        %mul3A_474 = arith.mulf %get3A_471, %get3A_471 : vector<16xf32>
        %add3A_475 = arith.addf %add3A_435, %mul3A_474 : vector<16xf32>
        %add3A_476 = arith.constant 8 : i32
        %add3A_477 = arith.addi %mul3A_167, %add3A_476 : i32
        %get3A_478 = arith.index_cast %add3A_477 : i32 to index
        %get3A_479 = arith.constant 16 : index
        %get3A_480 = tpu.vector_load %arg11[%get3A_478, %get3A_479] {strides = array<i32>} : memref<640x64xf32, #tpu.memory_space<vmem>>, vector<1x16xf32>,
        %get3A_481 = vector.shape_cast %get3A_480 : vector<1x16xf32> to vector<16xf32>
        %max3A_482 = arith.maximumf %max3A_442, %get3A_481 : vector<16xf32>
        %add3A_483 = arith.addf %add3A_443, %get3A_481 : vector<16xf32>
        %mul3A_484 = arith.mulf %get3A_481, %get3A_481 : vector<16xf32>
        %add3A_485 = arith.addf %add3A_445, %mul3A_484 : vector<16xf32>
        %add3A_486 = arith.constant 8 : i32
        %add3A_487 = arith.addi %mul3A_167, %add3A_486 : i32
        %get3A_488 = arith.index_cast %add3A_487 : i32 to index
        %get3A_489 = arith.constant 32 : index
        %get3A_490 = tpu.vector_load %arg11[%get3A_488, %get3A_489] {strides = array<i32>} : memref<640x64xf32, #tpu.memory_space<vmem>>, vector<1x16xf32>,
        %get3A_491 = vector.shape_cast %get3A_490 : vector<1x16xf32> to vector<16xf32>
        %max3A_492 = arith.maximumf %max3A_452, %get3A_491 : vector<16xf32>
        %add3A_493 = arith.addf %add3A_453, %get3A_491 : vector<16xf32>
        %mul3A_494 = arith.mulf %get3A_491, %get3A_491 : vector<16xf32>
        %add3A_495 = arith.addf %add3A_455, %mul3A_494 : vector<16xf32>
        %add3A_496 = arith.constant 8 : i32
        %add3A_497 = arith.addi %mul3A_167, %add3A_496 : i32
        %get3A_498 = arith.index_cast %add3A_497 : i32 to index
        %get3A_499 = arith.constant 48 : index
        %get3A_500 = tpu.vector_load %arg11[%get3A_498, %get3A_499] {strides = array<i32>} : memref<640x64xf32, #tpu.memory_space<vmem>>, vector<1x16xf32>,
        %get3A_501 = vector.shape_cast %get3A_500 : vector<1x16xf32> to vector<16xf32>
        %max3A_502 = arith.maximumf %max3A_462, %get3A_501 : vector<16xf32>
        %add3A_503 = arith.addf %add3A_463, %get3A_501 : vector<16xf32>
        %mul3A_504 = arith.mulf %get3A_501, %get3A_501 : vector<16xf32>
        %add3A_505 = arith.addf %add3A_465, %mul3A_504 : vector<16xf32>
        %add3A_506 = arith.constant 9 : i32
        %add3A_507 = arith.addi %mul3A_167, %add3A_506 : i32
        %get3A_508 = arith.index_cast %add3A_507 : i32 to index
        %get3A_509 = arith.constant 0 : index
        %get3A_510 = tpu.vector_load %arg11[%get3A_508, %get3A_509] {strides = array<i32>} : memref<640x64xf32, #tpu.memory_space<vmem>>, vector<1x16xf32>,
        %get3A_511 = vector.shape_cast %get3A_510 : vector<1x16xf32> to vector<16xf32>
        %max3A_512 = arith.maximumf %max3A_472, %get3A_511 : vector<16xf32>
        %add3A_513 = arith.addf %add3A_473, %get3A_511 : vector<16xf32>
        %mul3A_514 = arith.mulf %get3A_511, %get3A_511 : vector<16xf32>
        %add3A_515 = arith.addf %add3A_475, %mul3A_514 : vector<16xf32>
        %add3A_516 = arith.constant 9 : i32
        %add3A_517 = arith.addi %mul3A_167, %add3A_516 : i32
        %get3A_518 = arith.index_cast %add3A_517 : i32 to index
        %get3A_519 = arith.constant 16 : index
        %get3A_520 = tpu.vector_load %arg11[%get3A_518, %get3A_519] {strides = array<i32>} : memref<640x64xf32, #tpu.memory_space<vmem>>, vector<1x16xf32>,
        %get3A_521 = vector.shape_cast %get3A_520 : vector<1x16xf32> to vector<16xf32>
        %max3A_522 = arith.maximumf %max3A_482, %get3A_521 : vector<16xf32>
        %add3A_523 = arith.addf %add3A_483, %get3A_521 : vector<16xf32>
        %mul3A_524 = arith.mulf %get3A_521, %get3A_521 : vector<16xf32>
        %add3A_525 = arith.addf %add3A_485, %mul3A_524 : vector<16xf32>
        %add3A_526 = arith.constant 9 : i32
        %add3A_527 = arith.addi %mul3A_167, %add3A_526 : i32
        %get3A_528 = arith.index_cast %add3A_527 : i32 to index
        %get3A_529 = arith.constant 32 : index
        %get3A_530 = tpu.vector_load %arg11[%get3A_528, %get3A_529] {strides = array<i32>} : memref<640x64xf32, #tpu.memory_space<vmem>>, vector<1x16xf32>,
        %get3A_531 = vector.shape_cast %get3A_530 : vector<1x16xf32> to vector<16xf32>
        %max3A_532 = arith.maximumf %max3A_492, %get3A_531 : vector<16xf32>
        %add3A_533 = arith.addf %add3A_493, %get3A_531 : vector<16xf32>
        %mul3A_534 = arith.mulf %get3A_531, %get3A_531 : vector<16xf32>
        %add3A_535 = arith.addf %add3A_495, %mul3A_534 : vector<16xf32>
        %add3A_536 = arith.constant 9 : i32
        %add3A_537 = arith.addi %mul3A_167, %add3A_536 : i32
        %get3A_538 = arith.index_cast %add3A_537 : i32 to index
        %get3A_539 = arith.constant 48 : index
        %get3A_540 = tpu.vector_load %arg11[%get3A_538, %get3A_539] {strides = array<i32>} : memref<640x64xf32, #tpu.memory_space<vmem>>, vector<1x16xf32>,
        %get3A_541 = vector.shape_cast %get3A_540 : vector<1x16xf32> to vector<16xf32>
        %max3A_542 = arith.maximumf %max3A_502, %get3A_541 : vector<16xf32>
        %add3A_543 = arith.addf %add3A_503, %get3A_541 : vector<16xf32>
        %mul3A_544 = arith.mulf %get3A_541, %get3A_541 : vector<16xf32>
        %add3A_545 = arith.addf %add3A_505, %mul3A_544 : vector<16xf32>
        %add3A_546 = arith.constant 10 : i32
        %add3A_547 = arith.addi %mul3A_167, %add3A_546 : i32
        %get3A_548 = arith.index_cast %add3A_547 : i32 to index
        %get3A_549 = arith.constant 0 : index
        %get3A_550 = tpu.vector_load %arg11[%get3A_548, %get3A_549] {strides = array<i32>} : memref<640x64xf32, #tpu.memory_space<vmem>>, vector<1x16xf32>,
        %get3A_551 = vector.shape_cast %get3A_550 : vector<1x16xf32> to vector<16xf32>
        %max3A_552 = arith.maximumf %max3A_512, %get3A_551 : vector<16xf32>
        %add3A_553 = arith.addf %add3A_513, %get3A_551 : vector<16xf32>
        %mul3A_554 = arith.mulf %get3A_551, %get3A_551 : vector<16xf32>
        %add3A_555 = arith.addf %add3A_515, %mul3A_554 : vector<16xf32>
        %add3A_556 = arith.constant 10 : i32
        %add3A_557 = arith.addi %mul3A_167, %add3A_556 : i32
        %get3A_558 = arith.index_cast %add3A_557 : i32 to index
        %get3A_559 = arith.constant 16 : index
        %get3A_560 = tpu.vector_load %arg11[%get3A_558, %get3A_559] {strides = array<i32>} : memref<640x64xf32, #tpu.memory_space<vmem>>, vector<1x16xf32>,
        %get3A_561 = vector.shape_cast %get3A_560 : vector<1x16xf32> to vector<16xf32>
        %max3A_562 = arith.maximumf %max3A_522, %get3A_561 : vector<16xf32>
        %add3A_563 = arith.addf %add3A_523, %get3A_561 : vector<16xf32>
        %mul3A_564 = arith.mulf %get3A_561, %get3A_561 : vector<16xf32>
        %add3A_565 = arith.addf %add3A_525, %mul3A_564 : vector<16xf32>
        %add3A_566 = arith.constant 10 : i32
        %add3A_567 = arith.addi %mul3A_167, %add3A_566 : i32
        %get3A_568 = arith.index_cast %add3A_567 : i32 to index
        %get3A_569 = arith.constant 32 : index
        %get3A_570 = tpu.vector_load %arg11[%get3A_568, %get3A_569] {strides = array<i32>} : memref<640x64xf32, #tpu.memory_space<vmem>>, vector<1x16xf32>,
        %get3A_571 = vector.shape_cast %get3A_570 : vector<1x16xf32> to vector<16xf32>
        %max3A_572 = arith.maximumf %max3A_532, %get3A_571 : vector<16xf32>
        %add3A_573 = arith.addf %add3A_533, %get3A_571 : vector<16xf32>
        %mul3A_574 = arith.mulf %get3A_571, %get3A_571 : vector<16xf32>
        %add3A_575 = arith.addf %add3A_535, %mul3A_574 : vector<16xf32>
        %add3A_576 = arith.constant 10 : i32
        %add3A_577 = arith.addi %mul3A_167, %add3A_576 : i32
        %get3A_578 = arith.index_cast %add3A_577 : i32 to index
        %get3A_579 = arith.constant 48 : index
        %get3A_580 = tpu.vector_load %arg11[%get3A_578, %get3A_579] {strides = array<i32>} : memref<640x64xf32, #tpu.memory_space<vmem>>, vector<1x16xf32>,
        %get3A_581 = vector.shape_cast %get3A_580 : vector<1x16xf32> to vector<16xf32>
        %max3A_582 = arith.maximumf %max3A_542, %get3A_581 : vector<16xf32>
        %add3A_583 = arith.addf %add3A_543, %get3A_581 : vector<16xf32>
        %mul3A_584 = arith.mulf %get3A_581, %get3A_581 : vector<16xf32>
        %add3A_585 = arith.addf %add3A_545, %mul3A_584 : vector<16xf32>
        %add3A_586 = arith.constant 11 : i32
        %add3A_587 = arith.addi %mul3A_167, %add3A_586 : i32
        %get3A_588 = arith.index_cast %add3A_587 : i32 to index
        %get3A_589 = arith.constant 0 : index
        %get3A_590 = tpu.vector_load %arg11[%get3A_588, %get3A_589] {strides = array<i32>} : memref<640x64xf32, #tpu.memory_space<vmem>>, vector<1x16xf32>,
        %get3A_591 = vector.shape_cast %get3A_590 : vector<1x16xf32> to vector<16xf32>
        %max3A_592 = arith.maximumf %max3A_552, %get3A_591 : vector<16xf32>
        %add3A_593 = arith.addf %add3A_553, %get3A_591 : vector<16xf32>
        %mul3A_594 = arith.mulf %get3A_591, %get3A_591 : vector<16xf32>
        %add3A_595 = arith.addf %add3A_555, %mul3A_594 : vector<16xf32>
        %add3A_596 = arith.constant 11 : i32
        %add3A_597 = arith.addi %mul3A_167, %add3A_596 : i32
        %get3A_598 = arith.index_cast %add3A_597 : i32 to index
        %get3A_599 = arith.constant 16 : index
        %get3A_600 = tpu.vector_load %arg11[%get3A_598, %get3A_599] {strides = array<i32>} : memref<640x64xf32, #tpu.memory_space<vmem>>, vector<1x16xf32>,
        %get3A_601 = vector.shape_cast %get3A_600 : vector<1x16xf32> to vector<16xf32>
        %max3A_602 = arith.maximumf %max3A_562, %get3A_601 : vector<16xf32>
        %add3A_603 = arith.addf %add3A_563, %get3A_601 : vector<16xf32>
        %mul3A_604 = arith.mulf %get3A_601, %get3A_601 : vector<16xf32>
        %add3A_605 = arith.addf %add3A_565, %mul3A_604 : vector<16xf32>
        %add3A_606 = arith.constant 11 : i32
        %add3A_607 = arith.addi %mul3A_167, %add3A_606 : i32
        %get3A_608 = arith.index_cast %add3A_607 : i32 to index
        %get3A_609 = arith.constant 32 : index
        %get3A_610 = tpu.vector_load %arg11[%get3A_608, %get3A_609] {strides = array<i32>} : memref<640x64xf32, #tpu.memory_space<vmem>>, vector<1x16xf32>,
        %get3A_611 = vector.shape_cast %get3A_610 : vector<1x16xf32> to vector<16xf32>
        %max3A_612 = arith.maximumf %max3A_572, %get3A_611 : vector<16xf32>
        %add3A_613 = arith.addf %add3A_573, %get3A_611 : vector<16xf32>
        %mul3A_614 = arith.mulf %get3A_611, %get3A_611 : vector<16xf32>
        %add3A_615 = arith.addf %add3A_575, %mul3A_614 : vector<16xf32>
        %add3A_616 = arith.constant 11 : i32
        %add3A_617 = arith.addi %mul3A_167, %add3A_616 : i32
        %get3A_618 = arith.index_cast %add3A_617 : i32 to index
        %get3A_619 = arith.constant 48 : index
        %get3A_620 = tpu.vector_load %arg11[%get3A_618, %get3A_619] {strides = array<i32>} : memref<640x64xf32, #tpu.memory_space<vmem>>, vector<1x16xf32>,
        %get3A_621 = vector.shape_cast %get3A_620 : vector<1x16xf32> to vector<16xf32>
        %max3A_622 = arith.maximumf %max3A_582, %get3A_621 : vector<16xf32>
        %add3A_623 = arith.addf %add3A_583, %get3A_621 : vector<16xf32>
        %mul3A_624 = arith.mulf %get3A_621, %get3A_621 : vector<16xf32>
        %add3A_625 = arith.addf %add3A_585, %mul3A_624 : vector<16xf32>
        %add3A_626 = arith.constant 12 : i32
        %add3A_627 = arith.addi %mul3A_167, %add3A_626 : i32
        %get3A_628 = arith.index_cast %add3A_627 : i32 to index
        %get3A_629 = arith.constant 0 : index
        %get3A_630 = tpu.vector_load %arg11[%get3A_628, %get3A_629] {strides = array<i32>} : memref<640x64xf32, #tpu.memory_space<vmem>>, vector<1x16xf32>,
        %get3A_631 = vector.shape_cast %get3A_630 : vector<1x16xf32> to vector<16xf32>
        %max3A_632 = arith.maximumf %max3A_592, %get3A_631 : vector<16xf32>
        %add3A_633 = arith.addf %add3A_593, %get3A_631 : vector<16xf32>
        %mul3A_634 = arith.mulf %get3A_631, %get3A_631 : vector<16xf32>
        %add3A_635 = arith.addf %add3A_595, %mul3A_634 : vector<16xf32>
        %add3A_636 = arith.constant 12 : i32
        %add3A_637 = arith.addi %mul3A_167, %add3A_636 : i32
        %get3A_638 = arith.index_cast %add3A_637 : i32 to index
        %get3A_639 = arith.constant 16 : index
        %get3A_640 = tpu.vector_load %arg11[%get3A_638, %get3A_639] {strides = array<i32>} : memref<640x64xf32, #tpu.memory_space<vmem>>, vector<1x16xf32>,
        %get3A_641 = vector.shape_cast %get3A_640 : vector<1x16xf32> to vector<16xf32>
        %max3A_642 = arith.maximumf %max3A_602, %get3A_641 : vector<16xf32>
        %add3A_643 = arith.addf %add3A_603, %get3A_641 : vector<16xf32>
        %mul3A_644 = arith.mulf %get3A_641, %get3A_641 : vector<16xf32>
        %add3A_645 = arith.addf %add3A_605, %mul3A_644 : vector<16xf32>
        %add3A_646 = arith.constant 12 : i32
        %add3A_647 = arith.addi %mul3A_167, %add3A_646 : i32
        %get3A_648 = arith.index_cast %add3A_647 : i32 to index
        %get3A_649 = arith.constant 32 : index
        %get3A_650 = tpu.vector_load %arg11[%get3A_648, %get3A_649] {strides = array<i32>} : memref<640x64xf32, #tpu.memory_space<vmem>>, vector<1x16xf32>,
        %get3A_651 = vector.shape_cast %get3A_650 : vector<1x16xf32> to vector<16xf32>
        %max3A_652 = arith.maximumf %max3A_612, %get3A_651 : vector<16xf32>
        %add3A_653 = arith.addf %add3A_613, %get3A_651 : vector<16xf32>
        %mul3A_654 = arith.mulf %get3A_651, %get3A_651 : vector<16xf32>
        %add3A_655 = arith.addf %add3A_615, %mul3A_654 : vector<16xf32>
        %add3A_656 = arith.constant 12 : i32
        %add3A_657 = arith.addi %mul3A_167, %add3A_656 : i32
        %get3A_658 = arith.index_cast %add3A_657 : i32 to index
        %get3A_659 = arith.constant 48 : index
        %get3A_660 = tpu.vector_load %arg11[%get3A_658, %get3A_659] {strides = array<i32>} : memref<640x64xf32, #tpu.memory_space<vmem>>, vector<1x16xf32>,
        %get3A_661 = vector.shape_cast %get3A_660 : vector<1x16xf32> to vector<16xf32>
        %max3A_662 = arith.maximumf %max3A_622, %get3A_661 : vector<16xf32>
        %add3A_663 = arith.addf %add3A_623, %get3A_661 : vector<16xf32>
        %mul3A_664 = arith.mulf %get3A_661, %get3A_661 : vector<16xf32>
        %add3A_665 = arith.addf %add3A_625, %mul3A_664 : vector<16xf32>
        %add3A_666 = arith.constant 13 : i32
        %add3A_667 = arith.addi %mul3A_167, %add3A_666 : i32
        %get3A_668 = arith.index_cast %add3A_667 : i32 to index
        %get3A_669 = arith.constant 0 : index
        %get3A_670 = tpu.vector_load %arg11[%get3A_668, %get3A_669] {strides = array<i32>} : memref<640x64xf32, #tpu.memory_space<vmem>>, vector<1x16xf32>,
        %get3A_671 = vector.shape_cast %get3A_670 : vector<1x16xf32> to vector<16xf32>
        %max3A_672 = arith.maximumf %max3A_632, %get3A_671 : vector<16xf32>
        %add3A_673 = arith.addf %add3A_633, %get3A_671 : vector<16xf32>
        %mul3A_674 = arith.mulf %get3A_671, %get3A_671 : vector<16xf32>
        %add3A_675 = arith.addf %add3A_635, %mul3A_674 : vector<16xf32>
        %add3A_676 = arith.constant 13 : i32
        %add3A_677 = arith.addi %mul3A_167, %add3A_676 : i32
        %get3A_678 = arith.index_cast %add3A_677 : i32 to index
        %get3A_679 = arith.constant 16 : index
        %get3A_680 = tpu.vector_load %arg11[%get3A_678, %get3A_679] {strides = array<i32>} : memref<640x64xf32, #tpu.memory_space<vmem>>, vector<1x16xf32>,
        %get3A_681 = vector.shape_cast %get3A_680 : vector<1x16xf32> to vector<16xf32>
        %max3A_682 = arith.maximumf %max3A_642, %get3A_681 : vector<16xf32>
        %add3A_683 = arith.addf %add3A_643, %get3A_681 : vector<16xf32>
        %mul3A_684 = arith.mulf %get3A_681, %get3A_681 : vector<16xf32>
        %add3A_685 = arith.addf %add3A_645, %mul3A_684 : vector<16xf32>
        %add3A_686 = arith.constant 13 : i32
        %add3A_687 = arith.addi %mul3A_167, %add3A_686 : i32
        %get3A_688 = arith.index_cast %add3A_687 : i32 to index
        %get3A_689 = arith.constant 32 : index
        %get3A_690 = tpu.vector_load %arg11[%get3A_688, %get3A_689] {strides = array<i32>} : memref<640x64xf32, #tpu.memory_space<vmem>>, vector<1x16xf32>,
        %get3A_691 = vector.shape_cast %get3A_690 : vector<1x16xf32> to vector<16xf32>
        %max3A_692 = arith.maximumf %max3A_652, %get3A_691 : vector<16xf32>
        %add3A_693 = arith.addf %add3A_653, %get3A_691 : vector<16xf32>
        %mul3A_694 = arith.mulf %get3A_691, %get3A_691 : vector<16xf32>
        %add3A_695 = arith.addf %add3A_655, %mul3A_694 : vector<16xf32>
        %add3A_696 = arith.constant 13 : i32
        %add3A_697 = arith.addi %mul3A_167, %add3A_696 : i32
        %get3A_698 = arith.index_cast %add3A_697 : i32 to index
        %get3A_699 = arith.constant 48 : index
        %get3A_700 = tpu.vector_load %arg11[%get3A_698, %get3A_699] {strides = array<i32>} : memref<640x64xf32, #tpu.memory_space<vmem>>, vector<1x16xf32>,
        %get3A_701 = vector.shape_cast %get3A_700 : vector<1x16xf32> to vector<16xf32>
        %max3A_702 = arith.maximumf %max3A_662, %get3A_701 : vector<16xf32>
        %add3A_703 = arith.addf %add3A_663, %get3A_701 : vector<16xf32>
        %mul3A_704 = arith.mulf %get3A_701, %get3A_701 : vector<16xf32>
        %add3A_705 = arith.addf %add3A_665, %mul3A_704 : vector<16xf32>
        %add3A_706 = arith.constant 14 : i32
        %add3A_707 = arith.addi %mul3A_167, %add3A_706 : i32
        %get3A_708 = arith.index_cast %add3A_707 : i32 to index
        %get3A_709 = arith.constant 0 : index
        %get3A_710 = tpu.vector_load %arg11[%get3A_708, %get3A_709] {strides = array<i32>} : memref<640x64xf32, #tpu.memory_space<vmem>>, vector<1x16xf32>,
        %get3A_711 = vector.shape_cast %get3A_710 : vector<1x16xf32> to vector<16xf32>
        %max3A_712 = arith.maximumf %max3A_672, %get3A_711 : vector<16xf32>
        %add3A_713 = arith.addf %add3A_673, %get3A_711 : vector<16xf32>
        %mul3A_714 = arith.mulf %get3A_711, %get3A_711 : vector<16xf32>
        %add3A_715 = arith.addf %add3A_675, %mul3A_714 : vector<16xf32>
        %add3A_716 = arith.constant 14 : i32
        %add3A_717 = arith.addi %mul3A_167, %add3A_716 : i32
        %get3A_718 = arith.index_cast %add3A_717 : i32 to index
        %get3A_719 = arith.constant 16 : index
        %get3A_720 = tpu.vector_load %arg11[%get3A_718, %get3A_719] {strides = array<i32>} : memref<640x64xf32, #tpu.memory_space<vmem>>, vector<1x16xf32>,
        %get3A_721 = vector.shape_cast %get3A_720 : vector<1x16xf32> to vector<16xf32>
        %max3A_722 = arith.maximumf %max3A_682, %get3A_721 : vector<16xf32>
        %add3A_723 = arith.addf %add3A_683, %get3A_721 : vector<16xf32>
        %mul3A_724 = arith.mulf %get3A_721, %get3A_721 : vector<16xf32>
        %add3A_725 = arith.addf %add3A_685, %mul3A_724 : vector<16xf32>
        %add3A_726 = arith.constant 14 : i32
        %add3A_727 = arith.addi %mul3A_167, %add3A_726 : i32
        %get3A_728 = arith.index_cast %add3A_727 : i32 to index
        %get3A_729 = arith.constant 32 : index
        %get3A_730 = tpu.vector_load %arg11[%get3A_728, %get3A_729] {strides = array<i32>} : memref<640x64xf32, #tpu.memory_space<vmem>>, vector<1x16xf32>,
        %get3A_731 = vector.shape_cast %get3A_730 : vector<1x16xf32> to vector<16xf32>
        %max3A_732 = arith.maximumf %max3A_692, %get3A_731 : vector<16xf32>
        %add3A_733 = arith.addf %add3A_693, %get3A_731 : vector<16xf32>
        %mul3A_734 = arith.mulf %get3A_731, %get3A_731 : vector<16xf32>
        %add3A_735 = arith.addf %add3A_695, %mul3A_734 : vector<16xf32>
        %add3A_736 = arith.constant 14 : i32
        %add3A_737 = arith.addi %mul3A_167, %add3A_736 : i32
        %get3A_738 = arith.index_cast %add3A_737 : i32 to index
        %get3A_739 = arith.constant 48 : index
        %get3A_740 = tpu.vector_load %arg11[%get3A_738, %get3A_739] {strides = array<i32>} : memref<640x64xf32, #tpu.memory_space<vmem>>, vector<1x16xf32>,
        %get3A_741 = vector.shape_cast %get3A_740 : vector<1x16xf32> to vector<16xf32>
        %max3A_742 = arith.maximumf %max3A_702, %get3A_741 : vector<16xf32>
        %add3A_743 = arith.addf %add3A_703, %get3A_741 : vector<16xf32>
        %mul3A_744 = arith.mulf %get3A_741, %get3A_741 : vector<16xf32>
        %add3A_745 = arith.addf %add3A_705, %mul3A_744 : vector<16xf32>
        %add3A_746 = arith.constant 15 : i32
        %add3A_747 = arith.addi %mul3A_167, %add3A_746 : i32
        %get3A_748 = arith.index_cast %add3A_747 : i32 to index
        %get3A_749 = arith.constant 0 : index
        %get3A_750 = tpu.vector_load %arg11[%get3A_748, %get3A_749] {strides = array<i32>} : memref<640x64xf32, #tpu.memory_space<vmem>>, vector<1x16xf32>,
        %get3A_751 = vector.shape_cast %get3A_750 : vector<1x16xf32> to vector<16xf32>
        %max3A_752 = arith.maximumf %max3A_712, %get3A_751 : vector<16xf32>
        %add3A_753 = arith.addf %add3A_713, %get3A_751 : vector<16xf32>
        %mul3A_754 = arith.mulf %get3A_751, %get3A_751 : vector<16xf32>
        %add3A_755 = arith.addf %add3A_715, %mul3A_754 : vector<16xf32>
        %add3A_756 = arith.constant 15 : i32
        %add3A_757 = arith.addi %mul3A_167, %add3A_756 : i32
        %get3A_758 = arith.index_cast %add3A_757 : i32 to index
        %get3A_759 = arith.constant 16 : index
        %get3A_760 = tpu.vector_load %arg11[%get3A_758, %get3A_759] {strides = array<i32>} : memref<640x64xf32, #tpu.memory_space<vmem>>, vector<1x16xf32>,
        %get3A_761 = vector.shape_cast %get3A_760 : vector<1x16xf32> to vector<16xf32>
        %max3A_762 = arith.maximumf %max3A_722, %get3A_761 : vector<16xf32>
        %add3A_763 = arith.addf %add3A_723, %get3A_761 : vector<16xf32>
        %mul3A_764 = arith.mulf %get3A_761, %get3A_761 : vector<16xf32>
        %add3A_765 = arith.addf %add3A_725, %mul3A_764 : vector<16xf32>
        %add3A_766 = arith.constant 15 : i32
        %add3A_767 = arith.addi %mul3A_167, %add3A_766 : i32
        %get3A_768 = arith.index_cast %add3A_767 : i32 to index
        %get3A_769 = arith.constant 32 : index
        %get3A_770 = tpu.vector_load %arg11[%get3A_768, %get3A_769] {strides = array<i32>} : memref<640x64xf32, #tpu.memory_space<vmem>>, vector<1x16xf32>,
        %get3A_771 = vector.shape_cast %get3A_770 : vector<1x16xf32> to vector<16xf32>
        %max3A_772 = arith.maximumf %max3A_732, %get3A_771 : vector<16xf32>
        %add3A_773 = arith.addf %add3A_733, %get3A_771 : vector<16xf32>
        %mul3A_774 = arith.mulf %get3A_771, %get3A_771 : vector<16xf32>
        %add3A_775 = arith.addf %add3A_735, %mul3A_774 : vector<16xf32>
        %add3A_776 = arith.constant 15 : i32
        %add3A_777 = arith.addi %mul3A_167, %add3A_776 : i32
        %get3A_778 = arith.index_cast %add3A_777 : i32 to index
        %get3A_779 = arith.constant 48 : index
        %get3A_780 = tpu.vector_load %arg11[%get3A_778, %get3A_779] {strides = array<i32>} : memref<640x64xf32, #tpu.memory_space<vmem>>, vector<1x16xf32>,
        %get3A_781 = vector.shape_cast %get3A_780 : vector<1x16xf32> to vector<16xf32>
        %max3A_782 = arith.maximumf %max3A_742, %get3A_781 : vector<16xf32>
        %add3A_783 = arith.addf %add3A_743, %get3A_781 : vector<16xf32>
        %mul3A_784 = arith.mulf %get3A_781, %get3A_781 : vector<16xf32>
        %add3A_785 = arith.addf %add3A_745, %mul3A_784 : vector<16xf32>
        %add3A_786 = arith.constant 16 : i32
        %add3A_787 = arith.addi %mul3A_167, %add3A_786 : i32
        %get3A_788 = arith.index_cast %add3A_787 : i32 to index
        %get3A_789 = arith.constant 0 : index
        %get3A_790 = tpu.vector_load %arg11[%get3A_788, %get3A_789] {strides = array<i32>} : memref<640x64xf32, #tpu.memory_space<vmem>>, vector<1x16xf32>,
        %get3A_791 = vector.shape_cast %get3A_790 : vector<1x16xf32> to vector<16xf32>
        %max3A_792 = arith.maximumf %max3A_752, %get3A_791 : vector<16xf32>
        %add3A_793 = arith.addf %add3A_753, %get3A_791 : vector<16xf32>
        %mul3A_794 = arith.mulf %get3A_791, %get3A_791 : vector<16xf32>
        %add3A_795 = arith.addf %add3A_755, %mul3A_794 : vector<16xf32>
        %add3A_796 = arith.constant 16 : i32
        %add3A_797 = arith.addi %mul3A_167, %add3A_796 : i32
        %get3A_798 = arith.index_cast %add3A_797 : i32 to index
        %get3A_799 = arith.constant 16 : index
        %get3A_800 = tpu.vector_load %arg11[%get3A_798, %get3A_799] {strides = array<i32>} : memref<640x64xf32, #tpu.memory_space<vmem>>, vector<1x16xf32>,
        %get3A_801 = vector.shape_cast %get3A_800 : vector<1x16xf32> to vector<16xf32>
        %max3A_802 = arith.maximumf %max3A_762, %get3A_801 : vector<16xf32>
        %add3A_803 = arith.addf %add3A_763, %get3A_801 : vector<16xf32>
        %mul3A_804 = arith.mulf %get3A_801, %get3A_801 : vector<16xf32>
        %add3A_805 = arith.addf %add3A_765, %mul3A_804 : vector<16xf32>
        %add3A_806 = arith.constant 16 : i32
        %add3A_807 = arith.addi %mul3A_167, %add3A_806 : i32
        %get3A_808 = arith.index_cast %add3A_807 : i32 to index
        %get3A_809 = arith.constant 32 : index
        %get3A_810 = tpu.vector_load %arg11[%get3A_808, %get3A_809] {strides = array<i32>} : memref<640x64xf32, #tpu.memory_space<vmem>>, vector<1x16xf32>,
        %get3A_811 = vector.shape_cast %get3A_810 : vector<1x16xf32> to vector<16xf32>
        %max3A_812 = arith.maximumf %max3A_772, %get3A_811 : vector<16xf32>
        %add3A_813 = arith.addf %add3A_773, %get3A_811 : vector<16xf32>
        %mul3A_814 = arith.mulf %get3A_811, %get3A_811 : vector<16xf32>
        %add3A_815 = arith.addf %add3A_775, %mul3A_814 : vector<16xf32>
        %add3A_816 = arith.constant 16 : i32
        %add3A_817 = arith.addi %mul3A_167, %add3A_816 : i32
        %get3A_818 = arith.index_cast %add3A_817 : i32 to index
        %get3A_819 = arith.constant 48 : index
        %get3A_820 = tpu.vector_load %arg11[%get3A_818, %get3A_819] {strides = array<i32>} : memref<640x64xf32, #tpu.memory_space<vmem>>, vector<1x16xf32>,
        %get3A_821 = vector.shape_cast %get3A_820 : vector<1x16xf32> to vector<16xf32>
        %max3A_822 = arith.maximumf %max3A_782, %get3A_821 : vector<16xf32>
        %add3A_823 = arith.addf %add3A_783, %get3A_821 : vector<16xf32>
        %mul3A_824 = arith.mulf %get3A_821, %get3A_821 : vector<16xf32>
        %add3A_825 = arith.addf %add3A_785, %mul3A_824 : vector<16xf32>
        %add3A_826 = arith.constant 17 : i32
        %add3A_827 = arith.addi %mul3A_167, %add3A_826 : i32
        %get3A_828 = arith.index_cast %add3A_827 : i32 to index
        %get3A_829 = arith.constant 0 : index
        %get3A_830 = tpu.vector_load %arg11[%get3A_828, %get3A_829] {strides = array<i32>} : memref<640x64xf32, #tpu.memory_space<vmem>>, vector<1x16xf32>,
        %get3A_831 = vector.shape_cast %get3A_830 : vector<1x16xf32> to vector<16xf32>
        %max3A_832 = arith.maximumf %max3A_792, %get3A_831 : vector<16xf32>
        %add3A_833 = arith.addf %add3A_793, %get3A_831 : vector<16xf32>
        %mul3A_834 = arith.mulf %get3A_831, %get3A_831 : vector<16xf32>
        %add3A_835 = arith.addf %add3A_795, %mul3A_834 : vector<16xf32>
        %add3A_836 = arith.constant 17 : i32
        %add3A_837 = arith.addi %mul3A_167, %add3A_836 : i32
        %get3A_838 = arith.index_cast %add3A_837 : i32 to index
        %get3A_839 = arith.constant 16 : index
        %get3A_840 = tpu.vector_load %arg11[%get3A_838, %get3A_839] {strides = array<i32>} : memref<640x64xf32, #tpu.memory_space<vmem>>, vector<1x16xf32>,
        %get3A_841 = vector.shape_cast %get3A_840 : vector<1x16xf32> to vector<16xf32>
        %max3A_842 = arith.maximumf %max3A_802, %get3A_841 : vector<16xf32>
        %add3A_843 = arith.addf %add3A_803, %get3A_841 : vector<16xf32>
        %mul3A_844 = arith.mulf %get3A_841, %get3A_841 : vector<16xf32>
        %add3A_845 = arith.addf %add3A_805, %mul3A_844 : vector<16xf32>
        %add3A_846 = arith.constant 17 : i32
        %add3A_847 = arith.addi %mul3A_167, %add3A_846 : i32
        %get3A_848 = arith.index_cast %add3A_847 : i32 to index
        %get3A_849 = arith.constant 32 : index
        %get3A_850 = tpu.vector_load %arg11[%get3A_848, %get3A_849] {strides = array<i32>} : memref<640x64xf32, #tpu.memory_space<vmem>>, vector<1x16xf32>,
        %get3A_851 = vector.shape_cast %get3A_850 : vector<1x16xf32> to vector<16xf32>
        %max3A_852 = arith.maximumf %max3A_812, %get3A_851 : vector<16xf32>
        %add3A_853 = arith.addf %add3A_813, %get3A_851 : vector<16xf32>
        %mul3A_854 = arith.mulf %get3A_851, %get3A_851 : vector<16xf32>
        %add3A_855 = arith.addf %add3A_815, %mul3A_854 : vector<16xf32>
        %add3A_856 = arith.constant 17 : i32
        %add3A_857 = arith.addi %mul3A_167, %add3A_856 : i32
        %get3A_858 = arith.index_cast %add3A_857 : i32 to index
        %get3A_859 = arith.constant 48 : index
        %get3A_860 = tpu.vector_load %arg11[%get3A_858, %get3A_859] {strides = array<i32>} : memref<640x64xf32, #tpu.memory_space<vmem>>, vector<1x16xf32>,
        %get3A_861 = vector.shape_cast %get3A_860 : vector<1x16xf32> to vector<16xf32>
        %max3A_862 = arith.maximumf %max3A_822, %get3A_861 : vector<16xf32>
        %add3A_863 = arith.addf %add3A_823, %get3A_861 : vector<16xf32>
        %mul3A_864 = arith.mulf %get3A_861, %get3A_861 : vector<16xf32>
        %add3A_865 = arith.addf %add3A_825, %mul3A_864 : vector<16xf32>
        %add3A_866 = arith.constant 18 : i32
        %add3A_867 = arith.addi %mul3A_167, %add3A_866 : i32
        %get3A_868 = arith.index_cast %add3A_867 : i32 to index
        %get3A_869 = arith.constant 0 : index
        %get3A_870 = tpu.vector_load %arg11[%get3A_868, %get3A_869] {strides = array<i32>} : memref<640x64xf32, #tpu.memory_space<vmem>>, vector<1x16xf32>,
        %get3A_871 = vector.shape_cast %get3A_870 : vector<1x16xf32> to vector<16xf32>
        %max3A_872 = arith.maximumf %max3A_832, %get3A_871 : vector<16xf32>
        %add3A_873 = arith.addf %add3A_833, %get3A_871 : vector<16xf32>
        %mul3A_874 = arith.mulf %get3A_871, %get3A_871 : vector<16xf32>
        %add3A_875 = arith.addf %add3A_835, %mul3A_874 : vector<16xf32>
        %add3A_876 = arith.constant 18 : i32
        %add3A_877 = arith.addi %mul3A_167, %add3A_876 : i32
        %get3A_878 = arith.index_cast %add3A_877 : i32 to index
        %get3A_879 = arith.constant 16 : index
        %get3A_880 = tpu.vector_load %arg11[%get3A_878, %get3A_879] {strides = array<i32>} : memref<640x64xf32, #tpu.memory_space<vmem>>, vector<1x16xf32>,
        %get3A_881 = vector.shape_cast %get3A_880 : vector<1x16xf32> to vector<16xf32>
        %max3A_882 = arith.maximumf %max3A_842, %get3A_881 : vector<16xf32>
        %add3A_883 = arith.addf %add3A_843, %get3A_881 : vector<16xf32>
        %mul3A_884 = arith.mulf %get3A_881, %get3A_881 : vector<16xf32>
        %add3A_885 = arith.addf %add3A_845, %mul3A_884 : vector<16xf32>
        %add3A_886 = arith.constant 18 : i32
        %add3A_887 = arith.addi %mul3A_167, %add3A_886 : i32
        %get3A_888 = arith.index_cast %add3A_887 : i32 to index
        %get3A_889 = arith.constant 32 : index
        %get3A_890 = tpu.vector_load %arg11[%get3A_888, %get3A_889] {strides = array<i32>} : memref<640x64xf32, #tpu.memory_space<vmem>>, vector<1x16xf32>,
        %get3A_891 = vector.shape_cast %get3A_890 : vector<1x16xf32> to vector<16xf32>
        %max3A_892 = arith.maximumf %max3A_852, %get3A_891 : vector<16xf32>
        %add3A_893 = arith.addf %add3A_853, %get3A_891 : vector<16xf32>
        %mul3A_894 = arith.mulf %get3A_891, %get3A_891 : vector<16xf32>
        %add3A_895 = arith.addf %add3A_855, %mul3A_894 : vector<16xf32>
        %add3A_896 = arith.constant 18 : i32
        %add3A_897 = arith.addi %mul3A_167, %add3A_896 : i32
        %get3A_898 = arith.index_cast %add3A_897 : i32 to index
        %get3A_899 = arith.constant 48 : index
        %get3A_900 = tpu.vector_load %arg11[%get3A_898, %get3A_899] {strides = array<i32>} : memref<640x64xf32, #tpu.memory_space<vmem>>, vector<1x16xf32>,
        %get3A_901 = vector.shape_cast %get3A_900 : vector<1x16xf32> to vector<16xf32>
        %max3A_902 = arith.maximumf %max3A_862, %get3A_901 : vector<16xf32>
        %add3A_903 = arith.addf %add3A_863, %get3A_901 : vector<16xf32>
        %mul3A_904 = arith.mulf %get3A_901, %get3A_901 : vector<16xf32>
        %add3A_905 = arith.addf %add3A_865, %mul3A_904 : vector<16xf32>
        %add3A_906 = arith.constant 19 : i32
        %add3A_907 = arith.addi %mul3A_167, %add3A_906 : i32
        %get3A_908 = arith.index_cast %add3A_907 : i32 to index
        %get3A_909 = arith.constant 0 : index
        %get3A_910 = tpu.vector_load %arg11[%get3A_908, %get3A_909] {strides = array<i32>} : memref<640x64xf32, #tpu.memory_space<vmem>>, vector<1x16xf32>,
        %get3A_911 = vector.shape_cast %get3A_910 : vector<1x16xf32> to vector<16xf32>
        %max3A_912 = arith.maximumf %max3A_872, %get3A_911 : vector<16xf32>
        %add3A_913 = arith.addf %add3A_873, %get3A_911 : vector<16xf32>
        %mul3A_914 = arith.mulf %get3A_911, %get3A_911 : vector<16xf32>
        %add3A_915 = arith.addf %add3A_875, %mul3A_914 : vector<16xf32>
        %add3A_916 = arith.constant 19 : i32
        %add3A_917 = arith.addi %mul3A_167, %add3A_916 : i32
        %get3A_918 = arith.index_cast %add3A_917 : i32 to index
        %get3A_919 = arith.constant 16 : index
        %get3A_920 = tpu.vector_load %arg11[%get3A_918, %get3A_919] {strides = array<i32>} : memref<640x64xf32, #tpu.memory_space<vmem>>, vector<1x16xf32>,
        %get3A_921 = vector.shape_cast %get3A_920 : vector<1x16xf32> to vector<16xf32>
        %max3A_922 = arith.maximumf %max3A_882, %get3A_921 : vector<16xf32>
        %add3A_923 = arith.addf %add3A_883, %get3A_921 : vector<16xf32>
        %mul3A_924 = arith.mulf %get3A_921, %get3A_921 : vector<16xf32>
        %add3A_925 = arith.addf %add3A_885, %mul3A_924 : vector<16xf32>
        %add3A_926 = arith.constant 19 : i32
        %add3A_927 = arith.addi %mul3A_167, %add3A_926 : i32
        %get3A_928 = arith.index_cast %add3A_927 : i32 to index
        %get3A_929 = arith.constant 32 : index
        %get3A_930 = tpu.vector_load %arg11[%get3A_928, %get3A_929] {strides = array<i32>} : memref<640x64xf32, #tpu.memory_space<vmem>>, vector<1x16xf32>,
        %get3A_931 = vector.shape_cast %get3A_930 : vector<1x16xf32> to vector<16xf32>
        %max3A_932 = arith.maximumf %max3A_892, %get3A_931 : vector<16xf32>
        %add3A_933 = arith.addf %add3A_893, %get3A_931 : vector<16xf32>
        %mul3A_934 = arith.mulf %get3A_931, %get3A_931 : vector<16xf32>
        %add3A_935 = arith.addf %add3A_895, %mul3A_934 : vector<16xf32>
        %add3A_936 = arith.constant 19 : i32
        %add3A_937 = arith.addi %mul3A_167, %add3A_936 : i32
        %get3A_938 = arith.index_cast %add3A_937 : i32 to index
        %get3A_939 = arith.constant 48 : index
        %get3A_940 = tpu.vector_load %arg11[%get3A_938, %get3A_939] {strides = array<i32>} : memref<640x64xf32, #tpu.memory_space<vmem>>, vector<1x16xf32>,
        %get3A_941 = vector.shape_cast %get3A_940 : vector<1x16xf32> to vector<16xf32>
        %max3A_942 = arith.maximumf %max3A_902, %get3A_941 : vector<16xf32>
        %add3A_943 = arith.addf %add3A_903, %get3A_941 : vector<16xf32>
        %mul3A_944 = arith.mulf %get3A_941, %get3A_941 : vector<16xf32>
        %add3A_945 = arith.addf %add3A_905, %mul3A_944 : vector<16xf32>
        %swap3A_946 = arith.index_cast %scan3A_157 : i32 to index
        %swap3A_947 = arith.constant 0 : index
        %swap3A_948 = tpu.vector_load %arg15[%swap3A_946, %swap3A_947] {strides = array<i32>} : memref<32x64xf32, #tpu.memory_space<vmem>>, vector<1x16xf32>,
        %swap3A_949 = vector.shape_cast %swap3A_948 : vector<1x16xf32> to vector<16xf32>
        %swap3A_950 = vector.shape_cast %max3A_912 : vector<16xf32> to vector<1x16xf32>
        tpu.vector_store %arg15[%swap3A_946, %swap3A_947], %swap3A_950 {strides = array<i32>} : memref<32x64xf32, #tpu.memory_space<vmem>>, vector<1x16xf32>,
        %get3A_951 = arith.index_cast %scan3A_157 : i32 to index
        %get3A_952 = arith.constant 0 : index
        %get3A_953 = tpu.vector_load %arg13[%get3A_951, %get3A_952] {strides = array<i32>} : memref<32x64xf32, #tpu.memory_space<vmem>>, vector<1x16xf32>,
        %get3A_954 = vector.shape_cast %get3A_953 : vector<1x16xf32> to vector<16xf32>
        %mul3A_955 = arith.constant 2.000000e+01 : f32
        %mul3A_956 = vector.broadcast %mul3A_955 : f32 to vector<16xf32>
        %mul3A_957 = arith.mulf %mul3A_956, %get3A_954 : vector<16xf32>
        %add3A_958 = arith.addf %mul3A_957, %add3A_913 : vector<16xf32>
        %add3A_959 = arith.addf %scan3A_158, %add3A_958 : vector<16xf32>
        %mul3A_960 = arith.constant 2.000000e+01 : f32
        %mul3A_961 = vector.broadcast %mul3A_960 : f32 to vector<16xf32>
        %mul3A_962 = arith.mulf %mul3A_961, %get3A_954 : vector<16xf32>
        %mul3A_963 = arith.mulf %mul3A_962, %get3A_954 : vector<16xf32>
        %mul3A_964 = arith.constant 2.000000e+00 : f32
        %mul3A_965 = vector.broadcast %mul3A_964 : f32 to vector<16xf32>
        %mul3A_966 = arith.mulf %mul3A_965, %get3A_954 : vector<16xf32>
        %mul3A_967 = arith.mulf %mul3A_966, %add3A_913 : vector<16xf32>
        %add3A_968 = arith.addf %mul3A_963, %mul3A_967 : vector<16xf32>
        %add3A_969 = arith.addf %add3A_968, %add3A_915 : vector<16xf32>
        %add3A_970 = arith.addf %scan3A_162, %add3A_969 : vector<16xf32>
        %swap3A_971 = arith.index_cast %scan3A_157 : i32 to index
        %swap3A_972 = arith.constant 16 : index
        %swap3A_973 = tpu.vector_load %arg15[%swap3A_971, %swap3A_972] {strides = array<i32>} : memref<32x64xf32, #tpu.memory_space<vmem>>, vector<1x16xf32>,
        %swap3A_974 = vector.shape_cast %swap3A_973 : vector<1x16xf32> to vector<16xf32>
        %swap3A_975 = vector.shape_cast %max3A_922 : vector<16xf32> to vector<1x16xf32>
        tpu.vector_store %arg15[%swap3A_971, %swap3A_972], %swap3A_975 {strides = array<i32>} : memref<32x64xf32, #tpu.memory_space<vmem>>, vector<1x16xf32>,
        %get3A_976 = arith.index_cast %scan3A_157 : i32 to index
        %get3A_977 = arith.constant 16 : index
        %get3A_978 = tpu.vector_load %arg13[%get3A_976, %get3A_977] {strides = array<i32>} : memref<32x64xf32, #tpu.memory_space<vmem>>, vector<1x16xf32>,
        %get3A_979 = vector.shape_cast %get3A_978 : vector<1x16xf32> to vector<16xf32>
        %mul3A_980 = arith.constant 2.000000e+01 : f32
        %mul3A_981 = vector.broadcast %mul3A_980 : f32 to vector<16xf32>
        %mul3A_982 = arith.mulf %mul3A_981, %get3A_979 : vector<16xf32>
        %add3A_983 = arith.addf %mul3A_982, %add3A_923 : vector<16xf32>
        %add3A_984 = arith.addf %scan3A_159, %add3A_983 : vector<16xf32>
        %mul3A_985 = arith.constant 2.000000e+01 : f32
        %mul3A_986 = vector.broadcast %mul3A_985 : f32 to vector<16xf32>
        %mul3A_987 = arith.mulf %mul3A_986, %get3A_979 : vector<16xf32>
        %mul3A_988 = arith.mulf %mul3A_987, %get3A_979 : vector<16xf32>
        %mul3A_989 = arith.constant 2.000000e+00 : f32
        %mul3A_990 = vector.broadcast %mul3A_989 : f32 to vector<16xf32>
        %mul3A_991 = arith.mulf %mul3A_990, %get3A_979 : vector<16xf32>
        %mul3A_992 = arith.mulf %mul3A_991, %add3A_923 : vector<16xf32>
        %add3A_993 = arith.addf %mul3A_988, %mul3A_992 : vector<16xf32>
        %add3A_994 = arith.addf %add3A_993, %add3A_925 : vector<16xf32>
        %add3A_995 = arith.addf %scan3A_163, %add3A_994 : vector<16xf32>
        %swap3A_996 = arith.index_cast %scan3A_157 : i32 to index
        %swap3A_997 = arith.constant 32 : index
        %swap3A_998 = tpu.vector_load %arg15[%swap3A_996, %swap3A_997] {strides = array<i32>} : memref<32x64xf32, #tpu.memory_space<vmem>>, vector<1x16xf32>,
        %swap3A_999 = vector.shape_cast %swap3A_998 : vector<1x16xf32> to vector<16xf32>
        %swap3A_1000 = vector.shape_cast %max3A_932 : vector<16xf32> to vector<1x16xf32>
        tpu.vector_store %arg15[%swap3A_996, %swap3A_997], %swap3A_1000 {strides = array<i32>} : memref<32x64xf32, #tpu.memory_space<vmem>>, vector<1x16xf32>,
        %get3A_1001 = arith.index_cast %scan3A_157 : i32 to index
        %get3A_1002 = arith.constant 32 : index
        %get3A_1003 = tpu.vector_load %arg13[%get3A_1001, %get3A_1002] {strides = array<i32>} : memref<32x64xf32, #tpu.memory_space<vmem>>, vector<1x16xf32>,
        %get3A_1004 = vector.shape_cast %get3A_1003 : vector<1x16xf32> to vector<16xf32>
        %mul3A_1005 = arith.constant 2.000000e+01 : f32
        %mul3A_1006 = vector.broadcast %mul3A_1005 : f32 to vector<16xf32>
        %mul3A_1007 = arith.mulf %mul3A_1006, %get3A_1004 : vector<16xf32>
        %add3A_1008 = arith.addf %mul3A_1007, %add3A_933 : vector<16xf32>
        %add3A_1009 = arith.addf %scan3A_160, %add3A_1008 : vector<16xf32>
        %mul3A_1010 = arith.constant 2.000000e+01 : f32
        %mul3A_1011 = vector.broadcast %mul3A_1010 : f32 to vector<16xf32>
        %mul3A_1012 = arith.mulf %mul3A_1011, %get3A_1004 : vector<16xf32>
        %mul3A_1013 = arith.mulf %mul3A_1012, %get3A_1004 : vector<16xf32>
        %mul3A_1014 = arith.constant 2.000000e+00 : f32
        %mul3A_1015 = vector.broadcast %mul3A_1014 : f32 to vector<16xf32>
        %mul3A_1016 = arith.mulf %mul3A_1015, %get3A_1004 : vector<16xf32>
        %mul3A_1017 = arith.mulf %mul3A_1016, %add3A_933 : vector<16xf32>
        %add3A_1018 = arith.addf %mul3A_1013, %mul3A_1017 : vector<16xf32>
        %add3A_1019 = arith.addf %add3A_1018, %add3A_935 : vector<16xf32>
        %add3A_1020 = arith.addf %scan3A_164, %add3A_1019 : vector<16xf32>
        %swap3A_1021 = arith.index_cast %scan3A_157 : i32 to index
        %swap3A_1022 = arith.constant 48 : index
        %swap3A_1023 = tpu.vector_load %arg15[%swap3A_1021, %swap3A_1022] {strides = array<i32>} : memref<32x64xf32, #tpu.memory_space<vmem>>, vector<1x16xf32>,
        %swap3A_1024 = vector.shape_cast %swap3A_1023 : vector<1x16xf32> to vector<16xf32>
        %swap3A_1025 = vector.shape_cast %max3A_942 : vector<16xf32> to vector<1x16xf32>
        tpu.vector_store %arg15[%swap3A_1021, %swap3A_1022], %swap3A_1025 {strides = array<i32>} : memref<32x64xf32, #tpu.memory_space<vmem>>, vector<1x16xf32>,
        %get3A_1026 = arith.index_cast %scan3A_157 : i32 to index
        %get3A_1027 = arith.constant 48 : index
        %get3A_1028 = tpu.vector_load %arg13[%get3A_1026, %get3A_1027] {strides = array<i32>} : memref<32x64xf32, #tpu.memory_space<vmem>>, vector<1x16xf32>,
        %get3A_1029 = vector.shape_cast %get3A_1028 : vector<1x16xf32> to vector<16xf32>
        %mul3A_1030 = arith.constant 2.000000e+01 : f32
        %mul3A_1031 = vector.broadcast %mul3A_1030 : f32 to vector<16xf32>
        %mul3A_1032 = arith.mulf %mul3A_1031, %get3A_1029 : vector<16xf32>
        %add3A_1033 = arith.addf %mul3A_1032, %add3A_943 : vector<16xf32>
        %add3A_1034 = arith.addf %scan3A_161, %add3A_1033 : vector<16xf32>
        %mul3A_1035 = arith.constant 2.000000e+01 : f32
        %mul3A_1036 = vector.broadcast %mul3A_1035 : f32 to vector<16xf32>
        %mul3A_1037 = arith.mulf %mul3A_1036, %get3A_1029 : vector<16xf32>
        %mul3A_1038 = arith.mulf %mul3A_1037, %get3A_1029 : vector<16xf32>
        %mul3A_1039 = arith.constant 2.000000e+00 : f32
        %mul3A_1040 = vector.broadcast %mul3A_1039 : f32 to vector<16xf32>
        %mul3A_1041 = arith.mulf %mul3A_1040, %get3A_1029 : vector<16xf32>
        %mul3A_1042 = arith.mulf %mul3A_1041, %add3A_943 : vector<16xf32>
        %add3A_1043 = arith.addf %mul3A_1038, %mul3A_1042 : vector<16xf32>
        %add3A_1044 = arith.addf %add3A_1043, %add3A_945 : vector<16xf32>
        %add3A_1045 = arith.addf %scan3A_165, %add3A_1044 : vector<16xf32>
        scf.yield %add3A_959, %add3A_984, %add3A_1009, %add3A_1034, %add3A_970, %add3A_995, %add3A_1020, %add3A_1045 : vector<16xf32>, vector<16xf32>, vector<16xf32>, vector<16xf32>, vector<16xf32>, vector<16xf32>, vector<16xf32>, vector<16xf32>
      }
      %scan3A_152 = arith.constant 32 : i32
      %dma_start3A_153 = arith.constant 0 : i32
      %dma_start3A_154 = tpu.memref_slice %arg5[%add3A_125, %dma_start3A_153] : memref<16384x64xf32, #tpu.memory_space<hbm>> -> memref<32x64xf32, #tpu.memory_space<hbm>>
      %dma_start3A_155 = arith.constant 0 : i32
      %dma_start3A_156 = tpu.memref_slice %arg5[%add3A_125, %dma_start3A_155] : memref<16384x64xf32, #tpu.memory_space<hbm>> -> memref<32x64xf32, #tpu.memory_space<hbm>>
      tpu.enqueue_dma source(%arg15 : memref<32x64xf32, #tpu.memory_space<vmem>>) target(%dma_start3A_156 : memref<32x64xf32, #tpu.memory_space<hbm>>) target_semaphore(%arg20 : memref<!tpu.dma_semaphore, #tpu.memory_space<semaphore_mem>>)
      scf.yield %scan3A_151#0, %scan3A_151#1, %scan3A_151#2, %scan3A_151#3, %scan3A_151#4, %scan3A_151#5, %scan3A_151#6, %scan3A_151#7 : vector<16xf32>, vector<16xf32>, vector<16xf32>, vector<16xf32>, vector<16xf32>, vector<16xf32>, vector<16xf32>, vector<16xf32>
    }
    %scan3A_16 = arith.constant 8 : i32
    %swap3A = arith.constant 0 : i32
    %swap3A_17 = arith.index_cast %swap3A : i32 to index
    %swap3A_18 = arith.constant 0 : index
    %swap3A_19 = tpu.vector_load %arg16[%swap3A_17, %swap3A_18] {strides = array<i32>} : memref<2x64xf32, #tpu.memory_space<vmem>>, vector<1x16xf32>,
    %swap3A_20 = vector.shape_cast %swap3A_19 : vector<1x16xf32> to vector<16xf32>
    %swap3A_21 = vector.shape_cast %scan3A_15#0 : vector<16xf32> to vector<1x16xf32>
    tpu.vector_store %arg16[%swap3A_17, %swap3A_18], %swap3A_21 {strides = array<i32>} : memref<2x64xf32, #tpu.memory_space<vmem>>, vector<1x16xf32>,
    %swap3A_22 = arith.constant 1 : i32
    %swap3A_23 = arith.index_cast %swap3A_22 : i32 to index
    %swap3A_24 = arith.constant 0 : index
    %swap3A_25 = tpu.vector_load %arg16[%swap3A_23, %swap3A_24] {strides = array<i32>} : memref<2x64xf32, #tpu.memory_space<vmem>>, vector<1x16xf32>,
    %swap3A_26 = vector.shape_cast %swap3A_25 : vector<1x16xf32> to vector<16xf32>
    %swap3A_27 = vector.shape_cast %scan3A_15#4 : vector<16xf32> to vector<1x16xf32>
    tpu.vector_store %arg16[%swap3A_23, %swap3A_24], %swap3A_27 {strides = array<i32>} : memref<2x64xf32, #tpu.memory_space<vmem>>, vector<1x16xf32>,
    %swap3A_28 = arith.constant 0 : i32
    %swap3A_29 = arith.index_cast %swap3A_28 : i32 to index
    %swap3A_30 = arith.constant 16 : index
    %swap3A_31 = tpu.vector_load %arg16[%swap3A_29, %swap3A_30] {strides = array<i32>} : memref<2x64xf32, #tpu.memory_space<vmem>>, vector<1x16xf32>,
    %swap3A_32 = vector.shape_cast %swap3A_31 : vector<1x16xf32> to vector<16xf32>
    %swap3A_33 = vector.shape_cast %scan3A_15#1 : vector<16xf32> to vector<1x16xf32>
    tpu.vector_store %arg16[%swap3A_29, %swap3A_30], %swap3A_33 {strides = array<i32>} : memref<2x64xf32, #tpu.memory_space<vmem>>, vector<1x16xf32>,
    %swap3A_34 = arith.constant 1 : i32
    %swap3A_35 = arith.index_cast %swap3A_34 : i32 to index
    %swap3A_36 = arith.constant 16 : index
    %swap3A_37 = tpu.vector_load %arg16[%swap3A_35, %swap3A_36] {strides = array<i32>} : memref<2x64xf32, #tpu.memory_space<vmem>>, vector<1x16xf32>,
    %swap3A_38 = vector.shape_cast %swap3A_37 : vector<1x16xf32> to vector<16xf32>
    %swap3A_39 = vector.shape_cast %scan3A_15#5 : vector<16xf32> to vector<1x16xf32>
    tpu.vector_store %arg16[%swap3A_35, %swap3A_36], %swap3A_39 {strides = array<i32>} : memref<2x64xf32, #tpu.memory_space<vmem>>, vector<1x16xf32>,
    %swap3A_40 = arith.constant 0 : i32
    %swap3A_41 = arith.index_cast %swap3A_40 : i32 to index
    %swap3A_42 = arith.constant 32 : index
    %swap3A_43 = tpu.vector_load %arg16[%swap3A_41, %swap3A_42] {strides = array<i32>} : memref<2x64xf32, #tpu.memory_space<vmem>>, vector<1x16xf32>,
    %swap3A_44 = vector.shape_cast %swap3A_43 : vector<1x16xf32> to vector<16xf32>
    %swap3A_45 = vector.shape_cast %scan3A_15#2 : vector<16xf32> to vector<1x16xf32>
    tpu.vector_store %arg16[%swap3A_41, %swap3A_42], %swap3A_45 {strides = array<i32>} : memref<2x64xf32, #tpu.memory_space<vmem>>, vector<1x16xf32>,
    %swap3A_46 = arith.constant 1 : i32
    %swap3A_47 = arith.index_cast %swap3A_46 : i32 to index
    %swap3A_48 = arith.constant 32 : index
    %swap3A_49 = tpu.vector_load %arg16[%swap3A_47, %swap3A_48] {strides = array<i32>} : memref<2x64xf32, #tpu.memory_space<vmem>>, vector<1x16xf32>,
    %swap3A_50 = vector.shape_cast %swap3A_49 : vector<1x16xf32> to vector<16xf32>
    %swap3A_51 = vector.shape_cast %scan3A_15#6 : vector<16xf32> to vector<1x16xf32>
    tpu.vector_store %arg16[%swap3A_47, %swap3A_48], %swap3A_51 {strides = array<i32>} : memref<2x64xf32, #tpu.memory_space<vmem>>, vector<1x16xf32>,
    %swap3A_52 = arith.constant 0 : i32
    %swap3A_53 = arith.index_cast %swap3A_52 : i32 to index
    %swap3A_54 = arith.constant 48 : index
    %swap3A_55 = tpu.vector_load %arg16[%swap3A_53, %swap3A_54] {strides = array<i32>} : memref<2x64xf32, #tpu.memory_space<vmem>>, vector<1x16xf32>,
    %swap3A_56 = vector.shape_cast %swap3A_55 : vector<1x16xf32> to vector<16xf32>
    %swap3A_57 = vector.shape_cast %scan3A_15#3 : vector<16xf32> to vector<1x16xf32>
    tpu.vector_store %arg16[%swap3A_53, %swap3A_54], %swap3A_57 {strides = array<i32>} : memref<2x64xf32, #tpu.memory_space<vmem>>, vector<1x16xf32>,
    %swap3A_58 = arith.constant 1 : i32
    %swap3A_59 = arith.index_cast %swap3A_58 : i32 to index
    %swap3A_60 = arith.constant 48 : index
    %swap3A_61 = tpu.vector_load %arg16[%swap3A_59, %swap3A_60] {strides = array<i32>} : memref<2x64xf32, #tpu.memory_space<vmem>>, vector<1x16xf32>,
    %swap3A_62 = vector.shape_cast %swap3A_61 : vector<1x16xf32> to vector<16xf32>
    %swap3A_63 = vector.shape_cast %scan3A_15#7 : vector<16xf32> to vector<1x16xf32>
    tpu.vector_store %arg16[%swap3A_59, %swap3A_60], %swap3A_63 {strides = array<i32>} : memref<2x64xf32, #tpu.memory_space<vmem>>, vector<1x16xf32>,
    %dma_wait3A = arith.constant 0 : i32
    %dma_wait3A_64 = arith.constant 0 : i32
    %dma_wait3A_65 = tpu.memref_slice %arg5[%dma_wait3A, %dma_wait3A_64] : memref<16384x64xf32, #tpu.memory_space<hbm>> -> memref<32x64xf32, #tpu.memory_space<hbm>>
    %dma_wait3A_66 = arith.constant 0 : i32
    %dma_wait3A_67 = arith.constant 0 : i32
    %dma_wait3A_68 = tpu.memref_slice %arg5[%dma_wait3A_66, %dma_wait3A_67] : memref<16384x64xf32, #tpu.memory_space<hbm>> -> memref<32x64xf32, #tpu.memory_space<hbm>>
    tpu.wait_dma2 semaphore(%arg19 : memref<!tpu.dma_semaphore, #tpu.memory_space<semaphore_mem>>) src(%dma_wait3A_68 : memref<32x64xf32, #tpu.memory_space<hbm>>) dst(%arg14 : memref<32x64xf32, #tpu.memory_space<vmem>>)
    %dma_wait3A_69 = arith.constant 0 : i32
    %dma_wait3A_70 = arith.constant 0 : i32
    %dma_wait3A_71 = tpu.memref_slice %arg5[%dma_wait3A_69, %dma_wait3A_70] : memref<16384x64xf32, #tpu.memory_space<hbm>> -> memref<32x64xf32, #tpu.memory_space<hbm>>
    %dma_wait3A_72 = arith.constant 0 : i32
    %dma_wait3A_73 = arith.constant 0 : i32
    %dma_wait3A_74 = tpu.memref_slice %arg5[%dma_wait3A_72, %dma_wait3A_73] : memref<16384x64xf32, #tpu.memory_space<hbm>> -> memref<32x64xf32, #tpu.memory_space<hbm>>
    tpu.wait_dma2 semaphore(%arg20 : memref<!tpu.dma_semaphore, #tpu.memory_space<semaphore_mem>>) src(%dma_wait3A_74 : memref<32x64xf32, #tpu.memory_space<hbm>>) dst(%arg15 : memref<32x64xf32, #tpu.memory_space<vmem>>)
    %run_scoped3A = arith.constant 0 : i32
    "tpu.region"() ({
      %run_scoped3A_76 = tpu.sem_alloc : memref<!tpu.dma_semaphore, #tpu.memory_space<semaphore_mem>>
      %dma_start3A_77 = arith.constant 0 : i32
      %dma_start3A_78 = tpu.memref_slice %arg16[%run_scoped3A, %dma_start3A_77] : memref<2x64xf32, #tpu.memory_space<vmem>> -> memref<1x64xf32, #tpu.memory_space<vmem>>
      %dma_start3A_79 = tpu.memref_squeeze %dma_start3A_78 : memref<1x64xf32, #tpu.memory_space<vmem>> -> memref<64xf32, #tpu.memory_space<vmem>>
      %dma_start3A_80 = arith.constant 0 : i32
      %dma_start3A_81 = tpu.memref_slice %arg6[%add3A, %dma_start3A_80] : memref<32x64xf32, #tpu.memory_space<hbm>> -> memref<1x64xf32, #tpu.memory_space<hbm>>
      %dma_start3A_82 = tpu.memref_squeeze %dma_start3A_81 : memref<1x64xf32, #tpu.memory_space<hbm>> -> memref<64xf32, #tpu.memory_space<hbm>>
      %dma_start3A_83 = arith.constant 0 : i32
      %dma_start3A_84 = tpu.memref_slice %arg6[%add3A, %dma_start3A_83] : memref<32x64xf32, #tpu.memory_space<hbm>> -> memref<1x64xf32, #tpu.memory_space<hbm>>
      %dma_start3A_85 = tpu.memref_squeeze %dma_start3A_84 : memref<1x64xf32, #tpu.memory_space<hbm>> -> memref<64xf32, #tpu.memory_space<hbm>>
      %dma_start3A_86 = arith.constant 0 : i32
      %dma_start3A_87 = tpu.memref_slice %arg16[%run_scoped3A, %dma_start3A_86] : memref<2x64xf32, #tpu.memory_space<vmem>> -> memref<1x64xf32, #tpu.memory_space<vmem>>
      %dma_start3A_88 = tpu.memref_squeeze %dma_start3A_87 : memref<1x64xf32, #tpu.memory_space<vmem>> -> memref<64xf32, #tpu.memory_space<vmem>>
      tpu.enqueue_dma source(%dma_start3A_88 : memref<64xf32, #tpu.memory_space<vmem>>) target(%dma_start3A_85 : memref<64xf32, #tpu.memory_space<hbm>>) target_semaphore(%run_scoped3A_76 : memref<!tpu.dma_semaphore, #tpu.memory_space<semaphore_mem>>)
      %dma_wait3A_89 = arith.constant 0 : i32
      %dma_wait3A_90 = tpu.memref_slice %arg16[%run_scoped3A, %dma_wait3A_89] : memref<2x64xf32, #tpu.memory_space<vmem>> -> memref<1x64xf32, #tpu.memory_space<vmem>>
      %dma_wait3A_91 = tpu.memref_squeeze %dma_wait3A_90 : memref<1x64xf32, #tpu.memory_space<vmem>> -> memref<64xf32, #tpu.memory_space<vmem>>
      %dma_wait3A_92 = arith.constant 0 : i32
      %dma_wait3A_93 = tpu.memref_slice %arg6[%add3A, %dma_wait3A_92] : memref<32x64xf32, #tpu.memory_space<hbm>> -> memref<1x64xf32, #tpu.memory_space<hbm>>
      %dma_wait3A_94 = tpu.memref_squeeze %dma_wait3A_93 : memref<1x64xf32, #tpu.memory_space<hbm>> -> memref<64xf32, #tpu.memory_space<hbm>>
      %dma_wait3A_95 = arith.constant 0 : i32
      %dma_wait3A_96 = tpu.memref_slice %arg6[%add3A, %dma_wait3A_95] : memref<32x64xf32, #tpu.memory_space<hbm>> -> memref<1x64xf32, #tpu.memory_space<hbm>>
      %dma_wait3A_97 = tpu.memref_squeeze %dma_wait3A_96 : memref<1x64xf32, #tpu.memory_space<hbm>> -> memref<64xf32, #tpu.memory_space<hbm>>
      %dma_wait3A_98 = arith.constant 0 : i32
      %dma_wait3A_99 = tpu.memref_slice %arg16[%run_scoped3A, %dma_wait3A_98] : memref<2x64xf32, #tpu.memory_space<vmem>> -> memref<1x64xf32, #tpu.memory_space<vmem>>
      %dma_wait3A_100 = tpu.memref_squeeze %dma_wait3A_99 : memref<1x64xf32, #tpu.memory_space<vmem>> -> memref<64xf32, #tpu.memory_space<vmem>>
      tpu.wait_dma2 semaphore(%run_scoped3A_76 : memref<!tpu.dma_semaphore, #tpu.memory_space<semaphore_mem>>) src(%dma_wait3A_100 : memref<64xf32, #tpu.memory_space<vmem>>) dst(%dma_wait3A_97 : memref<64xf32, #tpu.memory_space<hbm>>)
      tpu.yield
    }) : () -> ()
    %run_scoped3A_75 = arith.constant 1 : i32
    "tpu.region"() ({
      %run_scoped3A_76 = tpu.sem_alloc : memref<!tpu.dma_semaphore, #tpu.memory_space<semaphore_mem>>
      %dma_start3A_77 = arith.constant 0 : i32
      %dma_start3A_78 = tpu.memref_slice %arg16[%run_scoped3A_75, %dma_start3A_77] : memref<2x64xf32, #tpu.memory_space<vmem>> -> memref<1x64xf32, #tpu.memory_space<vmem>>
      %dma_start3A_79 = tpu.memref_squeeze %dma_start3A_78 : memref<1x64xf32, #tpu.memory_space<vmem>> -> memref<64xf32, #tpu.memory_space<vmem>>
      %dma_start3A_80 = arith.constant 0 : i32
      %dma_start3A_81 = tpu.memref_slice %arg7[%add3A, %dma_start3A_80] : memref<32x64xf32, #tpu.memory_space<hbm>> -> memref<1x64xf32, #tpu.memory_space<hbm>>
      %dma_start3A_82 = tpu.memref_squeeze %dma_start3A_81 : memref<1x64xf32, #tpu.memory_space<hbm>> -> memref<64xf32, #tpu.memory_space<hbm>>
      %dma_start3A_83 = arith.constant 0 : i32
      %dma_start3A_84 = tpu.memref_slice %arg7[%add3A, %dma_start3A_83] : memref<32x64xf32, #tpu.memory_space<hbm>> -> memref<1x64xf32, #tpu.memory_space<hbm>>
      %dma_start3A_85 = tpu.memref_squeeze %dma_start3A_84 : memref<1x64xf32, #tpu.memory_space<hbm>> -> memref<64xf32, #tpu.memory_space<hbm>>
      %dma_start3A_86 = arith.constant 0 : i32
      %dma_start3A_87 = tpu.memref_slice %arg16[%run_scoped3A_75, %dma_start3A_86] : memref<2x64xf32, #tpu.memory_space<vmem>> -> memref<1x64xf32, #tpu.memory_space<vmem>>
      %dma_start3A_88 = tpu.memref_squeeze %dma_start3A_87 : memref<1x64xf32, #tpu.memory_space<vmem>> -> memref<64xf32, #tpu.memory_space<vmem>>
      tpu.enqueue_dma source(%dma_start3A_88 : memref<64xf32, #tpu.memory_space<vmem>>) target(%dma_start3A_85 : memref<64xf32, #tpu.memory_space<hbm>>) target_semaphore(%run_scoped3A_76 : memref<!tpu.dma_semaphore, #tpu.memory_space<semaphore_mem>>)
      %dma_wait3A_89 = arith.constant 0 : i32
      %dma_wait3A_90 = tpu.memref_slice %arg16[%run_scoped3A_75, %dma_wait3A_89] : memref<2x64xf32, #tpu.memory_space<vmem>> -> memref<1x64xf32, #tpu.memory_space<vmem>>
      %dma_wait3A_91 = tpu.memref_squeeze %dma_wait3A_90 : memref<1x64xf32, #tpu.memory_space<vmem>> -> memref<64xf32, #tpu.memory_space<vmem>>
      %dma_wait3A_92 = arith.constant 0 : i32
      %dma_wait3A_93 = tpu.memref_slice %arg7[%add3A, %dma_wait3A_92] : memref<32x64xf32, #tpu.memory_space<hbm>> -> memref<1x64xf32, #tpu.memory_space<hbm>>
      %dma_wait3A_94 = tpu.memref_squeeze %dma_wait3A_93 : memref<1x64xf32, #tpu.memory_space<hbm>> -> memref<64xf32, #tpu.memory_space<hbm>>
      %dma_wait3A_95 = arith.constant 0 : i32
      %dma_wait3A_96 = tpu.memref_slice %arg7[%add3A, %dma_wait3A_95] : memref<32x64xf32, #tpu.memory_space<hbm>> -> memref<1x64xf32, #tpu.memory_space<hbm>>
      %dma_wait3A_97 = tpu.memref_squeeze %dma_wait3A_96 : memref<1x64xf32, #tpu.memory_space<hbm>> -> memref<64xf32, #tpu.memory_space<hbm>>
      %dma_wait3A_98 = arith.constant 0 : i32
      %dma_wait3A_99 = tpu.memref_slice %arg16[%run_scoped3A_75, %dma_wait3A_98] : memref<2x64xf32, #tpu.memory_space<vmem>> -> memref<1x64xf32, #tpu.memory_space<vmem>>
      %dma_wait3A_100 = tpu.memref_squeeze %dma_wait3A_99 : memref<1x64xf32, #tpu.memory_space<vmem>> -> memref<64xf32, #tpu.memory_space<vmem>>
      tpu.wait_dma2 semaphore(%run_scoped3A_76 : memref<!tpu.dma_semaphore, #tpu.memory_space<semaphore_mem>>) src(%dma_wait3A_100 : memref<64xf32, #tpu.memory_space<vmem>>) dst(%dma_wait3A_97 : memref<64xf32, #tpu.memory_space<hbm>>)
      tpu.yield
    }) : () -> ()
    return
  }
}

module attributes {stable_mosaic.version = 14 : i64} {
  func.func @_topk_body(%arg0: i32, %arg1: i32, %arg2: memref<1x256x64xf32, #tpu.memory_space<vmem>>, %arg3: memref<1x64x2048xf32, #tpu.memory_space<vmem>>, %arg4: memref<64x128xf32, #tpu.memory_space<vmem>>, %arg5: memref<256x20xi32, #tpu.memory_space<vmem>>, %arg6: memref<256x64xf32, #tpu.memory_space<vmem>>, %arg7: memref<256x64xf32, #tpu.memory_space<vmem>>) attributes {dimension_semantics = [#tpu.dimension_semantics<arbitrary>, #tpu.dimension_semantics<arbitrary>], iteration_bounds = array<i64: 8, 8>, scalar_prefetch = 0 : i64, scratch_operands = 0 : i64, tpu.core_type = #tpu.core_type<tc>, window_params = [{transform_indices = @transform_0, window_bounds = array<i64: 1, 256, 64>}, {transform_indices = @transform_1, window_bounds = array<i64: 1, 64, 2048>}, {pipeline_mode = #tpu.pipeline_mode<synchronous>, transform_indices = @transform_2, window_bounds = array<i64: 64, 128>}, {transform_indices = @transform_3, window_bounds = array<i64: 256, 20>}, {transform_indices = @transform_4, window_bounds = array<i64: 256, 64>}, {transform_indices = @transform_5, window_bounds = array<i64: 256, 64>}]} {
    %get3A = arith.constant 0 : index
    %get3A_0 = arith.constant 0 : index
    %get3A_1 = arith.constant 0 : index
    %get3A_2 = vector.load %arg2[%get3A, %get3A_0, %get3A_1] : memref<1x256x64xf32, #tpu.memory_space<vmem>>, vector<1x256x64xf32>
    %get3A_3 = vector.shape_cast %get3A_2 : vector<1x256x64xf32> to vector<256x64xf32>
    %get3A_4 = arith.constant 0 : index
    %get3A_5 = arith.constant 0 : index
    %get3A_6 = arith.constant 0 : index
    %get3A_7 = vector.load %arg3[%get3A_4, %get3A_5, %get3A_6] : memref<1x64x2048xf32, #tpu.memory_space<vmem>>, vector<1x64x2048xf32>
    %get3A_8 = vector.shape_cast %get3A_7 : vector<1x64x2048xf32> to vector<64x2048xf32>
    %mul3A = arith.constant -2.000000e+00 : f32
    %mul3A_9 = vector.broadcast %mul3A : f32 to vector<256x64xf32>
    %mul3A_10 = arith.mulf %mul3A_9, %get3A_3 : vector<256x64xf32>
    %dot_general3A = arith.constant dense<0.000000e+00> : vector<256x2048xf32>
    %dot_general3A_11 = tpu.matmul %mul3A_10, %get3A_8, %dot_general3A {dimension_numbers = #tpu.dot_dimension_numbers<[1], [0], [0], [1], [0, 0, 1, 1], [], []>, transpose_lhs_hint = false} : vector<256x64xf32>, vector<64x2048xf32>, vector<256x2048xf32> -> vector<256x2048xf32>
    %mul3A_12 = arith.mulf %get3A_3, %get3A_3 : vector<256x64xf32>
    %reduce_sum3A = arith.constant dense<0.000000e+00> : vector<256xf32>
    %reduce_sum3A_13 = vector.multi_reduction <add>, %mul3A_12, %reduce_sum3A [1] : vector<256x64xf32> to vector<256xf32>
    %broadcast_in_dim3A = vector.shape_cast %reduce_sum3A_13 : vector<256xf32> to vector<256x1xf32>
    %mul3A_14 = arith.mulf %get3A_8, %get3A_8 : vector<64x2048xf32>
    %reduce_sum3A_15 = arith.constant dense<0.000000e+00> : vector<2048xf32>
    %reduce_sum3A_16 = vector.multi_reduction <add>, %mul3A_14, %reduce_sum3A_15 [0] : vector<64x2048xf32> to vector<2048xf32>
    %broadcast_in_dim3A_17 = vector.shape_cast %reduce_sum3A_16 : vector<2048xf32> to vector<1x2048xf32>
    %add3A = arith.constant 1.000000e+00 : f32
    %add3A_18 = vector.broadcast %add3A : f32 to vector<1x2048xf32>
    %add3A_19 = arith.addf %broadcast_in_dim3A_17, %add3A_18 : vector<1x2048xf32>
    %add3A_20 = vector.broadcast %broadcast_in_dim3A : vector<256x1xf32> to vector<256x2048xf32>
    %add3A_21 = vector.broadcast %add3A_19 : vector<1x2048xf32> to vector<256x2048xf32>
    %add3A_22 = arith.addf %add3A_20, %add3A_21 : vector<256x2048xf32>
    %add3A_23 = arith.addf %add3A_22, %dot_general3A_11 : vector<256x2048xf32>
    %broadcast_in_dim3A_24 = arith.constant 0x7F800000 : f32
    %broadcast_in_dim3A_25 = vector.broadcast %broadcast_in_dim3A_24 : f32 to vector<256x128xf32>
    %slice3A = vector.extract_strided_slice %add3A_23 {offsets = [0, 0], sizes = [256, 128], strides = [1, 1]} : vector<256x2048xf32> to vector<256x128xf32>
    %bitcast_convert_type3A = tpu.bitcast %slice3A : vector<256x128xf32> -> vector<256x128xi32>
    %and3A = arith.constant -16 : i32
    %and3A_26 = vector.broadcast %and3A : i32 to vector<256x128xi32>
    %and3A_27 = arith.andi %bitcast_convert_type3A, %and3A_26 : vector<256x128xi32>
    %or3A = arith.constant 0 : i32
    %or3A_28 = vector.broadcast %or3A : i32 to vector<256x128xi32>
    %or3A_29 = arith.ori %and3A_27, %or3A_28 : vector<256x128xi32>
    %bitcast_convert_type3A_30 = tpu.bitcast %or3A_29 : vector<256x128xi32> -> vector<256x128xf32>
    %min3A = arith.minimumf %broadcast_in_dim3A_25, %bitcast_convert_type3A_30 : vector<256x128xf32>
    %max3A = arith.maximumf %broadcast_in_dim3A_25, %bitcast_convert_type3A_30 : vector<256x128xf32>
    %min3A_31 = arith.minimumf %broadcast_in_dim3A_25, %max3A : vector<256x128xf32>
    %max3A_32 = arith.maximumf %broadcast_in_dim3A_25, %max3A : vector<256x128xf32>
    %min3A_33 = arith.minimumf %broadcast_in_dim3A_25, %max3A_32 : vector<256x128xf32>
    %max3A_34 = arith.maximumf %broadcast_in_dim3A_25, %max3A_32 : vector<256x128xf32>
    %min3A_35 = arith.minimumf %broadcast_in_dim3A_25, %max3A_34 : vector<256x128xf32>
    %slice3A_36 = vector.extract_strided_slice %add3A_23 {offsets = [0, 128], sizes = [256, 128], strides = [1, 1]} : vector<256x2048xf32> to vector<256x128xf32>
    %bitcast_convert_type3A_37 = tpu.bitcast %slice3A_36 : vector<256x128xf32> -> vector<256x128xi32>
    %and3A_38 = arith.constant -16 : i32
    %and3A_39 = vector.broadcast %and3A_38 : i32 to vector<256x128xi32>
    %and3A_40 = arith.andi %bitcast_convert_type3A_37, %and3A_39 : vector<256x128xi32>
    %or3A_41 = arith.constant 1 : i32
    %or3A_42 = vector.broadcast %or3A_41 : i32 to vector<256x128xi32>
    %or3A_43 = arith.ori %and3A_40, %or3A_42 : vector<256x128xi32>
    %bitcast_convert_type3A_44 = tpu.bitcast %or3A_43 : vector<256x128xi32> -> vector<256x128xf32>
    %min3A_45 = arith.minimumf %min3A, %bitcast_convert_type3A_44 : vector<256x128xf32>
    %max3A_46 = arith.maximumf %min3A, %bitcast_convert_type3A_44 : vector<256x128xf32>
    %min3A_47 = arith.minimumf %min3A_31, %max3A_46 : vector<256x128xf32>
    %max3A_48 = arith.maximumf %min3A_31, %max3A_46 : vector<256x128xf32>
    %min3A_49 = arith.minimumf %min3A_33, %max3A_48 : vector<256x128xf32>
    %max3A_50 = arith.maximumf %min3A_33, %max3A_48 : vector<256x128xf32>
    %min3A_51 = arith.minimumf %min3A_35, %max3A_50 : vector<256x128xf32>
    %slice3A_52 = vector.extract_strided_slice %add3A_23 {offsets = [0, 256], sizes = [256, 128], strides = [1, 1]} : vector<256x2048xf32> to vector<256x128xf32>
    %bitcast_convert_type3A_53 = tpu.bitcast %slice3A_52 : vector<256x128xf32> -> vector<256x128xi32>
    %and3A_54 = arith.constant -16 : i32
    %and3A_55 = vector.broadcast %and3A_54 : i32 to vector<256x128xi32>
    %and3A_56 = arith.andi %bitcast_convert_type3A_53, %and3A_55 : vector<256x128xi32>
    %or3A_57 = arith.constant 2 : i32
    %or3A_58 = vector.broadcast %or3A_57 : i32 to vector<256x128xi32>
    %or3A_59 = arith.ori %and3A_56, %or3A_58 : vector<256x128xi32>
    %bitcast_convert_type3A_60 = tpu.bitcast %or3A_59 : vector<256x128xi32> -> vector<256x128xf32>
    %min3A_61 = arith.minimumf %min3A_45, %bitcast_convert_type3A_60 : vector<256x128xf32>
    %max3A_62 = arith.maximumf %min3A_45, %bitcast_convert_type3A_60 : vector<256x128xf32>
    %min3A_63 = arith.minimumf %min3A_47, %max3A_62 : vector<256x128xf32>
    %max3A_64 = arith.maximumf %min3A_47, %max3A_62 : vector<256x128xf32>
    %min3A_65 = arith.minimumf %min3A_49, %max3A_64 : vector<256x128xf32>
    %max3A_66 = arith.maximumf %min3A_49, %max3A_64 : vector<256x128xf32>
    %min3A_67 = arith.minimumf %min3A_51, %max3A_66 : vector<256x128xf32>
    %slice3A_68 = vector.extract_strided_slice %add3A_23 {offsets = [0, 384], sizes = [256, 128], strides = [1, 1]} : vector<256x2048xf32> to vector<256x128xf32>
    %bitcast_convert_type3A_69 = tpu.bitcast %slice3A_68 : vector<256x128xf32> -> vector<256x128xi32>
    %and3A_70 = arith.constant -16 : i32
    %and3A_71 = vector.broadcast %and3A_70 : i32 to vector<256x128xi32>
    %and3A_72 = arith.andi %bitcast_convert_type3A_69, %and3A_71 : vector<256x128xi32>
    %or3A_73 = arith.constant 3 : i32
    %or3A_74 = vector.broadcast %or3A_73 : i32 to vector<256x128xi32>
    %or3A_75 = arith.ori %and3A_72, %or3A_74 : vector<256x128xi32>
    %bitcast_convert_type3A_76 = tpu.bitcast %or3A_75 : vector<256x128xi32> -> vector<256x128xf32>
    %min3A_77 = arith.minimumf %min3A_61, %bitcast_convert_type3A_76 : vector<256x128xf32>
    %max3A_78 = arith.maximumf %min3A_61, %bitcast_convert_type3A_76 : vector<256x128xf32>
    %min3A_79 = arith.minimumf %min3A_63, %max3A_78 : vector<256x128xf32>
    %max3A_80 = arith.maximumf %min3A_63, %max3A_78 : vector<256x128xf32>
    %min3A_81 = arith.minimumf %min3A_65, %max3A_80 : vector<256x128xf32>
    %max3A_82 = arith.maximumf %min3A_65, %max3A_80 : vector<256x128xf32>
    %min3A_83 = arith.minimumf %min3A_67, %max3A_82 : vector<256x128xf32>
    %slice3A_84 = vector.extract_strided_slice %add3A_23 {offsets = [0, 512], sizes = [256, 128], strides = [1, 1]} : vector<256x2048xf32> to vector<256x128xf32>
    %bitcast_convert_type3A_85 = tpu.bitcast %slice3A_84 : vector<256x128xf32> -> vector<256x128xi32>
    %and3A_86 = arith.constant -16 : i32
    %and3A_87 = vector.broadcast %and3A_86 : i32 to vector<256x128xi32>
    %and3A_88 = arith.andi %bitcast_convert_type3A_85, %and3A_87 : vector<256x128xi32>
    %or3A_89 = arith.constant 4 : i32
    %or3A_90 = vector.broadcast %or3A_89 : i32 to vector<256x128xi32>
    %or3A_91 = arith.ori %and3A_88, %or3A_90 : vector<256x128xi32>
    %bitcast_convert_type3A_92 = tpu.bitcast %or3A_91 : vector<256x128xi32> -> vector<256x128xf32>
    %min3A_93 = arith.minimumf %min3A_77, %bitcast_convert_type3A_92 : vector<256x128xf32>
    %max3A_94 = arith.maximumf %min3A_77, %bitcast_convert_type3A_92 : vector<256x128xf32>
    %min3A_95 = arith.minimumf %min3A_79, %max3A_94 : vector<256x128xf32>
    %max3A_96 = arith.maximumf %min3A_79, %max3A_94 : vector<256x128xf32>
    %min3A_97 = arith.minimumf %min3A_81, %max3A_96 : vector<256x128xf32>
    %max3A_98 = arith.maximumf %min3A_81, %max3A_96 : vector<256x128xf32>
    %min3A_99 = arith.minimumf %min3A_83, %max3A_98 : vector<256x128xf32>
    %slice3A_100 = vector.extract_strided_slice %add3A_23 {offsets = [0, 640], sizes = [256, 128], strides = [1, 1]} : vector<256x2048xf32> to vector<256x128xf32>
    %bitcast_convert_type3A_101 = tpu.bitcast %slice3A_100 : vector<256x128xf32> -> vector<256x128xi32>
    %and3A_102 = arith.constant -16 : i32
    %and3A_103 = vector.broadcast %and3A_102 : i32 to vector<256x128xi32>
    %and3A_104 = arith.andi %bitcast_convert_type3A_101, %and3A_103 : vector<256x128xi32>
    %or3A_105 = arith.constant 5 : i32
    %or3A_106 = vector.broadcast %or3A_105 : i32 to vector<256x128xi32>
    %or3A_107 = arith.ori %and3A_104, %or3A_106 : vector<256x128xi32>
    %bitcast_convert_type3A_108 = tpu.bitcast %or3A_107 : vector<256x128xi32> -> vector<256x128xf32>
    %min3A_109 = arith.minimumf %min3A_93, %bitcast_convert_type3A_108 : vector<256x128xf32>
    %max3A_110 = arith.maximumf %min3A_93, %bitcast_convert_type3A_108 : vector<256x128xf32>
    %min3A_111 = arith.minimumf %min3A_95, %max3A_110 : vector<256x128xf32>
    %max3A_112 = arith.maximumf %min3A_95, %max3A_110 : vector<256x128xf32>
    %min3A_113 = arith.minimumf %min3A_97, %max3A_112 : vector<256x128xf32>
    %max3A_114 = arith.maximumf %min3A_97, %max3A_112 : vector<256x128xf32>
    %min3A_115 = arith.minimumf %min3A_99, %max3A_114 : vector<256x128xf32>
    %slice3A_116 = vector.extract_strided_slice %add3A_23 {offsets = [0, 768], sizes = [256, 128], strides = [1, 1]} : vector<256x2048xf32> to vector<256x128xf32>
    %bitcast_convert_type3A_117 = tpu.bitcast %slice3A_116 : vector<256x128xf32> -> vector<256x128xi32>
    %and3A_118 = arith.constant -16 : i32
    %and3A_119 = vector.broadcast %and3A_118 : i32 to vector<256x128xi32>
    %and3A_120 = arith.andi %bitcast_convert_type3A_117, %and3A_119 : vector<256x128xi32>
    %or3A_121 = arith.constant 6 : i32
    %or3A_122 = vector.broadcast %or3A_121 : i32 to vector<256x128xi32>
    %or3A_123 = arith.ori %and3A_120, %or3A_122 : vector<256x128xi32>
    %bitcast_convert_type3A_124 = tpu.bitcast %or3A_123 : vector<256x128xi32> -> vector<256x128xf32>
    %min3A_125 = arith.minimumf %min3A_109, %bitcast_convert_type3A_124 : vector<256x128xf32>
    %max3A_126 = arith.maximumf %min3A_109, %bitcast_convert_type3A_124 : vector<256x128xf32>
    %min3A_127 = arith.minimumf %min3A_111, %max3A_126 : vector<256x128xf32>
    %max3A_128 = arith.maximumf %min3A_111, %max3A_126 : vector<256x128xf32>
    %min3A_129 = arith.minimumf %min3A_113, %max3A_128 : vector<256x128xf32>
    %max3A_130 = arith.maximumf %min3A_113, %max3A_128 : vector<256x128xf32>
    %min3A_131 = arith.minimumf %min3A_115, %max3A_130 : vector<256x128xf32>
    %slice3A_132 = vector.extract_strided_slice %add3A_23 {offsets = [0, 896], sizes = [256, 128], strides = [1, 1]} : vector<256x2048xf32> to vector<256x128xf32>
    %bitcast_convert_type3A_133 = tpu.bitcast %slice3A_132 : vector<256x128xf32> -> vector<256x128xi32>
    %and3A_134 = arith.constant -16 : i32
    %and3A_135 = vector.broadcast %and3A_134 : i32 to vector<256x128xi32>
    %and3A_136 = arith.andi %bitcast_convert_type3A_133, %and3A_135 : vector<256x128xi32>
    %or3A_137 = arith.constant 7 : i32
    %or3A_138 = vector.broadcast %or3A_137 : i32 to vector<256x128xi32>
    %or3A_139 = arith.ori %and3A_136, %or3A_138 : vector<256x128xi32>
    %bitcast_convert_type3A_140 = tpu.bitcast %or3A_139 : vector<256x128xi32> -> vector<256x128xf32>
    %min3A_141 = arith.minimumf %min3A_125, %bitcast_convert_type3A_140 : vector<256x128xf32>
    %max3A_142 = arith.maximumf %min3A_125, %bitcast_convert_type3A_140 : vector<256x128xf32>
    %min3A_143 = arith.minimumf %min3A_127, %max3A_142 : vector<256x128xf32>
    %max3A_144 = arith.maximumf %min3A_127, %max3A_142 : vector<256x128xf32>
    %min3A_145 = arith.minimumf %min3A_129, %max3A_144 : vector<256x128xf32>
    %max3A_146 = arith.maximumf %min3A_129, %max3A_144 : vector<256x128xf32>
    %min3A_147 = arith.minimumf %min3A_131, %max3A_146 : vector<256x128xf32>
    %slice3A_148 = vector.extract_strided_slice %add3A_23 {offsets = [0, 1024], sizes = [256, 128], strides = [1, 1]} : vector<256x2048xf32> to vector<256x128xf32>
    %bitcast_convert_type3A_149 = tpu.bitcast %slice3A_148 : vector<256x128xf32> -> vector<256x128xi32>
    %and3A_150 = arith.constant -16 : i32
    %and3A_151 = vector.broadcast %and3A_150 : i32 to vector<256x128xi32>
    %and3A_152 = arith.andi %bitcast_convert_type3A_149, %and3A_151 : vector<256x128xi32>
    %or3A_153 = arith.constant 8 : i32
    %or3A_154 = vector.broadcast %or3A_153 : i32 to vector<256x128xi32>
    %or3A_155 = arith.ori %and3A_152, %or3A_154 : vector<256x128xi32>
    %bitcast_convert_type3A_156 = tpu.bitcast %or3A_155 : vector<256x128xi32> -> vector<256x128xf32>
    %min3A_157 = arith.minimumf %min3A_141, %bitcast_convert_type3A_156 : vector<256x128xf32>
    %max3A_158 = arith.maximumf %min3A_141, %bitcast_convert_type3A_156 : vector<256x128xf32>
    %min3A_159 = arith.minimumf %min3A_143, %max3A_158 : vector<256x128xf32>
    %max3A_160 = arith.maximumf %min3A_143, %max3A_158 : vector<256x128xf32>
    %min3A_161 = arith.minimumf %min3A_145, %max3A_160 : vector<256x128xf32>
    %max3A_162 = arith.maximumf %min3A_145, %max3A_160 : vector<256x128xf32>
    %min3A_163 = arith.minimumf %min3A_147, %max3A_162 : vector<256x128xf32>
    %slice3A_164 = vector.extract_strided_slice %add3A_23 {offsets = [0, 1152], sizes = [256, 128], strides = [1, 1]} : vector<256x2048xf32> to vector<256x128xf32>
    %bitcast_convert_type3A_165 = tpu.bitcast %slice3A_164 : vector<256x128xf32> -> vector<256x128xi32>
    %and3A_166 = arith.constant -16 : i32
    %and3A_167 = vector.broadcast %and3A_166 : i32 to vector<256x128xi32>
    %and3A_168 = arith.andi %bitcast_convert_type3A_165, %and3A_167 : vector<256x128xi32>
    %or3A_169 = arith.constant 9 : i32
    %or3A_170 = vector.broadcast %or3A_169 : i32 to vector<256x128xi32>
    %or3A_171 = arith.ori %and3A_168, %or3A_170 : vector<256x128xi32>
    %bitcast_convert_type3A_172 = tpu.bitcast %or3A_171 : vector<256x128xi32> -> vector<256x128xf32>
    %min3A_173 = arith.minimumf %min3A_157, %bitcast_convert_type3A_172 : vector<256x128xf32>
    %max3A_174 = arith.maximumf %min3A_157, %bitcast_convert_type3A_172 : vector<256x128xf32>
    %min3A_175 = arith.minimumf %min3A_159, %max3A_174 : vector<256x128xf32>
    %max3A_176 = arith.maximumf %min3A_159, %max3A_174 : vector<256x128xf32>
    %min3A_177 = arith.minimumf %min3A_161, %max3A_176 : vector<256x128xf32>
    %max3A_178 = arith.maximumf %min3A_161, %max3A_176 : vector<256x128xf32>
    %min3A_179 = arith.minimumf %min3A_163, %max3A_178 : vector<256x128xf32>
    %slice3A_180 = vector.extract_strided_slice %add3A_23 {offsets = [0, 1280], sizes = [256, 128], strides = [1, 1]} : vector<256x2048xf32> to vector<256x128xf32>
    %bitcast_convert_type3A_181 = tpu.bitcast %slice3A_180 : vector<256x128xf32> -> vector<256x128xi32>
    %and3A_182 = arith.constant -16 : i32
    %and3A_183 = vector.broadcast %and3A_182 : i32 to vector<256x128xi32>
    %and3A_184 = arith.andi %bitcast_convert_type3A_181, %and3A_183 : vector<256x128xi32>
    %or3A_185 = arith.constant 10 : i32
    %or3A_186 = vector.broadcast %or3A_185 : i32 to vector<256x128xi32>
    %or3A_187 = arith.ori %and3A_184, %or3A_186 : vector<256x128xi32>
    %bitcast_convert_type3A_188 = tpu.bitcast %or3A_187 : vector<256x128xi32> -> vector<256x128xf32>
    %min3A_189 = arith.minimumf %min3A_173, %bitcast_convert_type3A_188 : vector<256x128xf32>
    %max3A_190 = arith.maximumf %min3A_173, %bitcast_convert_type3A_188 : vector<256x128xf32>
    %min3A_191 = arith.minimumf %min3A_175, %max3A_190 : vector<256x128xf32>
    %max3A_192 = arith.maximumf %min3A_175, %max3A_190 : vector<256x128xf32>
    %min3A_193 = arith.minimumf %min3A_177, %max3A_192 : vector<256x128xf32>
    %max3A_194 = arith.maximumf %min3A_177, %max3A_192 : vector<256x128xf32>
    %min3A_195 = arith.minimumf %min3A_179, %max3A_194 : vector<256x128xf32>
    %slice3A_196 = vector.extract_strided_slice %add3A_23 {offsets = [0, 1408], sizes = [256, 128], strides = [1, 1]} : vector<256x2048xf32> to vector<256x128xf32>
    %bitcast_convert_type3A_197 = tpu.bitcast %slice3A_196 : vector<256x128xf32> -> vector<256x128xi32>
    %and3A_198 = arith.constant -16 : i32
    %and3A_199 = vector.broadcast %and3A_198 : i32 to vector<256x128xi32>
    %and3A_200 = arith.andi %bitcast_convert_type3A_197, %and3A_199 : vector<256x128xi32>
    %or3A_201 = arith.constant 11 : i32
    %or3A_202 = vector.broadcast %or3A_201 : i32 to vector<256x128xi32>
    %or3A_203 = arith.ori %and3A_200, %or3A_202 : vector<256x128xi32>
    %bitcast_convert_type3A_204 = tpu.bitcast %or3A_203 : vector<256x128xi32> -> vector<256x128xf32>
    %min3A_205 = arith.minimumf %min3A_189, %bitcast_convert_type3A_204 : vector<256x128xf32>
    %max3A_206 = arith.maximumf %min3A_189, %bitcast_convert_type3A_204 : vector<256x128xf32>
    %min3A_207 = arith.minimumf %min3A_191, %max3A_206 : vector<256x128xf32>
    %max3A_208 = arith.maximumf %min3A_191, %max3A_206 : vector<256x128xf32>
    %min3A_209 = arith.minimumf %min3A_193, %max3A_208 : vector<256x128xf32>
    %max3A_210 = arith.maximumf %min3A_193, %max3A_208 : vector<256x128xf32>
    %min3A_211 = arith.minimumf %min3A_195, %max3A_210 : vector<256x128xf32>
    %slice3A_212 = vector.extract_strided_slice %add3A_23 {offsets = [0, 1536], sizes = [256, 128], strides = [1, 1]} : vector<256x2048xf32> to vector<256x128xf32>
    %bitcast_convert_type3A_213 = tpu.bitcast %slice3A_212 : vector<256x128xf32> -> vector<256x128xi32>
    %and3A_214 = arith.constant -16 : i32
    %and3A_215 = vector.broadcast %and3A_214 : i32 to vector<256x128xi32>
    %and3A_216 = arith.andi %bitcast_convert_type3A_213, %and3A_215 : vector<256x128xi32>
    %or3A_217 = arith.constant 12 : i32
    %or3A_218 = vector.broadcast %or3A_217 : i32 to vector<256x128xi32>
    %or3A_219 = arith.ori %and3A_216, %or3A_218 : vector<256x128xi32>
    %bitcast_convert_type3A_220 = tpu.bitcast %or3A_219 : vector<256x128xi32> -> vector<256x128xf32>
    %min3A_221 = arith.minimumf %min3A_205, %bitcast_convert_type3A_220 : vector<256x128xf32>
    %max3A_222 = arith.maximumf %min3A_205, %bitcast_convert_type3A_220 : vector<256x128xf32>
    %min3A_223 = arith.minimumf %min3A_207, %max3A_222 : vector<256x128xf32>
    %max3A_224 = arith.maximumf %min3A_207, %max3A_222 : vector<256x128xf32>
    %min3A_225 = arith.minimumf %min3A_209, %max3A_224 : vector<256x128xf32>
    %max3A_226 = arith.maximumf %min3A_209, %max3A_224 : vector<256x128xf32>
    %min3A_227 = arith.minimumf %min3A_211, %max3A_226 : vector<256x128xf32>
    %slice3A_228 = vector.extract_strided_slice %add3A_23 {offsets = [0, 1664], sizes = [256, 128], strides = [1, 1]} : vector<256x2048xf32> to vector<256x128xf32>
    %bitcast_convert_type3A_229 = tpu.bitcast %slice3A_228 : vector<256x128xf32> -> vector<256x128xi32>
    %and3A_230 = arith.constant -16 : i32
    %and3A_231 = vector.broadcast %and3A_230 : i32 to vector<256x128xi32>
    %and3A_232 = arith.andi %bitcast_convert_type3A_229, %and3A_231 : vector<256x128xi32>
    %or3A_233 = arith.constant 13 : i32
    %or3A_234 = vector.broadcast %or3A_233 : i32 to vector<256x128xi32>
    %or3A_235 = arith.ori %and3A_232, %or3A_234 : vector<256x128xi32>
    %bitcast_convert_type3A_236 = tpu.bitcast %or3A_235 : vector<256x128xi32> -> vector<256x128xf32>
    %min3A_237 = arith.minimumf %min3A_221, %bitcast_convert_type3A_236 : vector<256x128xf32>
    %max3A_238 = arith.maximumf %min3A_221, %bitcast_convert_type3A_236 : vector<256x128xf32>
    %min3A_239 = arith.minimumf %min3A_223, %max3A_238 : vector<256x128xf32>
    %max3A_240 = arith.maximumf %min3A_223, %max3A_238 : vector<256x128xf32>
    %min3A_241 = arith.minimumf %min3A_225, %max3A_240 : vector<256x128xf32>
    %max3A_242 = arith.maximumf %min3A_225, %max3A_240 : vector<256x128xf32>
    %min3A_243 = arith.minimumf %min3A_227, %max3A_242 : vector<256x128xf32>
    %slice3A_244 = vector.extract_strided_slice %add3A_23 {offsets = [0, 1792], sizes = [256, 128], strides = [1, 1]} : vector<256x2048xf32> to vector<256x128xf32>
    %bitcast_convert_type3A_245 = tpu.bitcast %slice3A_244 : vector<256x128xf32> -> vector<256x128xi32>
    %and3A_246 = arith.constant -16 : i32
    %and3A_247 = vector.broadcast %and3A_246 : i32 to vector<256x128xi32>
    %and3A_248 = arith.andi %bitcast_convert_type3A_245, %and3A_247 : vector<256x128xi32>
    %or3A_249 = arith.constant 14 : i32
    %or3A_250 = vector.broadcast %or3A_249 : i32 to vector<256x128xi32>
    %or3A_251 = arith.ori %and3A_248, %or3A_250 : vector<256x128xi32>
    %bitcast_convert_type3A_252 = tpu.bitcast %or3A_251 : vector<256x128xi32> -> vector<256x128xf32>
    %min3A_253 = arith.minimumf %min3A_237, %bitcast_convert_type3A_252 : vector<256x128xf32>
    %max3A_254 = arith.maximumf %min3A_237, %bitcast_convert_type3A_252 : vector<256x128xf32>
    %min3A_255 = arith.minimumf %min3A_239, %max3A_254 : vector<256x128xf32>
    %max3A_256 = arith.maximumf %min3A_239, %max3A_254 : vector<256x128xf32>
    %min3A_257 = arith.minimumf %min3A_241, %max3A_256 : vector<256x128xf32>
    %max3A_258 = arith.maximumf %min3A_241, %max3A_256 : vector<256x128xf32>
    %min3A_259 = arith.minimumf %min3A_243, %max3A_258 : vector<256x128xf32>
    %slice3A_260 = vector.extract_strided_slice %add3A_23 {offsets = [0, 1920], sizes = [256, 128], strides = [1, 1]} : vector<256x2048xf32> to vector<256x128xf32>
    %bitcast_convert_type3A_261 = tpu.bitcast %slice3A_260 : vector<256x128xf32> -> vector<256x128xi32>
    %and3A_262 = arith.constant -16 : i32
    %and3A_263 = vector.broadcast %and3A_262 : i32 to vector<256x128xi32>
    %and3A_264 = arith.andi %bitcast_convert_type3A_261, %and3A_263 : vector<256x128xi32>
    %or3A_265 = arith.constant 15 : i32
    %or3A_266 = vector.broadcast %or3A_265 : i32 to vector<256x128xi32>
    %or3A_267 = arith.ori %and3A_264, %or3A_266 : vector<256x128xi32>
    %bitcast_convert_type3A_268 = tpu.bitcast %or3A_267 : vector<256x128xi32> -> vector<256x128xf32>
    %min3A_269 = arith.minimumf %min3A_253, %bitcast_convert_type3A_268 : vector<256x128xf32>
    %max3A_270 = arith.maximumf %min3A_253, %bitcast_convert_type3A_268 : vector<256x128xf32>
    %min3A_271 = arith.minimumf %min3A_255, %max3A_270 : vector<256x128xf32>
    %max3A_272 = arith.maximumf %min3A_255, %max3A_270 : vector<256x128xf32>
    %min3A_273 = arith.minimumf %min3A_257, %max3A_272 : vector<256x128xf32>
    %max3A_274 = arith.maximumf %min3A_257, %max3A_272 : vector<256x128xf32>
    %min3A_275 = arith.minimumf %min3A_259, %max3A_274 : vector<256x128xf32>
    %concatenate3A = tpu.concatenate %min3A_269, %min3A_271, %min3A_273, %min3A_275 in 1 : vector<256x128xf32>, vector<256x128xf32>, vector<256x128xf32>, vector<256x128xf32> -> vector<256x512xf32>
    %iota3A = tpu.iota {dimensions = array<i32: 1>} : vector<256x512xi32>
    %convert_element_type3A = arith.sitofp %iota3A : vector<256x512xi32> to vector<256x512xf32>
    %reduce_min3A = arith.constant dense<0x7F800000> : vector<256xf32>
    %reduce_min3A_276 = vector.multi_reduction <minimumf>, %concatenate3A, %reduce_min3A [1] : vector<256x512xf32> to vector<256xf32>
    %broadcast_in_dim3A_277 = vector.shape_cast %reduce_min3A_276 : vector<256xf32> to vector<256x1xf32>
    %eq3A = vector.broadcast %broadcast_in_dim3A_277 : vector<256x1xf32> to vector<256x512xf32>
    %eq3A_278 = arith.cmpf oeq, %concatenate3A, %eq3A : vector<256x512xf32>
    %jit3A = arith.constant 1.024000e+03 : f32
    %broadcast_in_dim3A_279 = vector.broadcast %jit3A : f32 to vector<256x512xf32>
    %select_n3A = arith.select %eq3A_278, %convert_element_type3A, %broadcast_in_dim3A_279 : vector<256x512xi1>, vector<256x512xf32>
    %reduce_min3A_280 = arith.constant dense<0x7F800000> : vector<256xf32>
    %reduce_min3A_281 = vector.multi_reduction <minimumf>, %select_n3A, %reduce_min3A_280 [1] : vector<256x512xf32> to vector<256xf32>
    %broadcast_in_dim3A_282 = vector.shape_cast %reduce_min3A_281 : vector<256xf32> to vector<256x1xf32>
    %jit3A_283 = arith.constant 0x7F800000 : f32
    %broadcast_in_dim3A_284 = vector.broadcast %jit3A_283 : f32 to vector<256x512xf32>
    %select_n3A_285 = arith.select %eq3A_278, %broadcast_in_dim3A_284, %concatenate3A : vector<256x512xi1>, vector<256x512xf32>
    %bitcast_convert_type3A_286 = tpu.bitcast %broadcast_in_dim3A_277 : vector<256x1xf32> -> vector<256x1xi32>
    %and3A_287 = arith.constant 15 : i32
    %and3A_288 = vector.broadcast %and3A_287 : i32 to vector<256x1xi32>
    %and3A_289 = arith.andi %bitcast_convert_type3A_286, %and3A_288 : vector<256x1xi32>
    %mul3A_290 = arith.constant 128 : i32
    %mul3A_291 = vector.broadcast %mul3A_290 : i32 to vector<256x1xi32>
    %mul3A_292 = arith.muli %and3A_289, %mul3A_291 : vector<256x1xi32>
    %convert_element_type3A_293 = arith.fptosi %broadcast_in_dim3A_282 : vector<256x1xf32> to vector<256x1xi32>
    %and3A_294 = arith.constant 127 : i32
    %and3A_295 = vector.broadcast %and3A_294 : i32 to vector<256x1xi32>
    %and3A_296 = arith.andi %convert_element_type3A_293, %and3A_295 : vector<256x1xi32>
    %add3A_297 = arith.addi %mul3A_292, %and3A_296 : vector<256x1xi32>
    %reduce_min3A_298 = arith.constant dense<0x7F800000> : vector<256xf32>
    %reduce_min3A_299 = vector.multi_reduction <minimumf>, %select_n3A_285, %reduce_min3A_298 [1] : vector<256x512xf32> to vector<256xf32>
    %broadcast_in_dim3A_300 = vector.shape_cast %reduce_min3A_299 : vector<256xf32> to vector<256x1xf32>
    %eq3A_301 = vector.broadcast %broadcast_in_dim3A_300 : vector<256x1xf32> to vector<256x512xf32>
    %eq3A_302 = arith.cmpf oeq, %select_n3A_285, %eq3A_301 : vector<256x512xf32>
    %jit3A_303 = arith.constant 1.024000e+03 : f32
    %broadcast_in_dim3A_304 = vector.broadcast %jit3A_303 : f32 to vector<256x512xf32>
    %select_n3A_305 = arith.select %eq3A_302, %convert_element_type3A, %broadcast_in_dim3A_304 : vector<256x512xi1>, vector<256x512xf32>
    %reduce_min3A_306 = arith.constant dense<0x7F800000> : vector<256xf32>
    %reduce_min3A_307 = vector.multi_reduction <minimumf>, %select_n3A_305, %reduce_min3A_306 [1] : vector<256x512xf32> to vector<256xf32>
    %broadcast_in_dim3A_308 = vector.shape_cast %reduce_min3A_307 : vector<256xf32> to vector<256x1xf32>
    %jit3A_309 = arith.constant 0x7F800000 : f32
    %broadcast_in_dim3A_310 = vector.broadcast %jit3A_309 : f32 to vector<256x512xf32>
    %select_n3A_311 = arith.select %eq3A_302, %broadcast_in_dim3A_310, %select_n3A_285 : vector<256x512xi1>, vector<256x512xf32>
    %bitcast_convert_type3A_312 = tpu.bitcast %broadcast_in_dim3A_300 : vector<256x1xf32> -> vector<256x1xi32>
    %and3A_313 = arith.constant 15 : i32
    %and3A_314 = vector.broadcast %and3A_313 : i32 to vector<256x1xi32>
    %and3A_315 = arith.andi %bitcast_convert_type3A_312, %and3A_314 : vector<256x1xi32>
    %mul3A_316 = arith.constant 128 : i32
    %mul3A_317 = vector.broadcast %mul3A_316 : i32 to vector<256x1xi32>
    %mul3A_318 = arith.muli %and3A_315, %mul3A_317 : vector<256x1xi32>
    %convert_element_type3A_319 = arith.fptosi %broadcast_in_dim3A_308 : vector<256x1xf32> to vector<256x1xi32>
    %and3A_320 = arith.constant 127 : i32
    %and3A_321 = vector.broadcast %and3A_320 : i32 to vector<256x1xi32>
    %and3A_322 = arith.andi %convert_element_type3A_319, %and3A_321 : vector<256x1xi32>
    %add3A_323 = arith.addi %mul3A_318, %and3A_322 : vector<256x1xi32>
    %reduce_min3A_324 = arith.constant dense<0x7F800000> : vector<256xf32>
    %reduce_min3A_325 = vector.multi_reduction <minimumf>, %select_n3A_311, %reduce_min3A_324 [1] : vector<256x512xf32> to vector<256xf32>
    %broadcast_in_dim3A_326 = vector.shape_cast %reduce_min3A_325 : vector<256xf32> to vector<256x1xf32>
    %eq3A_327 = vector.broadcast %broadcast_in_dim3A_326 : vector<256x1xf32> to vector<256x512xf32>
    %eq3A_328 = arith.cmpf oeq, %select_n3A_311, %eq3A_327 : vector<256x512xf32>
    %jit3A_329 = arith.constant 1.024000e+03 : f32
    %broadcast_in_dim3A_330 = vector.broadcast %jit3A_329 : f32 to vector<256x512xf32>
    %select_n3A_331 = arith.select %eq3A_328, %convert_element_type3A, %broadcast_in_dim3A_330 : vector<256x512xi1>, vector<256x512xf32>
    %reduce_min3A_332 = arith.constant dense<0x7F800000> : vector<256xf32>
    %reduce_min3A_333 = vector.multi_reduction <minimumf>, %select_n3A_331, %reduce_min3A_332 [1] : vector<256x512xf32> to vector<256xf32>
    %broadcast_in_dim3A_334 = vector.shape_cast %reduce_min3A_333 : vector<256xf32> to vector<256x1xf32>
    %jit3A_335 = arith.constant 0x7F800000 : f32
    %broadcast_in_dim3A_336 = vector.broadcast %jit3A_335 : f32 to vector<256x512xf32>
    %select_n3A_337 = arith.select %eq3A_328, %broadcast_in_dim3A_336, %select_n3A_311 : vector<256x512xi1>, vector<256x512xf32>
    %bitcast_convert_type3A_338 = tpu.bitcast %broadcast_in_dim3A_326 : vector<256x1xf32> -> vector<256x1xi32>
    %and3A_339 = arith.constant 15 : i32
    %and3A_340 = vector.broadcast %and3A_339 : i32 to vector<256x1xi32>
    %and3A_341 = arith.andi %bitcast_convert_type3A_338, %and3A_340 : vector<256x1xi32>
    %mul3A_342 = arith.constant 128 : i32
    %mul3A_343 = vector.broadcast %mul3A_342 : i32 to vector<256x1xi32>
    %mul3A_344 = arith.muli %and3A_341, %mul3A_343 : vector<256x1xi32>
    %convert_element_type3A_345 = arith.fptosi %broadcast_in_dim3A_334 : vector<256x1xf32> to vector<256x1xi32>
    %and3A_346 = arith.constant 127 : i32
    %and3A_347 = vector.broadcast %and3A_346 : i32 to vector<256x1xi32>
    %and3A_348 = arith.andi %convert_element_type3A_345, %and3A_347 : vector<256x1xi32>
    %add3A_349 = arith.addi %mul3A_344, %and3A_348 : vector<256x1xi32>
    %reduce_min3A_350 = arith.constant dense<0x7F800000> : vector<256xf32>
    %reduce_min3A_351 = vector.multi_reduction <minimumf>, %select_n3A_337, %reduce_min3A_350 [1] : vector<256x512xf32> to vector<256xf32>
    %broadcast_in_dim3A_352 = vector.shape_cast %reduce_min3A_351 : vector<256xf32> to vector<256x1xf32>
    %eq3A_353 = vector.broadcast %broadcast_in_dim3A_352 : vector<256x1xf32> to vector<256x512xf32>
    %eq3A_354 = arith.cmpf oeq, %select_n3A_337, %eq3A_353 : vector<256x512xf32>
    %jit3A_355 = arith.constant 1.024000e+03 : f32
    %broadcast_in_dim3A_356 = vector.broadcast %jit3A_355 : f32 to vector<256x512xf32>
    %select_n3A_357 = arith.select %eq3A_354, %convert_element_type3A, %broadcast_in_dim3A_356 : vector<256x512xi1>, vector<256x512xf32>
    %reduce_min3A_358 = arith.constant dense<0x7F800000> : vector<256xf32>
    %reduce_min3A_359 = vector.multi_reduction <minimumf>, %select_n3A_357, %reduce_min3A_358 [1] : vector<256x512xf32> to vector<256xf32>
    %broadcast_in_dim3A_360 = vector.shape_cast %reduce_min3A_359 : vector<256xf32> to vector<256x1xf32>
    %jit3A_361 = arith.constant 0x7F800000 : f32
    %broadcast_in_dim3A_362 = vector.broadcast %jit3A_361 : f32 to vector<256x512xf32>
    %select_n3A_363 = arith.select %eq3A_354, %broadcast_in_dim3A_362, %select_n3A_337 : vector<256x512xi1>, vector<256x512xf32>
    %bitcast_convert_type3A_364 = tpu.bitcast %broadcast_in_dim3A_352 : vector<256x1xf32> -> vector<256x1xi32>
    %and3A_365 = arith.constant 15 : i32
    %and3A_366 = vector.broadcast %and3A_365 : i32 to vector<256x1xi32>
    %and3A_367 = arith.andi %bitcast_convert_type3A_364, %and3A_366 : vector<256x1xi32>
    %mul3A_368 = arith.constant 128 : i32
    %mul3A_369 = vector.broadcast %mul3A_368 : i32 to vector<256x1xi32>
    %mul3A_370 = arith.muli %and3A_367, %mul3A_369 : vector<256x1xi32>
    %convert_element_type3A_371 = arith.fptosi %broadcast_in_dim3A_360 : vector<256x1xf32> to vector<256x1xi32>
    %and3A_372 = arith.constant 127 : i32
    %and3A_373 = vector.broadcast %and3A_372 : i32 to vector<256x1xi32>
    %and3A_374 = arith.andi %convert_element_type3A_371, %and3A_373 : vector<256x1xi32>
    %add3A_375 = arith.addi %mul3A_370, %and3A_374 : vector<256x1xi32>
    %reduce_min3A_376 = arith.constant dense<0x7F800000> : vector<256xf32>
    %reduce_min3A_377 = vector.multi_reduction <minimumf>, %select_n3A_363, %reduce_min3A_376 [1] : vector<256x512xf32> to vector<256xf32>
    %broadcast_in_dim3A_378 = vector.shape_cast %reduce_min3A_377 : vector<256xf32> to vector<256x1xf32>
    %eq3A_379 = vector.broadcast %broadcast_in_dim3A_378 : vector<256x1xf32> to vector<256x512xf32>
    %eq3A_380 = arith.cmpf oeq, %select_n3A_363, %eq3A_379 : vector<256x512xf32>
    %jit3A_381 = arith.constant 1.024000e+03 : f32
    %broadcast_in_dim3A_382 = vector.broadcast %jit3A_381 : f32 to vector<256x512xf32>
    %select_n3A_383 = arith.select %eq3A_380, %convert_element_type3A, %broadcast_in_dim3A_382 : vector<256x512xi1>, vector<256x512xf32>
    %reduce_min3A_384 = arith.constant dense<0x7F800000> : vector<256xf32>
    %reduce_min3A_385 = vector.multi_reduction <minimumf>, %select_n3A_383, %reduce_min3A_384 [1] : vector<256x512xf32> to vector<256xf32>
    %broadcast_in_dim3A_386 = vector.shape_cast %reduce_min3A_385 : vector<256xf32> to vector<256x1xf32>
    %jit3A_387 = arith.constant 0x7F800000 : f32
    %broadcast_in_dim3A_388 = vector.broadcast %jit3A_387 : f32 to vector<256x512xf32>
    %select_n3A_389 = arith.select %eq3A_380, %broadcast_in_dim3A_388, %select_n3A_363 : vector<256x512xi1>, vector<256x512xf32>
    %bitcast_convert_type3A_390 = tpu.bitcast %broadcast_in_dim3A_378 : vector<256x1xf32> -> vector<256x1xi32>
    %and3A_391 = arith.constant 15 : i32
    %and3A_392 = vector.broadcast %and3A_391 : i32 to vector<256x1xi32>
    %and3A_393 = arith.andi %bitcast_convert_type3A_390, %and3A_392 : vector<256x1xi32>
    %mul3A_394 = arith.constant 128 : i32
    %mul3A_395 = vector.broadcast %mul3A_394 : i32 to vector<256x1xi32>
    %mul3A_396 = arith.muli %and3A_393, %mul3A_395 : vector<256x1xi32>
    %convert_element_type3A_397 = arith.fptosi %broadcast_in_dim3A_386 : vector<256x1xf32> to vector<256x1xi32>
    %and3A_398 = arith.constant 127 : i32
    %and3A_399 = vector.broadcast %and3A_398 : i32 to vector<256x1xi32>
    %and3A_400 = arith.andi %convert_element_type3A_397, %and3A_399 : vector<256x1xi32>
    %add3A_401 = arith.addi %mul3A_396, %and3A_400 : vector<256x1xi32>
    %reduce_min3A_402 = arith.constant dense<0x7F800000> : vector<256xf32>
    %reduce_min3A_403 = vector.multi_reduction <minimumf>, %select_n3A_389, %reduce_min3A_402 [1] : vector<256x512xf32> to vector<256xf32>
    %broadcast_in_dim3A_404 = vector.shape_cast %reduce_min3A_403 : vector<256xf32> to vector<256x1xf32>
    %eq3A_405 = vector.broadcast %broadcast_in_dim3A_404 : vector<256x1xf32> to vector<256x512xf32>
    %eq3A_406 = arith.cmpf oeq, %select_n3A_389, %eq3A_405 : vector<256x512xf32>
    %jit3A_407 = arith.constant 1.024000e+03 : f32
    %broadcast_in_dim3A_408 = vector.broadcast %jit3A_407 : f32 to vector<256x512xf32>
    %select_n3A_409 = arith.select %eq3A_406, %convert_element_type3A, %broadcast_in_dim3A_408 : vector<256x512xi1>, vector<256x512xf32>
    %reduce_min3A_410 = arith.constant dense<0x7F800000> : vector<256xf32>
    %reduce_min3A_411 = vector.multi_reduction <minimumf>, %select_n3A_409, %reduce_min3A_410 [1] : vector<256x512xf32> to vector<256xf32>
    %broadcast_in_dim3A_412 = vector.shape_cast %reduce_min3A_411 : vector<256xf32> to vector<256x1xf32>
    %jit3A_413 = arith.constant 0x7F800000 : f32
    %broadcast_in_dim3A_414 = vector.broadcast %jit3A_413 : f32 to vector<256x512xf32>
    %select_n3A_415 = arith.select %eq3A_406, %broadcast_in_dim3A_414, %select_n3A_389 : vector<256x512xi1>, vector<256x512xf32>
    %bitcast_convert_type3A_416 = tpu.bitcast %broadcast_in_dim3A_404 : vector<256x1xf32> -> vector<256x1xi32>
    %and3A_417 = arith.constant 15 : i32
    %and3A_418 = vector.broadcast %and3A_417 : i32 to vector<256x1xi32>
    %and3A_419 = arith.andi %bitcast_convert_type3A_416, %and3A_418 : vector<256x1xi32>
    %mul3A_420 = arith.constant 128 : i32
    %mul3A_421 = vector.broadcast %mul3A_420 : i32 to vector<256x1xi32>
    %mul3A_422 = arith.muli %and3A_419, %mul3A_421 : vector<256x1xi32>
    %convert_element_type3A_423 = arith.fptosi %broadcast_in_dim3A_412 : vector<256x1xf32> to vector<256x1xi32>
    %and3A_424 = arith.constant 127 : i32
    %and3A_425 = vector.broadcast %and3A_424 : i32 to vector<256x1xi32>
    %and3A_426 = arith.andi %convert_element_type3A_423, %and3A_425 : vector<256x1xi32>
    %add3A_427 = arith.addi %mul3A_422, %and3A_426 : vector<256x1xi32>
    %reduce_min3A_428 = arith.constant dense<0x7F800000> : vector<256xf32>
    %reduce_min3A_429 = vector.multi_reduction <minimumf>, %select_n3A_415, %reduce_min3A_428 [1] : vector<256x512xf32> to vector<256xf32>
    %broadcast_in_dim3A_430 = vector.shape_cast %reduce_min3A_429 : vector<256xf32> to vector<256x1xf32>
    %eq3A_431 = vector.broadcast %broadcast_in_dim3A_430 : vector<256x1xf32> to vector<256x512xf32>
    %eq3A_432 = arith.cmpf oeq, %select_n3A_415, %eq3A_431 : vector<256x512xf32>
    %jit3A_433 = arith.constant 1.024000e+03 : f32
    %broadcast_in_dim3A_434 = vector.broadcast %jit3A_433 : f32 to vector<256x512xf32>
    %select_n3A_435 = arith.select %eq3A_432, %convert_element_type3A, %broadcast_in_dim3A_434 : vector<256x512xi1>, vector<256x512xf32>
    %reduce_min3A_436 = arith.constant dense<0x7F800000> : vector<256xf32>
    %reduce_min3A_437 = vector.multi_reduction <minimumf>, %select_n3A_435, %reduce_min3A_436 [1] : vector<256x512xf32> to vector<256xf32>
    %broadcast_in_dim3A_438 = vector.shape_cast %reduce_min3A_437 : vector<256xf32> to vector<256x1xf32>
    %jit3A_439 = arith.constant 0x7F800000 : f32
    %broadcast_in_dim3A_440 = vector.broadcast %jit3A_439 : f32 to vector<256x512xf32>
    %select_n3A_441 = arith.select %eq3A_432, %broadcast_in_dim3A_440, %select_n3A_415 : vector<256x512xi1>, vector<256x512xf32>
    %bitcast_convert_type3A_442 = tpu.bitcast %broadcast_in_dim3A_430 : vector<256x1xf32> -> vector<256x1xi32>
    %and3A_443 = arith.constant 15 : i32
    %and3A_444 = vector.broadcast %and3A_443 : i32 to vector<256x1xi32>
    %and3A_445 = arith.andi %bitcast_convert_type3A_442, %and3A_444 : vector<256x1xi32>
    %mul3A_446 = arith.constant 128 : i32
    %mul3A_447 = vector.broadcast %mul3A_446 : i32 to vector<256x1xi32>
    %mul3A_448 = arith.muli %and3A_445, %mul3A_447 : vector<256x1xi32>
    %convert_element_type3A_449 = arith.fptosi %broadcast_in_dim3A_438 : vector<256x1xf32> to vector<256x1xi32>
    %and3A_450 = arith.constant 127 : i32
    %and3A_451 = vector.broadcast %and3A_450 : i32 to vector<256x1xi32>
    %and3A_452 = arith.andi %convert_element_type3A_449, %and3A_451 : vector<256x1xi32>
    %add3A_453 = arith.addi %mul3A_448, %and3A_452 : vector<256x1xi32>
    %reduce_min3A_454 = arith.constant dense<0x7F800000> : vector<256xf32>
    %reduce_min3A_455 = vector.multi_reduction <minimumf>, %select_n3A_441, %reduce_min3A_454 [1] : vector<256x512xf32> to vector<256xf32>
    %broadcast_in_dim3A_456 = vector.shape_cast %reduce_min3A_455 : vector<256xf32> to vector<256x1xf32>
    %eq3A_457 = vector.broadcast %broadcast_in_dim3A_456 : vector<256x1xf32> to vector<256x512xf32>
    %eq3A_458 = arith.cmpf oeq, %select_n3A_441, %eq3A_457 : vector<256x512xf32>
    %jit3A_459 = arith.constant 1.024000e+03 : f32
    %broadcast_in_dim3A_460 = vector.broadcast %jit3A_459 : f32 to vector<256x512xf32>
    %select_n3A_461 = arith.select %eq3A_458, %convert_element_type3A, %broadcast_in_dim3A_460 : vector<256x512xi1>, vector<256x512xf32>
    %reduce_min3A_462 = arith.constant dense<0x7F800000> : vector<256xf32>
    %reduce_min3A_463 = vector.multi_reduction <minimumf>, %select_n3A_461, %reduce_min3A_462 [1] : vector<256x512xf32> to vector<256xf32>
    %broadcast_in_dim3A_464 = vector.shape_cast %reduce_min3A_463 : vector<256xf32> to vector<256x1xf32>
    %jit3A_465 = arith.constant 0x7F800000 : f32
    %broadcast_in_dim3A_466 = vector.broadcast %jit3A_465 : f32 to vector<256x512xf32>
    %select_n3A_467 = arith.select %eq3A_458, %broadcast_in_dim3A_466, %select_n3A_441 : vector<256x512xi1>, vector<256x512xf32>
    %bitcast_convert_type3A_468 = tpu.bitcast %broadcast_in_dim3A_456 : vector<256x1xf32> -> vector<256x1xi32>
    %and3A_469 = arith.constant 15 : i32
    %and3A_470 = vector.broadcast %and3A_469 : i32 to vector<256x1xi32>
    %and3A_471 = arith.andi %bitcast_convert_type3A_468, %and3A_470 : vector<256x1xi32>
    %mul3A_472 = arith.constant 128 : i32
    %mul3A_473 = vector.broadcast %mul3A_472 : i32 to vector<256x1xi32>
    %mul3A_474 = arith.muli %and3A_471, %mul3A_473 : vector<256x1xi32>
    %convert_element_type3A_475 = arith.fptosi %broadcast_in_dim3A_464 : vector<256x1xf32> to vector<256x1xi32>
    %and3A_476 = arith.constant 127 : i32
    %and3A_477 = vector.broadcast %and3A_476 : i32 to vector<256x1xi32>
    %and3A_478 = arith.andi %convert_element_type3A_475, %and3A_477 : vector<256x1xi32>
    %add3A_479 = arith.addi %mul3A_474, %and3A_478 : vector<256x1xi32>
    %reduce_min3A_480 = arith.constant dense<0x7F800000> : vector<256xf32>
    %reduce_min3A_481 = vector.multi_reduction <minimumf>, %select_n3A_467, %reduce_min3A_480 [1] : vector<256x512xf32> to vector<256xf32>
    %broadcast_in_dim3A_482 = vector.shape_cast %reduce_min3A_481 : vector<256xf32> to vector<256x1xf32>
    %eq3A_483 = vector.broadcast %broadcast_in_dim3A_482 : vector<256x1xf32> to vector<256x512xf32>
    %eq3A_484 = arith.cmpf oeq, %select_n3A_467, %eq3A_483 : vector<256x512xf32>
    %jit3A_485 = arith.constant 1.024000e+03 : f32
    %broadcast_in_dim3A_486 = vector.broadcast %jit3A_485 : f32 to vector<256x512xf32>
    %select_n3A_487 = arith.select %eq3A_484, %convert_element_type3A, %broadcast_in_dim3A_486 : vector<256x512xi1>, vector<256x512xf32>
    %reduce_min3A_488 = arith.constant dense<0x7F800000> : vector<256xf32>
    %reduce_min3A_489 = vector.multi_reduction <minimumf>, %select_n3A_487, %reduce_min3A_488 [1] : vector<256x512xf32> to vector<256xf32>
    %broadcast_in_dim3A_490 = vector.shape_cast %reduce_min3A_489 : vector<256xf32> to vector<256x1xf32>
    %jit3A_491 = arith.constant 0x7F800000 : f32
    %broadcast_in_dim3A_492 = vector.broadcast %jit3A_491 : f32 to vector<256x512xf32>
    %select_n3A_493 = arith.select %eq3A_484, %broadcast_in_dim3A_492, %select_n3A_467 : vector<256x512xi1>, vector<256x512xf32>
    %bitcast_convert_type3A_494 = tpu.bitcast %broadcast_in_dim3A_482 : vector<256x1xf32> -> vector<256x1xi32>
    %and3A_495 = arith.constant 15 : i32
    %and3A_496 = vector.broadcast %and3A_495 : i32 to vector<256x1xi32>
    %and3A_497 = arith.andi %bitcast_convert_type3A_494, %and3A_496 : vector<256x1xi32>
    %mul3A_498 = arith.constant 128 : i32
    %mul3A_499 = vector.broadcast %mul3A_498 : i32 to vector<256x1xi32>
    %mul3A_500 = arith.muli %and3A_497, %mul3A_499 : vector<256x1xi32>
    %convert_element_type3A_501 = arith.fptosi %broadcast_in_dim3A_490 : vector<256x1xf32> to vector<256x1xi32>
    %and3A_502 = arith.constant 127 : i32
    %and3A_503 = vector.broadcast %and3A_502 : i32 to vector<256x1xi32>
    %and3A_504 = arith.andi %convert_element_type3A_501, %and3A_503 : vector<256x1xi32>
    %add3A_505 = arith.addi %mul3A_500, %and3A_504 : vector<256x1xi32>
    %reduce_min3A_506 = arith.constant dense<0x7F800000> : vector<256xf32>
    %reduce_min3A_507 = vector.multi_reduction <minimumf>, %select_n3A_493, %reduce_min3A_506 [1] : vector<256x512xf32> to vector<256xf32>
    %broadcast_in_dim3A_508 = vector.shape_cast %reduce_min3A_507 : vector<256xf32> to vector<256x1xf32>
    %eq3A_509 = vector.broadcast %broadcast_in_dim3A_508 : vector<256x1xf32> to vector<256x512xf32>
    %eq3A_510 = arith.cmpf oeq, %select_n3A_493, %eq3A_509 : vector<256x512xf32>
    %jit3A_511 = arith.constant 1.024000e+03 : f32
    %broadcast_in_dim3A_512 = vector.broadcast %jit3A_511 : f32 to vector<256x512xf32>
    %select_n3A_513 = arith.select %eq3A_510, %convert_element_type3A, %broadcast_in_dim3A_512 : vector<256x512xi1>, vector<256x512xf32>
    %reduce_min3A_514 = arith.constant dense<0x7F800000> : vector<256xf32>
    %reduce_min3A_515 = vector.multi_reduction <minimumf>, %select_n3A_513, %reduce_min3A_514 [1] : vector<256x512xf32> to vector<256xf32>
    %broadcast_in_dim3A_516 = vector.shape_cast %reduce_min3A_515 : vector<256xf32> to vector<256x1xf32>
    %jit3A_517 = arith.constant 0x7F800000 : f32
    %broadcast_in_dim3A_518 = vector.broadcast %jit3A_517 : f32 to vector<256x512xf32>
    %select_n3A_519 = arith.select %eq3A_510, %broadcast_in_dim3A_518, %select_n3A_493 : vector<256x512xi1>, vector<256x512xf32>
    %bitcast_convert_type3A_520 = tpu.bitcast %broadcast_in_dim3A_508 : vector<256x1xf32> -> vector<256x1xi32>
    %and3A_521 = arith.constant 15 : i32
    %and3A_522 = vector.broadcast %and3A_521 : i32 to vector<256x1xi32>
    %and3A_523 = arith.andi %bitcast_convert_type3A_520, %and3A_522 : vector<256x1xi32>
    %mul3A_524 = arith.constant 128 : i32
    %mul3A_525 = vector.broadcast %mul3A_524 : i32 to vector<256x1xi32>
    %mul3A_526 = arith.muli %and3A_523, %mul3A_525 : vector<256x1xi32>
    %convert_element_type3A_527 = arith.fptosi %broadcast_in_dim3A_516 : vector<256x1xf32> to vector<256x1xi32>
    %and3A_528 = arith.constant 127 : i32
    %and3A_529 = vector.broadcast %and3A_528 : i32 to vector<256x1xi32>
    %and3A_530 = arith.andi %convert_element_type3A_527, %and3A_529 : vector<256x1xi32>
    %add3A_531 = arith.addi %mul3A_526, %and3A_530 : vector<256x1xi32>
    %reduce_min3A_532 = arith.constant dense<0x7F800000> : vector<256xf32>
    %reduce_min3A_533 = vector.multi_reduction <minimumf>, %select_n3A_519, %reduce_min3A_532 [1] : vector<256x512xf32> to vector<256xf32>
    %broadcast_in_dim3A_534 = vector.shape_cast %reduce_min3A_533 : vector<256xf32> to vector<256x1xf32>
    %eq3A_535 = vector.broadcast %broadcast_in_dim3A_534 : vector<256x1xf32> to vector<256x512xf32>
    %eq3A_536 = arith.cmpf oeq, %select_n3A_519, %eq3A_535 : vector<256x512xf32>
    %jit3A_537 = arith.constant 1.024000e+03 : f32
    %broadcast_in_dim3A_538 = vector.broadcast %jit3A_537 : f32 to vector<256x512xf32>
    %select_n3A_539 = arith.select %eq3A_536, %convert_element_type3A, %broadcast_in_dim3A_538 : vector<256x512xi1>, vector<256x512xf32>
    %reduce_min3A_540 = arith.constant dense<0x7F800000> : vector<256xf32>
    %reduce_min3A_541 = vector.multi_reduction <minimumf>, %select_n3A_539, %reduce_min3A_540 [1] : vector<256x512xf32> to vector<256xf32>
    %broadcast_in_dim3A_542 = vector.shape_cast %reduce_min3A_541 : vector<256xf32> to vector<256x1xf32>
    %jit3A_543 = arith.constant 0x7F800000 : f32
    %broadcast_in_dim3A_544 = vector.broadcast %jit3A_543 : f32 to vector<256x512xf32>
    %select_n3A_545 = arith.select %eq3A_536, %broadcast_in_dim3A_544, %select_n3A_519 : vector<256x512xi1>, vector<256x512xf32>
    %bitcast_convert_type3A_546 = tpu.bitcast %broadcast_in_dim3A_534 : vector<256x1xf32> -> vector<256x1xi32>
    %and3A_547 = arith.constant 15 : i32
    %and3A_548 = vector.broadcast %and3A_547 : i32 to vector<256x1xi32>
    %and3A_549 = arith.andi %bitcast_convert_type3A_546, %and3A_548 : vector<256x1xi32>
    %mul3A_550 = arith.constant 128 : i32
    %mul3A_551 = vector.broadcast %mul3A_550 : i32 to vector<256x1xi32>
    %mul3A_552 = arith.muli %and3A_549, %mul3A_551 : vector<256x1xi32>
    %convert_element_type3A_553 = arith.fptosi %broadcast_in_dim3A_542 : vector<256x1xf32> to vector<256x1xi32>
    %and3A_554 = arith.constant 127 : i32
    %and3A_555 = vector.broadcast %and3A_554 : i32 to vector<256x1xi32>
    %and3A_556 = arith.andi %convert_element_type3A_553, %and3A_555 : vector<256x1xi32>
    %add3A_557 = arith.addi %mul3A_552, %and3A_556 : vector<256x1xi32>
    %reduce_min3A_558 = arith.constant dense<0x7F800000> : vector<256xf32>
    %reduce_min3A_559 = vector.multi_reduction <minimumf>, %select_n3A_545, %reduce_min3A_558 [1] : vector<256x512xf32> to vector<256xf32>
    %broadcast_in_dim3A_560 = vector.shape_cast %reduce_min3A_559 : vector<256xf32> to vector<256x1xf32>
    %eq3A_561 = vector.broadcast %broadcast_in_dim3A_560 : vector<256x1xf32> to vector<256x512xf32>
    %eq3A_562 = arith.cmpf oeq, %select_n3A_545, %eq3A_561 : vector<256x512xf32>
    %jit3A_563 = arith.constant 1.024000e+03 : f32
    %broadcast_in_dim3A_564 = vector.broadcast %jit3A_563 : f32 to vector<256x512xf32>
    %select_n3A_565 = arith.select %eq3A_562, %convert_element_type3A, %broadcast_in_dim3A_564 : vector<256x512xi1>, vector<256x512xf32>
    %reduce_min3A_566 = arith.constant dense<0x7F800000> : vector<256xf32>
    %reduce_min3A_567 = vector.multi_reduction <minimumf>, %select_n3A_565, %reduce_min3A_566 [1] : vector<256x512xf32> to vector<256xf32>
    %broadcast_in_dim3A_568 = vector.shape_cast %reduce_min3A_567 : vector<256xf32> to vector<256x1xf32>
    %jit3A_569 = arith.constant 0x7F800000 : f32
    %broadcast_in_dim3A_570 = vector.broadcast %jit3A_569 : f32 to vector<256x512xf32>
    %select_n3A_571 = arith.select %eq3A_562, %broadcast_in_dim3A_570, %select_n3A_545 : vector<256x512xi1>, vector<256x512xf32>
    %bitcast_convert_type3A_572 = tpu.bitcast %broadcast_in_dim3A_560 : vector<256x1xf32> -> vector<256x1xi32>
    %and3A_573 = arith.constant 15 : i32
    %and3A_574 = vector.broadcast %and3A_573 : i32 to vector<256x1xi32>
    %and3A_575 = arith.andi %bitcast_convert_type3A_572, %and3A_574 : vector<256x1xi32>
    %mul3A_576 = arith.constant 128 : i32
    %mul3A_577 = vector.broadcast %mul3A_576 : i32 to vector<256x1xi32>
    %mul3A_578 = arith.muli %and3A_575, %mul3A_577 : vector<256x1xi32>
    %convert_element_type3A_579 = arith.fptosi %broadcast_in_dim3A_568 : vector<256x1xf32> to vector<256x1xi32>
    %and3A_580 = arith.constant 127 : i32
    %and3A_581 = vector.broadcast %and3A_580 : i32 to vector<256x1xi32>
    %and3A_582 = arith.andi %convert_element_type3A_579, %and3A_581 : vector<256x1xi32>
    %add3A_583 = arith.addi %mul3A_578, %and3A_582 : vector<256x1xi32>
    %reduce_min3A_584 = arith.constant dense<0x7F800000> : vector<256xf32>
    %reduce_min3A_585 = vector.multi_reduction <minimumf>, %select_n3A_571, %reduce_min3A_584 [1] : vector<256x512xf32> to vector<256xf32>
    %broadcast_in_dim3A_586 = vector.shape_cast %reduce_min3A_585 : vector<256xf32> to vector<256x1xf32>
    %eq3A_587 = vector.broadcast %broadcast_in_dim3A_586 : vector<256x1xf32> to vector<256x512xf32>
    %eq3A_588 = arith.cmpf oeq, %select_n3A_571, %eq3A_587 : vector<256x512xf32>
    %jit3A_589 = arith.constant 1.024000e+03 : f32
    %broadcast_in_dim3A_590 = vector.broadcast %jit3A_589 : f32 to vector<256x512xf32>
    %select_n3A_591 = arith.select %eq3A_588, %convert_element_type3A, %broadcast_in_dim3A_590 : vector<256x512xi1>, vector<256x512xf32>
    %reduce_min3A_592 = arith.constant dense<0x7F800000> : vector<256xf32>
    %reduce_min3A_593 = vector.multi_reduction <minimumf>, %select_n3A_591, %reduce_min3A_592 [1] : vector<256x512xf32> to vector<256xf32>
    %broadcast_in_dim3A_594 = vector.shape_cast %reduce_min3A_593 : vector<256xf32> to vector<256x1xf32>
    %jit3A_595 = arith.constant 0x7F800000 : f32
    %broadcast_in_dim3A_596 = vector.broadcast %jit3A_595 : f32 to vector<256x512xf32>
    %select_n3A_597 = arith.select %eq3A_588, %broadcast_in_dim3A_596, %select_n3A_571 : vector<256x512xi1>, vector<256x512xf32>
    %bitcast_convert_type3A_598 = tpu.bitcast %broadcast_in_dim3A_586 : vector<256x1xf32> -> vector<256x1xi32>
    %and3A_599 = arith.constant 15 : i32
    %and3A_600 = vector.broadcast %and3A_599 : i32 to vector<256x1xi32>
    %and3A_601 = arith.andi %bitcast_convert_type3A_598, %and3A_600 : vector<256x1xi32>
    %mul3A_602 = arith.constant 128 : i32
    %mul3A_603 = vector.broadcast %mul3A_602 : i32 to vector<256x1xi32>
    %mul3A_604 = arith.muli %and3A_601, %mul3A_603 : vector<256x1xi32>
    %convert_element_type3A_605 = arith.fptosi %broadcast_in_dim3A_594 : vector<256x1xf32> to vector<256x1xi32>
    %and3A_606 = arith.constant 127 : i32
    %and3A_607 = vector.broadcast %and3A_606 : i32 to vector<256x1xi32>
    %and3A_608 = arith.andi %convert_element_type3A_605, %and3A_607 : vector<256x1xi32>
    %add3A_609 = arith.addi %mul3A_604, %and3A_608 : vector<256x1xi32>
    %reduce_min3A_610 = arith.constant dense<0x7F800000> : vector<256xf32>
    %reduce_min3A_611 = vector.multi_reduction <minimumf>, %select_n3A_597, %reduce_min3A_610 [1] : vector<256x512xf32> to vector<256xf32>
    %broadcast_in_dim3A_612 = vector.shape_cast %reduce_min3A_611 : vector<256xf32> to vector<256x1xf32>
    %eq3A_613 = vector.broadcast %broadcast_in_dim3A_612 : vector<256x1xf32> to vector<256x512xf32>
    %eq3A_614 = arith.cmpf oeq, %select_n3A_597, %eq3A_613 : vector<256x512xf32>
    %jit3A_615 = arith.constant 1.024000e+03 : f32
    %broadcast_in_dim3A_616 = vector.broadcast %jit3A_615 : f32 to vector<256x512xf32>
    %select_n3A_617 = arith.select %eq3A_614, %convert_element_type3A, %broadcast_in_dim3A_616 : vector<256x512xi1>, vector<256x512xf32>
    %reduce_min3A_618 = arith.constant dense<0x7F800000> : vector<256xf32>
    %reduce_min3A_619 = vector.multi_reduction <minimumf>, %select_n3A_617, %reduce_min3A_618 [1] : vector<256x512xf32> to vector<256xf32>
    %broadcast_in_dim3A_620 = vector.shape_cast %reduce_min3A_619 : vector<256xf32> to vector<256x1xf32>
    %jit3A_621 = arith.constant 0x7F800000 : f32
    %broadcast_in_dim3A_622 = vector.broadcast %jit3A_621 : f32 to vector<256x512xf32>
    %select_n3A_623 = arith.select %eq3A_614, %broadcast_in_dim3A_622, %select_n3A_597 : vector<256x512xi1>, vector<256x512xf32>
    %bitcast_convert_type3A_624 = tpu.bitcast %broadcast_in_dim3A_612 : vector<256x1xf32> -> vector<256x1xi32>
    %and3A_625 = arith.constant 15 : i32
    %and3A_626 = vector.broadcast %and3A_625 : i32 to vector<256x1xi32>
    %and3A_627 = arith.andi %bitcast_convert_type3A_624, %and3A_626 : vector<256x1xi32>
    %mul3A_628 = arith.constant 128 : i32
    %mul3A_629 = vector.broadcast %mul3A_628 : i32 to vector<256x1xi32>
    %mul3A_630 = arith.muli %and3A_627, %mul3A_629 : vector<256x1xi32>
    %convert_element_type3A_631 = arith.fptosi %broadcast_in_dim3A_620 : vector<256x1xf32> to vector<256x1xi32>
    %and3A_632 = arith.constant 127 : i32
    %and3A_633 = vector.broadcast %and3A_632 : i32 to vector<256x1xi32>
    %and3A_634 = arith.andi %convert_element_type3A_631, %and3A_633 : vector<256x1xi32>
    %add3A_635 = arith.addi %mul3A_630, %and3A_634 : vector<256x1xi32>
    %reduce_min3A_636 = arith.constant dense<0x7F800000> : vector<256xf32>
    %reduce_min3A_637 = vector.multi_reduction <minimumf>, %select_n3A_623, %reduce_min3A_636 [1] : vector<256x512xf32> to vector<256xf32>
    %broadcast_in_dim3A_638 = vector.shape_cast %reduce_min3A_637 : vector<256xf32> to vector<256x1xf32>
    %eq3A_639 = vector.broadcast %broadcast_in_dim3A_638 : vector<256x1xf32> to vector<256x512xf32>
    %eq3A_640 = arith.cmpf oeq, %select_n3A_623, %eq3A_639 : vector<256x512xf32>
    %jit3A_641 = arith.constant 1.024000e+03 : f32
    %broadcast_in_dim3A_642 = vector.broadcast %jit3A_641 : f32 to vector<256x512xf32>
    %select_n3A_643 = arith.select %eq3A_640, %convert_element_type3A, %broadcast_in_dim3A_642 : vector<256x512xi1>, vector<256x512xf32>
    %reduce_min3A_644 = arith.constant dense<0x7F800000> : vector<256xf32>
    %reduce_min3A_645 = vector.multi_reduction <minimumf>, %select_n3A_643, %reduce_min3A_644 [1] : vector<256x512xf32> to vector<256xf32>
    %broadcast_in_dim3A_646 = vector.shape_cast %reduce_min3A_645 : vector<256xf32> to vector<256x1xf32>
    %jit3A_647 = arith.constant 0x7F800000 : f32
    %broadcast_in_dim3A_648 = vector.broadcast %jit3A_647 : f32 to vector<256x512xf32>
    %select_n3A_649 = arith.select %eq3A_640, %broadcast_in_dim3A_648, %select_n3A_623 : vector<256x512xi1>, vector<256x512xf32>
    %bitcast_convert_type3A_650 = tpu.bitcast %broadcast_in_dim3A_638 : vector<256x1xf32> -> vector<256x1xi32>
    %and3A_651 = arith.constant 15 : i32
    %and3A_652 = vector.broadcast %and3A_651 : i32 to vector<256x1xi32>
    %and3A_653 = arith.andi %bitcast_convert_type3A_650, %and3A_652 : vector<256x1xi32>
    %mul3A_654 = arith.constant 128 : i32
    %mul3A_655 = vector.broadcast %mul3A_654 : i32 to vector<256x1xi32>
    %mul3A_656 = arith.muli %and3A_653, %mul3A_655 : vector<256x1xi32>
    %convert_element_type3A_657 = arith.fptosi %broadcast_in_dim3A_646 : vector<256x1xf32> to vector<256x1xi32>
    %and3A_658 = arith.constant 127 : i32
    %and3A_659 = vector.broadcast %and3A_658 : i32 to vector<256x1xi32>
    %and3A_660 = arith.andi %convert_element_type3A_657, %and3A_659 : vector<256x1xi32>
    %add3A_661 = arith.addi %mul3A_656, %and3A_660 : vector<256x1xi32>
    %reduce_min3A_662 = arith.constant dense<0x7F800000> : vector<256xf32>
    %reduce_min3A_663 = vector.multi_reduction <minimumf>, %select_n3A_649, %reduce_min3A_662 [1] : vector<256x512xf32> to vector<256xf32>
    %broadcast_in_dim3A_664 = vector.shape_cast %reduce_min3A_663 : vector<256xf32> to vector<256x1xf32>
    %eq3A_665 = vector.broadcast %broadcast_in_dim3A_664 : vector<256x1xf32> to vector<256x512xf32>
    %eq3A_666 = arith.cmpf oeq, %select_n3A_649, %eq3A_665 : vector<256x512xf32>
    %jit3A_667 = arith.constant 1.024000e+03 : f32
    %broadcast_in_dim3A_668 = vector.broadcast %jit3A_667 : f32 to vector<256x512xf32>
    %select_n3A_669 = arith.select %eq3A_666, %convert_element_type3A, %broadcast_in_dim3A_668 : vector<256x512xi1>, vector<256x512xf32>
    %reduce_min3A_670 = arith.constant dense<0x7F800000> : vector<256xf32>
    %reduce_min3A_671 = vector.multi_reduction <minimumf>, %select_n3A_669, %reduce_min3A_670 [1] : vector<256x512xf32> to vector<256xf32>
    %broadcast_in_dim3A_672 = vector.shape_cast %reduce_min3A_671 : vector<256xf32> to vector<256x1xf32>
    %jit3A_673 = arith.constant 0x7F800000 : f32
    %broadcast_in_dim3A_674 = vector.broadcast %jit3A_673 : f32 to vector<256x512xf32>
    %select_n3A_675 = arith.select %eq3A_666, %broadcast_in_dim3A_674, %select_n3A_649 : vector<256x512xi1>, vector<256x512xf32>
    %bitcast_convert_type3A_676 = tpu.bitcast %broadcast_in_dim3A_664 : vector<256x1xf32> -> vector<256x1xi32>
    %and3A_677 = arith.constant 15 : i32
    %and3A_678 = vector.broadcast %and3A_677 : i32 to vector<256x1xi32>
    %and3A_679 = arith.andi %bitcast_convert_type3A_676, %and3A_678 : vector<256x1xi32>
    %mul3A_680 = arith.constant 128 : i32
    %mul3A_681 = vector.broadcast %mul3A_680 : i32 to vector<256x1xi32>
    %mul3A_682 = arith.muli %and3A_679, %mul3A_681 : vector<256x1xi32>
    %convert_element_type3A_683 = arith.fptosi %broadcast_in_dim3A_672 : vector<256x1xf32> to vector<256x1xi32>
    %and3A_684 = arith.constant 127 : i32
    %and3A_685 = vector.broadcast %and3A_684 : i32 to vector<256x1xi32>
    %and3A_686 = arith.andi %convert_element_type3A_683, %and3A_685 : vector<256x1xi32>
    %add3A_687 = arith.addi %mul3A_682, %and3A_686 : vector<256x1xi32>
    %reduce_min3A_688 = arith.constant dense<0x7F800000> : vector<256xf32>
    %reduce_min3A_689 = vector.multi_reduction <minimumf>, %select_n3A_675, %reduce_min3A_688 [1] : vector<256x512xf32> to vector<256xf32>
    %broadcast_in_dim3A_690 = vector.shape_cast %reduce_min3A_689 : vector<256xf32> to vector<256x1xf32>
    %eq3A_691 = vector.broadcast %broadcast_in_dim3A_690 : vector<256x1xf32> to vector<256x512xf32>
    %eq3A_692 = arith.cmpf oeq, %select_n3A_675, %eq3A_691 : vector<256x512xf32>
    %jit3A_693 = arith.constant 1.024000e+03 : f32
    %broadcast_in_dim3A_694 = vector.broadcast %jit3A_693 : f32 to vector<256x512xf32>
    %select_n3A_695 = arith.select %eq3A_692, %convert_element_type3A, %broadcast_in_dim3A_694 : vector<256x512xi1>, vector<256x512xf32>
    %reduce_min3A_696 = arith.constant dense<0x7F800000> : vector<256xf32>
    %reduce_min3A_697 = vector.multi_reduction <minimumf>, %select_n3A_695, %reduce_min3A_696 [1] : vector<256x512xf32> to vector<256xf32>
    %broadcast_in_dim3A_698 = vector.shape_cast %reduce_min3A_697 : vector<256xf32> to vector<256x1xf32>
    %jit3A_699 = arith.constant 0x7F800000 : f32
    %broadcast_in_dim3A_700 = vector.broadcast %jit3A_699 : f32 to vector<256x512xf32>
    %select_n3A_701 = arith.select %eq3A_692, %broadcast_in_dim3A_700, %select_n3A_675 : vector<256x512xi1>, vector<256x512xf32>
    %bitcast_convert_type3A_702 = tpu.bitcast %broadcast_in_dim3A_690 : vector<256x1xf32> -> vector<256x1xi32>
    %and3A_703 = arith.constant 15 : i32
    %and3A_704 = vector.broadcast %and3A_703 : i32 to vector<256x1xi32>
    %and3A_705 = arith.andi %bitcast_convert_type3A_702, %and3A_704 : vector<256x1xi32>
    %mul3A_706 = arith.constant 128 : i32
    %mul3A_707 = vector.broadcast %mul3A_706 : i32 to vector<256x1xi32>
    %mul3A_708 = arith.muli %and3A_705, %mul3A_707 : vector<256x1xi32>
    %convert_element_type3A_709 = arith.fptosi %broadcast_in_dim3A_698 : vector<256x1xf32> to vector<256x1xi32>
    %and3A_710 = arith.constant 127 : i32
    %and3A_711 = vector.broadcast %and3A_710 : i32 to vector<256x1xi32>
    %and3A_712 = arith.andi %convert_element_type3A_709, %and3A_711 : vector<256x1xi32>
    %add3A_713 = arith.addi %mul3A_708, %and3A_712 : vector<256x1xi32>
    %reduce_min3A_714 = arith.constant dense<0x7F800000> : vector<256xf32>
    %reduce_min3A_715 = vector.multi_reduction <minimumf>, %select_n3A_701, %reduce_min3A_714 [1] : vector<256x512xf32> to vector<256xf32>
    %broadcast_in_dim3A_716 = vector.shape_cast %reduce_min3A_715 : vector<256xf32> to vector<256x1xf32>
    %eq3A_717 = vector.broadcast %broadcast_in_dim3A_716 : vector<256x1xf32> to vector<256x512xf32>
    %eq3A_718 = arith.cmpf oeq, %select_n3A_701, %eq3A_717 : vector<256x512xf32>
    %jit3A_719 = arith.constant 1.024000e+03 : f32
    %broadcast_in_dim3A_720 = vector.broadcast %jit3A_719 : f32 to vector<256x512xf32>
    %select_n3A_721 = arith.select %eq3A_718, %convert_element_type3A, %broadcast_in_dim3A_720 : vector<256x512xi1>, vector<256x512xf32>
    %reduce_min3A_722 = arith.constant dense<0x7F800000> : vector<256xf32>
    %reduce_min3A_723 = vector.multi_reduction <minimumf>, %select_n3A_721, %reduce_min3A_722 [1] : vector<256x512xf32> to vector<256xf32>
    %broadcast_in_dim3A_724 = vector.shape_cast %reduce_min3A_723 : vector<256xf32> to vector<256x1xf32>
    %jit3A_725 = arith.constant 0x7F800000 : f32
    %broadcast_in_dim3A_726 = vector.broadcast %jit3A_725 : f32 to vector<256x512xf32>
    %select_n3A_727 = arith.select %eq3A_718, %broadcast_in_dim3A_726, %select_n3A_701 : vector<256x512xi1>, vector<256x512xf32>
    %bitcast_convert_type3A_728 = tpu.bitcast %broadcast_in_dim3A_716 : vector<256x1xf32> -> vector<256x1xi32>
    %and3A_729 = arith.constant 15 : i32
    %and3A_730 = vector.broadcast %and3A_729 : i32 to vector<256x1xi32>
    %and3A_731 = arith.andi %bitcast_convert_type3A_728, %and3A_730 : vector<256x1xi32>
    %mul3A_732 = arith.constant 128 : i32
    %mul3A_733 = vector.broadcast %mul3A_732 : i32 to vector<256x1xi32>
    %mul3A_734 = arith.muli %and3A_731, %mul3A_733 : vector<256x1xi32>
    %convert_element_type3A_735 = arith.fptosi %broadcast_in_dim3A_724 : vector<256x1xf32> to vector<256x1xi32>
    %and3A_736 = arith.constant 127 : i32
    %and3A_737 = vector.broadcast %and3A_736 : i32 to vector<256x1xi32>
    %and3A_738 = arith.andi %convert_element_type3A_735, %and3A_737 : vector<256x1xi32>
    %add3A_739 = arith.addi %mul3A_734, %and3A_738 : vector<256x1xi32>
    %reduce_min3A_740 = arith.constant dense<0x7F800000> : vector<256xf32>
    %reduce_min3A_741 = vector.multi_reduction <minimumf>, %select_n3A_727, %reduce_min3A_740 [1] : vector<256x512xf32> to vector<256xf32>
    %broadcast_in_dim3A_742 = vector.shape_cast %reduce_min3A_741 : vector<256xf32> to vector<256x1xf32>
    %eq3A_743 = vector.broadcast %broadcast_in_dim3A_742 : vector<256x1xf32> to vector<256x512xf32>
    %eq3A_744 = arith.cmpf oeq, %select_n3A_727, %eq3A_743 : vector<256x512xf32>
    %jit3A_745 = arith.constant 1.024000e+03 : f32
    %broadcast_in_dim3A_746 = vector.broadcast %jit3A_745 : f32 to vector<256x512xf32>
    %select_n3A_747 = arith.select %eq3A_744, %convert_element_type3A, %broadcast_in_dim3A_746 : vector<256x512xi1>, vector<256x512xf32>
    %reduce_min3A_748 = arith.constant dense<0x7F800000> : vector<256xf32>
    %reduce_min3A_749 = vector.multi_reduction <minimumf>, %select_n3A_747, %reduce_min3A_748 [1] : vector<256x512xf32> to vector<256xf32>
    %broadcast_in_dim3A_750 = vector.shape_cast %reduce_min3A_749 : vector<256xf32> to vector<256x1xf32>
    %jit3A_751 = arith.constant 0x7F800000 : f32
    %broadcast_in_dim3A_752 = vector.broadcast %jit3A_751 : f32 to vector<256x512xf32>
    %select_n3A_753 = arith.select %eq3A_744, %broadcast_in_dim3A_752, %select_n3A_727 : vector<256x512xi1>, vector<256x512xf32>
    %bitcast_convert_type3A_754 = tpu.bitcast %broadcast_in_dim3A_742 : vector<256x1xf32> -> vector<256x1xi32>
    %and3A_755 = arith.constant 15 : i32
    %and3A_756 = vector.broadcast %and3A_755 : i32 to vector<256x1xi32>
    %and3A_757 = arith.andi %bitcast_convert_type3A_754, %and3A_756 : vector<256x1xi32>
    %mul3A_758 = arith.constant 128 : i32
    %mul3A_759 = vector.broadcast %mul3A_758 : i32 to vector<256x1xi32>
    %mul3A_760 = arith.muli %and3A_757, %mul3A_759 : vector<256x1xi32>
    %convert_element_type3A_761 = arith.fptosi %broadcast_in_dim3A_750 : vector<256x1xf32> to vector<256x1xi32>
    %and3A_762 = arith.constant 127 : i32
    %and3A_763 = vector.broadcast %and3A_762 : i32 to vector<256x1xi32>
    %and3A_764 = arith.andi %convert_element_type3A_761, %and3A_763 : vector<256x1xi32>
    %add3A_765 = arith.addi %mul3A_760, %and3A_764 : vector<256x1xi32>
    %reduce_min3A_766 = arith.constant dense<0x7F800000> : vector<256xf32>
    %reduce_min3A_767 = vector.multi_reduction <minimumf>, %select_n3A_753, %reduce_min3A_766 [1] : vector<256x512xf32> to vector<256xf32>
    %broadcast_in_dim3A_768 = vector.shape_cast %reduce_min3A_767 : vector<256xf32> to vector<256x1xf32>
    %eq3A_769 = vector.broadcast %broadcast_in_dim3A_768 : vector<256x1xf32> to vector<256x512xf32>
    %eq3A_770 = arith.cmpf oeq, %select_n3A_753, %eq3A_769 : vector<256x512xf32>
    %jit3A_771 = arith.constant 1.024000e+03 : f32
    %broadcast_in_dim3A_772 = vector.broadcast %jit3A_771 : f32 to vector<256x512xf32>
    %select_n3A_773 = arith.select %eq3A_770, %convert_element_type3A, %broadcast_in_dim3A_772 : vector<256x512xi1>, vector<256x512xf32>
    %reduce_min3A_774 = arith.constant dense<0x7F800000> : vector<256xf32>
    %reduce_min3A_775 = vector.multi_reduction <minimumf>, %select_n3A_773, %reduce_min3A_774 [1] : vector<256x512xf32> to vector<256xf32>
    %broadcast_in_dim3A_776 = vector.shape_cast %reduce_min3A_775 : vector<256xf32> to vector<256x1xf32>
    %bitcast_convert_type3A_777 = tpu.bitcast %broadcast_in_dim3A_768 : vector<256x1xf32> -> vector<256x1xi32>
    %and3A_778 = arith.constant 15 : i32
    %and3A_779 = vector.broadcast %and3A_778 : i32 to vector<256x1xi32>
    %and3A_780 = arith.andi %bitcast_convert_type3A_777, %and3A_779 : vector<256x1xi32>
    %mul3A_781 = arith.constant 128 : i32
    %mul3A_782 = vector.broadcast %mul3A_781 : i32 to vector<256x1xi32>
    %mul3A_783 = arith.muli %and3A_780, %mul3A_782 : vector<256x1xi32>
    %convert_element_type3A_784 = arith.fptosi %broadcast_in_dim3A_776 : vector<256x1xf32> to vector<256x1xi32>
    %and3A_785 = arith.constant 127 : i32
    %and3A_786 = vector.broadcast %and3A_785 : i32 to vector<256x1xi32>
    %and3A_787 = arith.andi %convert_element_type3A_784, %and3A_786 : vector<256x1xi32>
    %add3A_788 = arith.addi %mul3A_783, %and3A_787 : vector<256x1xi32>
    %concatenate3A_789 = tpu.concatenate %add3A_297, %add3A_323, %add3A_349, %add3A_375, %add3A_401, %add3A_427, %add3A_453, %add3A_479, %add3A_505, %add3A_531, %add3A_557, %add3A_583, %add3A_609, %add3A_635, %add3A_661, %add3A_687, %add3A_713, %add3A_739, %add3A_765, %add3A_788 in 1 : vector<256x1xi32>, vector<256x1xi32>, vector<256x1xi32>, vector<256x1xi32>, vector<256x1xi32>, vector<256x1xi32>, vector<256x1xi32>, vector<256x1xi32>, vector<256x1xi32>, vector<256x1xi32>, vector<256x1xi32>, vector<256x1xi32>, vector<256x1xi32>, vector<256x1xi32>, vector<256x1xi32>, vector<256x1xi32>, vector<256x1xi32>, vector<256x1xi32>, vector<256x1xi32>, vector<256x1xi32> -> vector<256x20xi32>
    %mul3A_790 = arith.constant 2048 : i32
    %mul3A_791 = arith.muli %arg0, %mul3A_790 : i32
    %add3A_792 = vector.broadcast %mul3A_791 : i32 to vector<256x20xi32>
    %add3A_793 = arith.addi %concatenate3A_789, %add3A_792 : vector<256x20xi32>
    %swap3A = arith.constant 0 : index
    %swap3A_794 = arith.constant 0 : index
    %swap3A_795 = vector.load %arg5[%swap3A, %swap3A_794] : memref<256x20xi32, #tpu.memory_space<vmem>>, vector<256x20xi32>
    tpu.vector_store %arg5[%swap3A, %swap3A_794], %add3A_793 {strides = array<i32>} : memref<256x20xi32, #tpu.memory_space<vmem>>, vector<256x20xi32>,
    %get3A_796 = arith.constant 0 : index
    %get3A_797 = arith.constant 0 : index
    %get3A_798 = vector.load %arg4[%get3A_796, %get3A_797] : memref<64x128xf32, #tpu.memory_space<vmem>>, vector<64x64xf32>
    %get3A_799 = arith.constant 0 : index
    %get3A_800 = arith.constant 64 : index
    %get3A_801 = vector.load %arg4[%get3A_799, %get3A_800] : memref<64x128xf32, #tpu.memory_space<vmem>>, vector<64x64xf32>
    %sub3A = arith.subf %get3A_798, %get3A_801 : vector<64x64xf32>
    %dot_general3A_802 = arith.constant dense<0.000000e+00> : vector<256x64xf32>
    %dot_general3A_803 = tpu.matmul %get3A_3, %sub3A, %dot_general3A_802 {dimension_numbers = #tpu.dot_dimension_numbers<[1], [1], [0], [0], [0, 0, 1, 0], [], []>, transpose_lhs_hint = false} : vector<256x64xf32>, vector<64x64xf32>, vector<256x64xf32> -> vector<256x64xf32>
    %swap3A_804 = arith.constant 0 : index
    %swap3A_805 = arith.constant 0 : index
    %swap3A_806 = vector.load %arg6[%swap3A_804, %swap3A_805] : memref<256x64xf32, #tpu.memory_space<vmem>>, vector<256x64xf32>
    tpu.vector_store %arg6[%swap3A_804, %swap3A_805], %dot_general3A_803 {strides = array<i32>} : memref<256x64xf32, #tpu.memory_space<vmem>>, vector<256x64xf32>,
    %dot_general3A_807 = arith.constant dense<0.000000e+00> : vector<256x64xf32>
    %dot_general3A_808 = tpu.matmul %get3A_3, %get3A_801, %dot_general3A_807 {dimension_numbers = #tpu.dot_dimension_numbers<[1], [1], [0], [0], [0, 0, 1, 0], [], []>, transpose_lhs_hint = false} : vector<256x64xf32>, vector<64x64xf32>, vector<256x64xf32> -> vector<256x64xf32>
    %swap3A_809 = arith.constant 0 : index
    %swap3A_810 = arith.constant 0 : index
    %swap3A_811 = vector.load %arg7[%swap3A_809, %swap3A_810] : memref<256x64xf32, #tpu.memory_space<vmem>>, vector<256x64xf32>
    tpu.vector_store %arg7[%swap3A_809, %swap3A_810], %dot_general3A_808 {strides = array<i32>} : memref<256x64xf32, #tpu.memory_space<vmem>>, vector<256x64xf32>,
    return
  }
  func.func @transform_0(%arg0: i32, %arg1: i32) -> (i32, i32, i32) {
    %c0_i32 = arith.constant 0 : i32
    %c0_i32_0 = arith.constant 0 : i32
    return %arg0, %arg1, %c0_i32 : i32, i32, i32
  }
  func.func @transform_1(%arg0: i32, %arg1: i32) -> (i32, i32, i32) {
    %c0_i32 = arith.constant 0 : i32
    %c0_i32_0 = arith.constant 0 : i32
    %c0_i32_1 = arith.constant 0 : i32
    return %arg0, %c0_i32, %c0_i32_0 : i32, i32, i32
  }
  func.func @transform_2(%arg0: i32, %arg1: i32) -> (i32, i32) {
    %c0_i32 = arith.constant 0 : i32
    %c0_i32_0 = arith.constant 0 : i32
    %c0_i32_1 = arith.constant 0 : i32
    return %c0_i32, %c0_i32_0 : i32, i32
  }
  func.func @transform_3(%arg0: i32, %arg1: i32) -> (i32, i32) {
    %mul3A = arith.constant 8 : i32
    %mul3A_0 = arith.muli %arg0, %mul3A : i32
    %add3A = arith.addi %mul3A_0, %arg1 : i32
    %c0_i32 = arith.constant 0 : i32
    %c0_i32_1 = arith.constant 0 : i32
    return %add3A, %c0_i32 : i32, i32
  }
  func.func @transform_4(%arg0: i32, %arg1: i32) -> (i32, i32) {
    %mul3A = arith.constant 8 : i32
    %mul3A_0 = arith.muli %arg0, %mul3A : i32
    %add3A = arith.addi %mul3A_0, %arg1 : i32
    %c0_i32 = arith.constant 0 : i32
    %c0_i32_1 = arith.constant 0 : i32
    return %add3A, %c0_i32 : i32, i32
  }
  func.func @transform_5(%arg0: i32, %arg1: i32) -> (i32, i32) {
    %mul3A = arith.constant 8 : i32
    %mul3A_0 = arith.muli %arg0, %mul3A : i32
    %add3A = arith.addi %mul3A_0, %arg1 : i32
    %c0_i32 = arith.constant 0 : i32
    %c0_i32_1 = arith.constant 0 : i32
    return %add3A, %c0_i32 : i32, i32
  }
}

module attributes {stable_mosaic.version = 14 : i64} {
  func.func @_final_body(%arg0: i32, %arg1: memref<2048x64xf32, #tpu.memory_space<vmem>>, %arg2: memref<2048x64xf32, #tpu.memory_space<vmem>>, %arg3: memref<32x64xf32, #tpu.memory_space<vmem>>, %arg4: memref<32x64xf32, #tpu.memory_space<vmem>>, %arg5: memref<1x64xf32, #tpu.memory_space<vmem>>, %arg6: memref<1x64xf32, #tpu.memory_space<vmem>>, %arg7: memref<2048x64xf32, #tpu.memory_space<vmem>>) attributes {dimension_semantics = [#tpu.dimension_semantics<arbitrary>], iteration_bounds = array<i64: 8>, scalar_prefetch = 0 : i64, scratch_operands = 0 : i64, tpu.core_type = #tpu.core_type<tc>, window_params = [{transform_indices = @transform_0, window_bounds = array<i64: 2048, 64>}, {transform_indices = @transform_1, window_bounds = array<i64: 2048, 64>}, {pipeline_mode = #tpu.pipeline_mode<synchronous>, transform_indices = @transform_2, window_bounds = array<i64: 32, 64>}, {pipeline_mode = #tpu.pipeline_mode<synchronous>, transform_indices = @transform_3, window_bounds = array<i64: 32, 64>}, {pipeline_mode = #tpu.pipeline_mode<synchronous>, transform_indices = @transform_4, window_bounds = array<i64: 1, 64>}, {pipeline_mode = #tpu.pipeline_mode<synchronous>, transform_indices = @transform_5, window_bounds = array<i64: 1, 64>}, {transform_indices = @transform_6, window_bounds = array<i64: 2048, 64>}]} {
    %get3A = arith.constant 0 : index
    %get3A_0 = arith.constant 0 : index
    %get3A_1 = vector.load %arg3[%get3A, %get3A_0] : memref<32x64xf32, #tpu.memory_space<vmem>>, vector<32x64xf32>
    %reduce_sum3A = arith.constant dense<0.000000e+00> : vector<64xf32>
    %reduce_sum3A_2 = vector.multi_reduction <add>, %get3A_1, %reduce_sum3A [0] : vector<32x64xf32> to vector<64xf32>
    %broadcast_in_dim3A = vector.shape_cast %reduce_sum3A_2 : vector<64xf32> to vector<1x64xf32>
    %div3A = arith.constant 3.276800e+05 : f32
    %div3A_3 = vector.broadcast %div3A : f32 to vector<1x64xf32>
    %div3A_4 = arith.divf %broadcast_in_dim3A, %div3A_3 : vector<1x64xf32>
    %get3A_5 = arith.constant 0 : index
    %get3A_6 = arith.constant 0 : index
    %get3A_7 = vector.load %arg4[%get3A_5, %get3A_6] : memref<32x64xf32, #tpu.memory_space<vmem>>, vector<32x64xf32>
    %reduce_sum3A_8 = arith.constant dense<0.000000e+00> : vector<64xf32>
    %reduce_sum3A_9 = vector.multi_reduction <add>, %get3A_7, %reduce_sum3A_8 [0] : vector<32x64xf32> to vector<64xf32>
    %broadcast_in_dim3A_10 = vector.shape_cast %reduce_sum3A_9 : vector<64xf32> to vector<1x64xf32>
    %div3A_11 = arith.constant 3.276800e+05 : f32
    %div3A_12 = vector.broadcast %div3A_11 : f32 to vector<1x64xf32>
    %div3A_13 = arith.divf %broadcast_in_dim3A_10, %div3A_12 : vector<1x64xf32>
    %mul3A = arith.mulf %div3A_4, %div3A_4 : vector<1x64xf32>
    %sub3A = arith.subf %div3A_13, %mul3A : vector<1x64xf32>
    %add3A = arith.constant 9.99999974E-6 : f32
    %add3A_14 = vector.broadcast %add3A : f32 to vector<1x64xf32>
    %add3A_15 = arith.addf %sub3A, %add3A_14 : vector<1x64xf32>
    %rsqrt3A = math.rsqrt %add3A_15 : vector<1x64xf32>
    %get3A_16 = arith.constant 0 : index
    %get3A_17 = arith.constant 0 : index
    %get3A_18 = vector.load %arg5[%get3A_16, %get3A_17] : memref<1x64xf32, #tpu.memory_space<vmem>>, vector<1x64xf32>
    %mul3A_19 = arith.mulf %get3A_18, %rsqrt3A : vector<1x64xf32>
    %get3A_20 = arith.constant 0 : index
    %get3A_21 = arith.constant 0 : index
    %get3A_22 = vector.load %arg6[%get3A_20, %get3A_21] : memref<1x64xf32, #tpu.memory_space<vmem>>, vector<1x64xf32>
    %mul3A_23 = arith.mulf %div3A_4, %mul3A_19 : vector<1x64xf32>
    %sub3A_24 = arith.subf %get3A_22, %mul3A_23 : vector<1x64xf32>
    %get3A_25 = arith.constant 0 : index
    %get3A_26 = arith.constant 0 : index
    %get3A_27 = vector.load %arg1[%get3A_25, %get3A_26] : memref<2048x64xf32, #tpu.memory_space<vmem>>, vector<2048x64xf32>
    %get3A_28 = arith.constant 0 : index
    %get3A_29 = arith.constant 0 : index
    %get3A_30 = vector.load %arg2[%get3A_28, %get3A_29] : memref<2048x64xf32, #tpu.memory_space<vmem>>, vector<2048x64xf32>
    %add3A_31 = arith.addf %get3A_27, %get3A_30 : vector<2048x64xf32>
    %mul3A_32 = vector.broadcast %mul3A_19 : vector<1x64xf32> to vector<2048x64xf32>
    %mul3A_33 = arith.mulf %add3A_31, %mul3A_32 : vector<2048x64xf32>
    %add3A_34 = vector.broadcast %sub3A_24 : vector<1x64xf32> to vector<2048x64xf32>
    %add3A_35 = arith.addf %mul3A_33, %add3A_34 : vector<2048x64xf32>
    %ge3A = arith.constant 0.000000e+00 : f32
    %ge3A_36 = vector.broadcast %ge3A : f32 to vector<2048x64xf32>
    %ge3A_37 = arith.cmpf oge, %add3A_35, %ge3A_36 : vector<2048x64xf32>
    %mul3A_38 = arith.constant 2.000000e-01 : f32
    %mul3A_39 = vector.broadcast %mul3A_38 : f32 to vector<2048x64xf32>
    %mul3A_40 = arith.mulf %mul3A_39, %add3A_35 : vector<2048x64xf32>
    %select_n3A = arith.select %ge3A_37, %add3A_35, %mul3A_40 : vector<2048x64xi1>, vector<2048x64xf32>
    %swap3A = arith.constant 0 : index
    %swap3A_41 = arith.constant 0 : index
    %swap3A_42 = vector.load %arg7[%swap3A, %swap3A_41] : memref<2048x64xf32, #tpu.memory_space<vmem>>, vector<2048x64xf32>
    tpu.vector_store %arg7[%swap3A, %swap3A_41], %select_n3A {strides = array<i32>} : memref<2048x64xf32, #tpu.memory_space<vmem>>, vector<2048x64xf32>,
    return
  }
  func.func @transform_0(%arg0: i32) -> (i32, i32) {
    %c0_i32 = arith.constant 0 : i32
    %c0_i32_0 = arith.constant 0 : i32
    return %arg0, %c0_i32 : i32, i32
  }
  func.func @transform_1(%arg0: i32) -> (i32, i32) {
    %c0_i32 = arith.constant 0 : i32
    %c0_i32_0 = arith.constant 0 : i32
    return %arg0, %c0_i32 : i32, i32
  }
  func.func @transform_2(%arg0: i32) -> (i32, i32) {
    %c0_i32 = arith.constant 0 : i32
    %c0_i32_0 = arith.constant 0 : i32
    %c0_i32_1 = arith.constant 0 : i32
    return %c0_i32, %c0_i32_0 : i32, i32
  }
  func.func @transform_3(%arg0: i32) -> (i32, i32) {
    %c0_i32 = arith.constant 0 : i32
    %c0_i32_0 = arith.constant 0 : i32
    %c0_i32_1 = arith.constant 0 : i32
    return %c0_i32, %c0_i32_0 : i32, i32
  }
  func.func @transform_4(%arg0: i32) -> (i32, i32) {
    %c0_i32 = arith.constant 0 : i32
    %c0_i32_0 = arith.constant 0 : i32
    %c0_i32_1 = arith.constant 0 : i32
    return %c0_i32, %c0_i32_0 : i32, i32
  }
  func.func @transform_5(%arg0: i32) -> (i32, i32) {
    %c0_i32 = arith.constant 0 : i32
    %c0_i32_0 = arith.constant 0 : i32
    %c0_i32_1 = arith.constant 0 : i32
    return %c0_i32, %c0_i32_0 : i32, i32
  }
  func.func @transform_6(%arg0: i32) -> (i32, i32) {
    %c0_i32 = arith.constant 0 : i32
    %c0_i32_0 = arith.constant 0 : i32
    return %arg0, %c0_i32 : i32, i32
  }
}

</mosaic_0001>

<sc_bundles>
// kernel: kernel.5.cloned.1.call-start
scs
__scs_entry_jumppad:
0x0: {  	(pc) =	sbr.rel $0x88, $3  }
0x1: {  	(tag) =	ssettag $0x0;
	lr =	simm.s32 $0x1  }
0x2: {  	[smem:$0x3F9D] =	sst lr;
	_ =	strace $0xD0000000  }
0x3: {  	_ = 	snop  }
0x4: {  	_ = 	snop  }
0x5: {  	_ = 	snop  }
0x6: {  	_ = 	snop  }
0x7: {  	_ = 	snop  }
__scs_overlays_trampoline_lowered:
0x8: {  	[smem:$0x3FAC] =	sst s0  }
0x9: {  	[smem:$0x3FAD] =	sst s1  }
0xa: {  	[smem:$0x3FAE] =	sst s2  }
0xb: {  	[smem:$0x3FAF] =	sst s3  }
0xc: {  	[smem:$0x3FB0] =	sst s4  }
0xd: {  	[smem:$0x3FB1] =	sst s5  }
0xe: {  	[smem:$0x3FB2] =	sst s6  }
0xf: {  	[smem:$0x3FB3] =	sst s7  }
0x10: {  	[smem:$0x3FB4] =	sst s8  }
0x11: {  	[smem:$0x3FB5] =	sst s9;
	s0 =	simm.s32 @!p0 $0x0  }
0x12: {  	s1 =	sld [smem:$0x3F9B];
	s0 =	simm.s32 @p0 $0x1  }
0x13: {  	[smem:$0x3FB6] =	sst s0;
	s0 =	simm.s32 @!p1 $0x0  }
0x14: {  	s2 =	sld [smem:$0x3F9A];
	s0 =	simm.s32 @p1 $0x1  }
0x15: {  	[smem:$0x3FB7] =	sst s0;
	s0 =	simm.s32 @!p2 $0x0  }
0x16: {  	s3 =	sld [smem:$0x3FDB];
	s0 =	simm.s32 @p2 $0x1  }
0x17: {  	s4 =	simm.s32 $0x1BF5;
	[smem:$0x3FB9] =	sst s0  }
0x18: {  	s0 =	sld [smem:$0x3F9C];
	_ =	swait.ge [sflag:s4], $0x0  }
0x19: {  	s7 =	sld [smem:$0x3F9D]  }
0x1a: {  	s8 =	sadd.s32 $0xFFFFE003, lr  }
0x1b: {  	s9 =	sadd.s32 $0xFFFFFEF7, lr;
	s5 =	simm.s32 $0xFFFFFFFF;
	p2 =	slt.u32 s8, $0xFFFFF086  }
0x1c: {  	p1 =	slt.u32 s9, $0xF7A;
	s5 =	simm.s32 @!p2 $0x0  }
0x1d: {  	s5 =	simm.s32 @p1 $0x1;
	p0 =	seq.s32 s7, s2  }
0x1e: {  	s7 =	smul.u32 @!p0 $0xF7A, s2;
	p2 =	seq.s32 @!p0 s5, $0x0  }
0x1f: {  	s9 =	smul.u32 $0xF7A, s1;
	s8 =	simm.s32 @!p0 $0x1BF5;
	p2 =	por !p2, p0  }
0x20: {  	[sflag:s8] =	ssyncset.s32 @!p0 $0xFFFFF086;
	s6 =	sadd.s32 @!p0 s3, s7;
	s7 =	simm.s32 @!p0 $0x108  }
0x21: {  	s3 =	sadd.s32 s3, s9;
	s6 =	sadd.s32 @!p0 $0x88, s6;
	s7 =	simm.s32 @p2 $0x1082  }
0x22: {  	[simem:s7], [sflag:s8] =	dma.local @!p0 [hbm:s6], $0xF7A  }
0x23: {  	s9 =	sor.u32 $0xD0000000, s2;
	s6 =	simm.s32 $0x108;
	_ =	swait.ge @!p0 [sflag:s8], $0x0  }
0x24: {  	s3 =	sadd.s32 $0x88, s3;
	s6 =	simm.s32 @!p1 $0x1082;
	[sflag:s4] =	ssyncset.s32 $0xFFFFF086  }
0x25: {  	[simem:s6], [sflag:s4] =	dma.local [hbm:s3], $0xF7A  }
0x26: {  	[smem:$0x3F9D] =	sst s1;
	(tag) =	ssettag s2;
	_ =	strace s9  }
0x27: {  	s1 =	sld [smem:$0x3FAD]  }
0x28: {  	s2 =	sld [smem:$0x3FAE]  }
0x29: {  	s4 =	sld [smem:$0x3FB0]  }
0x2a: {  	p0 =	seq.s32 s5, $0x0;
	s5 =	sld [smem:$0x3FB1]  }
0x2b: {  	s6 =	sld [smem:$0x3FB2]  }
0x2c: {  	s7 =	sld [smem:$0x3FB3]  }
0x2d: {  	s3 =	simm.s32 $0x108;
	s8 =	sld [smem:$0x3FB4]  }
0x2e: {  	s3 =	simm.s32 @!p0 $0x1082;
	s9 =	sld [smem:$0x3FB5]  }
0x2f: {  	lr =	sadd.s32 s0, s3;
	s0 =	sld [smem:$0x3FAC]  }
0x30: {  	s3 =	sld [smem:$0x3FAF]  }
0x31: {  	[smem:$0x3FB8] =	sst s10  }
0x32: {  	s10 =	sld [smem:$0x3FB6];
	_ =	sdelay $0x3  }
0x33: {  	p0 =	seq.s32 s10, $0x1;
	s10 =	sld [smem:$0x3FB8];
	_ =	sdelay $0x3  }
0x34: {  	[smem:$0x3FB8] =	sst s10  }
0x35: {  	s10 =	sld [smem:$0x3FB7];
	_ =	sdelay $0x3  }
0x36: {  	p1 =	seq.s32 s10, $0x1;
	s10 =	sld [smem:$0x3FB8];
	_ =	sdelay $0x3  }
0x37: {  	[smem:$0x3FB8] =	sst s10  }
0x38: {  	s10 =	sld [smem:$0x3FB9]  }
0x39: {  	_ = 	snop;
	(pc) =	sbr.ind lr, $3  }
0x3a: {  	_ = 	snop  }
0x3b: {  	_ = 	snop  }
0x3c: {  	p2 =	seq.s32 s10, $0x1;
	s10 =	sld [smem:$0x3FB8]  }
0x3d: {  	_ =	shalt  }
0x3e: {  	_ =	shalt  }
0x3f: {  	_ =	shalt  }
0x40: {  	_ =	shalt  }
0x41: {  	_ =	shalt  }
0x42: {  	_ =	shalt  }
0x43: {  	_ =	shalt  }
0x44: {  	_ =	shalt  }
0x45: {  	_ =	shalt  }
0x46: {  	_ =	shalt  }
0x47: {  	_ =	shalt  }
0x48: {  	_ =	shalt  }
0x49: {  	_ =	shalt  }
0x4a: {  	_ =	shalt  }
0x4b: {  	_ =	shalt  }
0x4c: {  	_ =	shalt  }
0x4d: {  	_ =	shalt  }
0x4e: {  	_ =	shalt  }
0x4f: {  	_ =	shalt  }
0x50: {  	_ =	shalt  }
0x51: {  	_ =	shalt  }
0x52: {  	_ =	shalt  }
0x53: {  	_ =	shalt  }
0x54: {  	_ =	shalt  }
0x55: {  	_ =	shalt  }
0x56: {  	_ =	shalt  }
0x57: {  	_ =	shalt  }
0x58: {  	_ =	shalt  }
0x59: {  	_ =	shalt  }
0x5a: {  	_ =	shalt  }
0x5b: {  	_ =	shalt  }
0x5c: {  	_ =	shalt  }
0x5d: {  	_ =	shalt  }
0x5e: {  	_ =	shalt  }
0x5f: {  	_ =	shalt  }
0x60: {  	_ =	shalt  }
0x61: {  	_ =	shalt  }
0x62: {  	_ =	shalt  }
0x63: {  	_ =	shalt  }
0x64: {  	_ =	shalt  }
0x65: {  	_ =	shalt  }
0x66: {  	_ =	shalt  }
0x67: {  	_ =	shalt  }
0x68: {  	_ =	shalt  }
0x69: {  	_ =	shalt  }
0x6a: {  	_ =	shalt  }
0x6b: {  	_ =	shalt  }
0x6c: {  	_ =	shalt  }
0x6d: {  	_ =	shalt  }
0x6e: {  	_ =	shalt  }
0x6f: {  	_ =	shalt  }
0x70: {  	_ =	shalt  }
0x71: {  	_ =	shalt  }
0x72: {  	_ =	shalt  }
0x73: {  	_ =	shalt  }
0x74: {  	_ =	shalt  }
0x75: {  	_ =	shalt  }
0x76: {  	_ =	shalt  }
0x77: {  	_ =	shalt  }
0x78: {  	_ =	shalt  }
0x79: {  	_ =	shalt  }
0x7a: {  	_ =	shalt  }
0x7b: {  	_ =	shalt  }
0x7c: {  	_ =	shalt  }
0x7d: {  	_ =	shalt  }
0x7e: {  	_ =	shalt  }
0x7f: {  	_ =	shalt  }
0x80: {  	_ =	shalt  }
0x81: {  	_ =	shalt  }
0x82: {  	_ =	shalt  }
0x83: {  	_ =	shalt  }
0x84: {  	_ =	shalt  }
0x85: {  	_ =	shalt  }
0x86: {  	_ =	shalt  }
0x87: {  	_ =	shalt  }
.Lfunc_end0:
.L_simem_size_0:
called_computation_lowered:
.L_overlay_start_0:
0x88: {  	s2 =	sld [smem:$0x3FD9]  }
0x89: {  	s3 =	sld [smem:$0x3FFE];
	_ =	sdelay $0x1  }
0x8a: {  	s1 =	srdreg.scid  }
0x8b: {  	s0 =	sand.u32 $0x1, s1  }
0x8c: {  	s17 =	sshll.u32 s0, $0xA;
	s2 =	sadd.s32 s3, s2  }
0x8d: {  	s2 =	sadd.s32 s2, s17  }
0x8e: {  	[smem:$0x3FC4] =	sst s2  }
0x8f: {  	_ = 	snop  }
0x90: {  	s2 =	sld [smem:$0x3FD0];
	(tm) =	ssettm $0x1  }
0x91: {  	s18 =	sld [smem:$0x3FFB];
	_ =	sdelay $0x3  }
0x92: {  	_ =	strace s18  }
0x93: {  	s3 =	sld [smem:$0x3FFC];
	_ =	sdelay $0x3  }
0x94: {  	_ =	strace s3  }
0x95: {  	s3 =	sld [smem:$0x3FFD];
	_ =	sdelay $0x3  }
0x96: {  	_ =	strace s3  }
0x97: {  	_ =	strace $0x8FFFFFFF  }
0x98: {  	s19 =	sld [smem:$0x3FDB];
	_ =	sdelay $0x1  }
0x99: {  	s4 =	simm.s32 $_scs_section_size  }
0x9a: {  	s5 =	simm.s32 $_size__tile_overlayer_lowered;
	s6 =	simm.s32 $_tile_overlayer_lowered  }
0x9b: {  	s22 =	simm.s32 $0x1BFF;
	s21 =	sshll.u32 s6, $0x1;
	s3 =	sadd.s32 s4, s19  }
0x9c: {  	s7 =	simm.s32 $0x0;
	s20 =	sshll.u32 s5, $0x1;
	s5 =	sadd.s32 s21, s3  }
0x9d: {  	[timem:s7], [sflag:s22] =	dma.local [hbm:s5], s20  }
0x9e: {  	_ =	swait.ge [sflag:s22], s20  }
0x9f: {  	s4 =	ssub.s32 $0x0, s20;
	[sflag:s22] =	ssyncset.done $0x0  }
0xa0: {  	[sflag:s22] =	ssyncadd.s32 s4;
	_ =	sdelay $0x1  }
0xa1: {  	s23 =	simm.s32 $0x1B8B  }
0xa2: {  	_ =	swait.ge [sflag:s23], $0x1  }
0xa3: {  	[sflag:s23] =	ssyncset.done $0x0  }
0xa4: {  	s25 =	simm.s32 $0x1B8E;
	s24 =	sld [smem:$0x3FFE];
	[sflag:s23] =	ssyncadd.s32 $0xFFFFFFFF  }
0xa5: {  	s26 =	simm.s32 $execute0_lowered;
	[smem:$0x3FD2] =	sst s25  }
0xa6: {  	s5 =	sshll.u32 s26, $0x1;
	_ =	strace $0x80000046;
	[dreg:$0x1] =	wrdreg $0xFFFFFFFF  }
0xa7: {  	s28 =	simm.s32 $_size_execute0_lowered;
	s3 =	sadd.s32 s3, s5;
	[dreg:$0x0] =	wrdreg $0x0  }
0xa8: {  	s5 =	sshll.u32 s28, $0x1;
	[dreg:$0x2] =	wrdreg s3  }
0xa9: {  	[dreg:$0x3] =	wrdreg s5  }
0xaa: {  	[dreg:$0x4] =	wrdreg $0xC0  }
0xab: {  	_ =	task [dreg:s7], $0x5FFFF  }
0xac: {  	[dreg:$0x1] =	wrdreg $0xFFFFFFFF  }
0xad: {  	[dreg:$0x0] =	wrdreg $0x60  }
0xae: {  	[dreg:$0x2] =	wrdreg s24  }
0xaf: {  	[dreg:$0x3] =	wrdreg s2  }
0xb0: {  	[dreg:$0x4] =	wrdreg $0x9  }
0xb1: {  	_ =	task.clear_ibuf [dreg:s7], $0x5FFFF;
	_ =	strace $0x90000046  }
0xb2: {  	s29 =	simm.s32 $0x9;
	_ =	strace $0x80000048  }
0xb3: {  	_ =	swait.ge [sflag:s29], $0x1  }
0xb4: {  	[sflag:s29] =	ssyncadd.s32 $0xFFFFFFFF  }
0xb5: {  	_ =	strace $0x90000048  }
0xb6: {  	_ =	sfence  }
0xb7: {  	s30 =	sld [smem:$0x0];
	_ =	sdelay $0x2  }
0xb8: {  	s31 =	sshll.u32 s1, $0xD;
	s1 =	sshrl.u32 s1, $0x2  }
0xb9: {  	s3 =	sand.u32 $0x4000, s31;
	s1 =	sadd.s32 s1, s30  }
0xba: {  	s0 =	sor.u32 s3, s0;
	s1 =	sshll.u32 s1, $0x11  }
0xbb: {  	s0 =	sor.u32 s1, s0  }
0xbc: {  	s0 =	sadd.s32 $0x8F2B, s0  }
0xbd: {  	[sflag:s0] =	ssyncadd.remote.s32 $0x1  }
0xbe: {  	_ =	sfence.sel $0xFFFF  }
0xbf: {  	[dreg:$0x0] =	wrdreg $0xFFFFFFFF;
	(pc) =	sbr.abs _section_cstart, $3  }
0xc0: {  	[dreg:$0x1] =	wrdreg $0xFFFFFFFF  }
0xc1: {  	_ =	task.clear_ibuf [dreg:s7], $0x2FFFF;
	_ =	strace $0x9FFFFFFF  }
0xc2: {  	(tm) =	ssettm $0x7FFFFFFF  }
0xc3: {  	_ =	shalt  }
tec
execute0_lowered:
.L_overlay_start_1:
0x0: {  	(tag) =	ssettag $0x1  }
0x1: {  	s0 =	rddreg [dreg:$0x0]  }
0x2: {  	s1 =	rddreg [dreg:$0x1];
	s2 =	simm.s32 $0x0;
	s3 =	srdreg.scid  }
0x3: {  	s6 =	stileid.u32;
	s13 =	simm.s32 $0x5;
	s14 =	simm.s32 $0x280  }
0x4: {  	s16 =	simm.s32 $0x14500;
	s17 =	simm.s32 $0xA500;
	s18 =	simm.s32 $0x14D00  }
0x5: {  	s19 =	simm.s32 $0x1;
	s20 =	simm.s32 $0x15500;
	s21 =	simm.s32 $0x2  }
0x6: {  	s22 =	simm.s32 $0x15D00;
	s23 =	simm.s32 $0x3;
	s24 =	simm.s32 $0x4  }
0x7: {  	s25 =	simm.s32 $0x16500;
	s26 =	simm.s32 $0x16540;
	s28 =	simm.s32 $0x0  }
0x8: {  	[smem:$0x7FF] =	sst s2;
	s4 =	sadd.s32 $0x1400, s0;
	s5 =	sadd.s32 $0xB400, s0  }
0x9: {  	s3 =	sand.u32 $0x1, s3;
	s7 =	sshll.u32 s6, $0x1;
	s6 =	sadd.s32 $0x2B800, s0  }
0xa: {  	_ =	strace $0x80000047;
	s7 =	sor.u32 s3, s7;
	s3 =	ssub.s32 $0x2, s3  }
0xb: {  	s8 =	sshll.u32 s7, $0x3;
	s9 =	sshrl.u32 s3, $0x1;
	s10 =	smul.u32 $0x500, s7  }
0xc: {  	s31 =	sshll.u32 s7, $0xC;
	s7 =	sshll.u32 s7, $0x9;
	s0 =	sadd.s32 s8, s0  }
0xd: {  	s3 =	ssub.s32 s3, s9;
	s9 =	sadd.s32 s5, s31;
	s8 =	sadd.s32 s4, s10  }
0xe: {  	s10 =	sadd.s32 $0x2B400, s0;
	s11 =	sadd.s32 $0x2B600, s0;
	s12 =	smax.u32 s3, $0x1  }
.LBB2_1:
0xf: {  	[tilespmem:s2], [sflag:$0x5] =	stream.linear.gather [hbm4b:s8+s2], $0x280, $0x38;
	[tilespmem:$0x16580] =	vst v63  }
0x10: {  	_ =	swait.ge [sflag:s13], $0x280  }
0x11: {  	[sflag:s13] =	ssyncset.done $0x0  }
0x12: {  	s0 =	simm.s32 $0x500;
	[sflag:s13] =	ssyncadd.s32 $0xFFFFFD80  }
0x13: {  	v0 =	vimm.f32 $0.0e+00;
	v1 =	vimm.f32 $0.0e+00;
	[tilespmem:s0], [sflag:$0x1] =	stream.indirect.gather [hbm4b:s1+s14], $0x40, s2, s14, $0xb8;
	[tilespmem:$0x16580] =	vst v63  }
0x14: {  	v3 =	vimm.f32 $0.0e+00;
	v5 =	vimm.f32 $0.0e+00;
	v2 =	vimm.f32 $0.0e+00;
	s29 =	simm.s32 $0x0  }
0x15: {  	v4 =	vimm.f32 $0.0e+00;
	v6 =	vimm.f32 $0.0e+00;
	v7 =	vimm.f32 $0.0e+00;
	[tilespmem:s16], [sflag:$0x1] =	stream.linear.gather [hbm4b:s9+s2], $0x800, $0x38;
	[tilespmem:$0x16580] =	vst v63  }
.LBB2_2:
0x16: {  	s0 =	sshll.u32 s29, $0x6  }
0x17: {  	s31 =	sor.u32 s7, s0  }
0x18: {  	s0 =	sor.u32 $0x20, s31  }
0x19: {  	s3 =	smul.u32 $0x14, s0;
	_ =	sdelay $0x1  }
0x1a: {  	s3 =	sshrl.u32 s3, $0x3  }
0x1b: {  	s3 =	sadd.s32 s4, s3  }
0x1c: {  	[tilespmem:s14], [sflag:$0x5] =	stream.linear.gather [hbm4b:s3+s2], $0x280, $0x38;
	[tilespmem:$0x16580] =	vst v63  }
0x1d: {  	_ =	swait.ge [sflag:s13], $0x280  }
0x1e: {  	s0 =	sshll.u32 s0, $0x3;
	[sflag:s13] =	ssyncset.done $0x0  }
0x1f: {  	s0 =	sand.u32 $0x1FFFFF00, s0;
	[sflag:s13] =	ssyncadd.s32 $0xFFFFFD80  }
0x20: {  	[tilespmem:s17], [sflag:$0x2] =	stream.indirect.gather [hbm4b:s1+s14], $0x40, s14, s14, $0xb8;
	[tilespmem:$0x16580] =	vst v63  }
0x21: {  	s0 =	sadd.s32 s5, s0  }
0x22: {  	[tilespmem:s18], [sflag:$0x2] =	stream.linear.gather [hbm4b:s0+s2], $0x800, $0x38;
	[tilespmem:$0x16580] =	vst v63  }
0x23: {  	_ =	swait.ge [sflag:s19], $0xA000  }
0x24: {  	[sflag:s19] =	ssyncset.done $0x0  }
0x25: {  	[sflag:s19] =	ssyncadd.s32 $0xFFFF6000  }
0x26: {  	_ =	swait.ge [sflag:s19], $0x800  }
0x27: {  	p0 =	seq.s32 s29, $0x0;
	[sflag:s19] =	ssyncset.done $0x0  }
0x28: {  	s0 =	simm.s32 @!p0 $0x3;
	[sflag:s19] =	ssyncadd.s32 $0xFFFFF800  }
0x29: {  	_ =	swait.ge @!p0 [sflag:s0], $0x800  }
0x2a: {  	[sflag:s0] =	ssyncset.done @!p0 $0x0  }
0x2b: {  	s30 =	simm.s32 $0x0;
	[sflag:s0] =	ssyncadd.s32 @!p0 $0xFFFFF800;
	s0 =	simm.s32 $0x780  }
.LBB2_3:
0x2c: {  	v8 =	vld [tilespmem:s0+$0xFFFFFD80]  }
0x2d: {  	v9 =	vld [tilespmem:s0+$0xFFFFFD90]  }
0x2e: {  	v10 =	vld [tilespmem:s0+$0xFFFFFDA0]  }
0x2f: {  	v11 =	vld [tilespmem:s0+$0xFFFFFDC0]  }
0x30: {  	v12 =	vld [tilespmem:s0+$0xFFFFFDB0]  }
0x31: {  	v13 =	vld [tilespmem:s0+$0xFFFFFDD0]  }
0x32: {  	v14 =	vld [tilespmem:s0+$0xFFFFFDE0]  }
0x33: {  	v16 =	vld [tilespmem:s0+$0xFFFFFDF0]  }
0x34: {  	v22 =	vld [tilespmem:s0+$0xFFFFFE00]  }
0x35: {  	v38 =	vld [tilespmem:s0+$0xFFFFFE10]  }
0x36: {  	v24 =	vld [tilespmem:s0+$0xFFFFFE20]  }
0x37: {  	v42 =	vld [tilespmem:s0+$0xFFFFFE30]  }
0x38: {  	v45 =	vld [tilespmem:s0+$0xFFFFFE40]  }
0x39: {  	v26 =	vld [tilespmem:s0+$0xFFFFFE50]  }
0x3a: {  	v49 =	vld [tilespmem:s0+$0xFFFFFE60]  }
0x3b: {  	v51 =	vld [tilespmem:s0+$0xFFFFFE70];
	v15 =	vmul.f32 v8, v8  }
0x3c: {  	v53 =	vld [tilespmem:s0+$0xFFFFFE80];
	v17 =	vmul.f32 v9, v9;
	v18 =	vmul.f32 v11, v11  }
0x3d: {  	v56 =	vld [tilespmem:s0+$0xFFFFFE90];
	v19 =	vmul.f32 v10, v10;
	v20 =	vmul.f32 v12, v12;
	v21 =	vmax.f32 v8, v11  }
0x3e: {  	v58 =	vld [tilespmem:s0+$0xFFFFFEA0];
	v8 =	vadd.f32 v11, v8;
	v37 =	vmul.f32 v13, v13;
	v39 =	vmul.f32 v14, v14  }
0x3f: {  	v60 =	vld [tilespmem:s0+$0xFFFFFEB0];
	v23 =	vmax.f32 v9, v13;
	v25 =	vmul.f32 v16, v16;
	v44 =	vmul.f32 v22, v22  }
0x40: {  	v63 =	vld [tilespmem:s0+$0xFFFFFEC0];
	v9 =	vadd.f32 v13, v9;
	v46 =	vmul.f32 v38, v38;
	v48 =	vmul.f32 v24, v24  }
0x41: {  	v40 =	vmax.f32 v10, v14;
	v50 =	vmul.f32 v42, v42;
	v52 =	vmul.f32 v45, v45  }
0x42: {  	v10 =	vadd.f32 v14, v10;
	v54 =	vmul.f32 v26, v26;
	v57 =	vmul.f32 v49, v49  }
0x43: {  	v41 =	vmax.f32 v12, v16;
	v59 =	vmul.f32 v51, v51;
	v61 =	vmul.f32 v53, v53  }
0x44: {  	v31 =	vld [tilespmem:s0+$0xFFFFFEE0];
	v12 =	vadd.f32 v16, v12;
	v28 =	vmul.f32 v56, v56;
	v30 =	vmul.f32 v58, v58  }
0x45: {  	v33 =	vld [tilespmem:s0+$0xFFFFFEF0];
	v32 =	vmul.f32 v60, v60;
	v34 =	vmul.f32 v63, v63;
	v21 =	vmax.f32 v21, v22  }
0x46: {  	v35 =	vld [tilespmem:s0+$0xFFFFFF00];
	v47 =	vmax.f32 v23, v38;
	v36 =	vadd.f32 v18, v15;
	v15 =	vadd.f32 v37, v17  }
0x47: {  	v14 =	vmax.f32 v41, v42;
	v13 =	vadd.f32 v39, v19;
	v43 =	vadd.f32 v25, v20  }
0x48: {  	v8 =	vadd.f32 v22, v8;
	v9 =	vadd.f32 v38, v9;
	v17 =	vmax.f32 v40, v24  }
0x49: {  	v10 =	vadd.f32 v24, v10;
	v12 =	vadd.f32 v42, v12;
	v21 =	vmax.f32 v21, v45  }
0x4a: {  	v55 =	vmax.f32 v47, v26;
	v14 =	vmax.f32 v14, v51;
	v38 =	vmul.f32 v31, v31  }
0x4b: {  	v29 =	vld [tilespmem:s0+$0xFFFFFED0];
	v40 =	vmul.f32 v33, v33;
	v42 =	vmul.f32 v35, v35;
	v17 =	vmax.f32 v17, v49  }
0x4c: {  	v62 =	vmax.f32 v21, v53;
	v11 =	vadd.f32 v44, v36;
	v15 =	vadd.f32 v46, v15  }
0x4d: {  	v19 =	vmax.f32 v55, v56;
	v13 =	vadd.f32 v48, v13;
	v16 =	vadd.f32 v50, v43  }
0x4e: {  	v14 =	vmax.f32 v14, v60;
	v8 =	vadd.f32 v45, v8;
	v9 =	vadd.f32 v26, v9  }
0x4f: {  	v41 =	vld [tilespmem:s0+$0xFFFFFF30];
	v10 =	vadd.f32 v49, v10;
	v12 =	vadd.f32 v51, v12;
	v17 =	vmax.f32 v17, v58  }
0x50: {  	v37 =	vld [tilespmem:s0+$0xFFFFFF10];
	v18 =	vmax.f32 v62, v63;
	v36 =	vmul.f32 v29, v29;
	v19 =	vmax.f32 v19, v29  }
0x51: {  	v39 =	vld [tilespmem:s0+$0xFFFFFF20];
	v14 =	vmax.f32 v14, v33;
	v11 =	vadd.f32 v52, v11;
	v15 =	vadd.f32 v54, v15  }
0x52: {  	v47 =	vld [tilespmem:s0+$0xFFFFFF60];
	v17 =	vmax.f32 v17, v31;
	v13 =	vadd.f32 v57, v13;
	v16 =	vadd.f32 v59, v16  }
0x53: {  	v55 =	vld [tilespmem:s0+$0xFFFFFFA0];
	v18 =	vmax.f32 v18, v35;
	v8 =	vadd.f32 v53, v8;
	v9 =	vadd.f32 v56, v9  }
0x54: {  	v43 =	vld [tilespmem:s0+$0xFFFFFF40];
	v10 =	vadd.f32 v58, v10;
	v12 =	vadd.f32 v60, v12;
	v48 =	vmul.f32 v41, v41  }
0x55: {  	v45 =	vld [tilespmem:s0+$0xFFFFFF50];
	v14 =	vmax.f32 v14, v41;
	v44 =	vmul.f32 v37, v37;
	v19 =	vmax.f32 v19, v37  }
0x56: {  	v49 =	vld [tilespmem:s0+$0xFFFFFF70];
	v46 =	vmul.f32 v39, v39;
	v11 =	vadd.f32 v61, v11;
	v15 =	vadd.f32 v28, v15  }
0x57: {  	v17 =	vmax.f32 v17, v39;
	v13 =	vadd.f32 v30, v13;
	v16 =	vadd.f32 v32, v16  }
0x58: {  	v51 =	vld [tilespmem:s0+$0xFFFFFF80];
	v54 =	vmul.f32 v47, v47;
	v8 =	vadd.f32 v63, v8;
	v9 =	vadd.f32 v29, v9  }
0x59: {  	v10 =	vadd.f32 v31, v10;
	v12 =	vadd.f32 v33, v12;
	v17 =	vmax.f32 v17, v47  }
0x5a: {  	v53 =	vld [tilespmem:s0+$0xFFFFFF90];
	v62 =	vmul.f32 v55, v55;
	v50 =	vmul.f32 v43, v43;
	v18 =	vmax.f32 v18, v43  }
0x5b: {  	v57 =	vld [tilespmem:s0+$0xFFFFFFB0];
	v52 =	vmul.f32 v45, v45;
	v19 =	vmax.f32 v19, v45;
	v56 =	vmul.f32 v49, v49  }
0x5c: {  	v14 =	vmax.f32 v14, v49;
	v11 =	vadd.f32 v34, v11;
	v15 =	vadd.f32 v36, v15  }
0x5d: {  	v59 =	vld [tilespmem:s0+$0xFFFFFFC0];
	v58 =	vmul.f32 v51, v51;
	v13 =	vadd.f32 v38, v13;
	v16 =	vadd.f32 v40, v16  }
0x5e: {  	v17 =	vmax.f32 v17, v55;
	v8 =	vadd.f32 v35, v8;
	v9 =	vadd.f32 v37, v9  }
0x5f: {  	v61 =	vld [tilespmem:s0+$0xFFFFFFD0];
	v10 =	vadd.f32 v39, v10;
	v12 =	vadd.f32 v41, v12;
	v18 =	vmax.f32 v18, v51  }
0x60: {  	v63 =	vld [tilespmem:s0+$0xFFFFFFE0];
	v60 =	vmul.f32 v53, v53;
	v19 =	vmax.f32 v19, v53;
	v28 =	vmul.f32 v57, v57  }
0x61: {  	v29 =	vld [tilespmem:s0+$0xFFFFFFF0];
	v14 =	vmax.f32 v14, v57;
	v11 =	vadd.f32 v42, v11;
	v15 =	vadd.f32 v44, v15  }
0x62: {  	v31 =	vld [tilespmem:s0+$0x0];
	v30 =	vmul.f32 v59, v59;
	v13 =	vadd.f32 v46, v13;
	v16 =	vadd.f32 v48, v16  }
0x63: {  	v18 =	vmax.f32 v18, v59;
	v8 =	vadd.f32 v43, v8;
	v9 =	vadd.f32 v45, v9  }
0x64: {  	v33 =	vld [tilespmem:s0+$0x10];
	v10 =	vadd.f32 v47, v10;
	v12 =	vadd.f32 v49, v12;
	v32 =	vmul.f32 v61, v61  }
0x65: {  	v35 =	vld [tilespmem:s0+$0x20];
	v19 =	vmax.f32 v19, v61;
	v34 =	vmul.f32 v63, v63;
	v17 =	vmax.f32 v17, v63  }
0x66: {  	v37 =	vld [tilespmem:s0+$0x30];
	v36 =	vmul.f32 v29, v29;
	v14 =	vmax.f32 v14, v29;
	v11 =	vadd.f32 v50, v11  }
0x67: {  	v39 =	vld [tilespmem:s0+$0x40];
	v38 =	vmul.f32 v31, v31;
	v15 =	vadd.f32 v52, v15;
	v13 =	vadd.f32 v54, v13  }
0x68: {  	v18 =	vmax.f32 v18, v31;
	v16 =	vadd.f32 v56, v16;
	v8 =	vadd.f32 v51, v8  }
0x69: {  	v41 =	vld [tilespmem:s0+$0x50];
	v40 =	vmul.f32 v33, v33;
	v9 =	vadd.f32 v53, v9;
	v10 =	vadd.f32 v55, v10  }
0x6a: {  	v43 =	vld [tilespmem:s0+$0x60];
	v12 =	vadd.f32 v57, v12;
	v19 =	vmax.f32 v19, v33;
	v42 =	vmul.f32 v35, v35  }
0x6b: {  	v45 =	vld [tilespmem:s0+$0x70];
	v17 =	vmax.f32 v17, v35;
	v44 =	vmul.f32 v37, v37;
	v14 =	vmax.f32 v14, v37  }
0x6c: {  	v47 =	vld [tilespmem:s0+$0x80];
	v46 =	vmul.f32 v39, v39;
	v11 =	vadd.f32 v58, v11;
	v15 =	vadd.f32 v60, v15  }
0x6d: {  	v18 =	vmax.f32 v18, v39;
	v13 =	vadd.f32 v62, v13;
	v16 =	vadd.f32 v28, v16  }
0x6e: {  	v49 =	vld [tilespmem:s0+$0x90];
	v48 =	vmul.f32 v41, v41;
	v8 =	vadd.f32 v59, v8;
	v9 =	vadd.f32 v61, v9  }
0x6f: {  	v51 =	vld [tilespmem:s0+$0xA0];
	v19 =	vmax.f32 v19, v41;
	v10 =	vadd.f32 v63, v10;
	v12 =	vadd.f32 v29, v12  }
0x70: {  	v53 =	vld [tilespmem:s0+$0xB0];
	v50 =	vmul.f32 v43, v43;
	v17 =	vmax.f32 v17, v43;
	v52 =	vmul.f32 v45, v45  }
0x71: {  	v55 =	vld [tilespmem:s0+$0xC0];
	v14 =	vmax.f32 v14, v45;
	v54 =	vmul.f32 v47, v47;
	v11 =	vadd.f32 v30, v11  }
0x72: {  	v18 =	vmax.f32 v18, v47;
	v15 =	vadd.f32 v32, v15;
	v13 =	vadd.f32 v34, v13  }
0x73: {  	v57 =	vld [tilespmem:s0+$0xD0];
	v56 =	vmul.f32 v49, v49;
	v16 =	vadd.f32 v36, v16;
	v8 =	vadd.f32 v31, v8  }
0x74: {  	v19 =	vmax.f32 v19, v49;
	v9 =	vadd.f32 v33, v9;
	v10 =	vadd.f32 v35, v10  }
0x75: {  	v59 =	vld [tilespmem:s0+$0xE0];
	v12 =	vadd.f32 v37, v12;
	v58 =	vmul.f32 v51, v51;
	v17 =	vmax.f32 v17, v51  }
0x76: {  	v61 =	vld [tilespmem:s0+$0xF0];
	v60 =	vmul.f32 v53, v53;
	v14 =	vmax.f32 v14, v53;
	v62 =	vmul.f32 v55, v55  }
0x77: {  	v63 =	vld [tilespmem:s0+$0x100];
	v18 =	vmax.f32 v18, v55;
	v11 =	vadd.f32 v38, v11;
	v15 =	vadd.f32 v40, v15  }
0x78: {  	v28 =	vmul.f32 v57, v57;
	v13 =	vadd.f32 v42, v13;
	v16 =	vadd.f32 v44, v16  }
0x79: {  	v29 =	vld [tilespmem:s0+$0x110];
	v19 =	vmax.f32 v19, v57;
	v8 =	vadd.f32 v39, v8;
	v9 =	vadd.f32 v41, v9  }
0x7a: {  	v31 =	vld [tilespmem:s0+$0x120];
	v10 =	vadd.f32 v43, v10;
	v12 =	vadd.f32 v45, v12;
	v30 =	vmul.f32 v59, v59  }
0x7b: {  	v33 =	vld [tilespmem:s0+$0x130];
	v17 =	vmax.f32 v17, v59;
	v32 =	vmul.f32 v61, v61;
	v14 =	vmax.f32 v14, v61  }
0x7c: {  	v35 =	vld [tilespmem:s0+$0x140];
	v34 =	vmul.f32 v63, v63;
	v11 =	vadd.f32 v46, v11;
	v15 =	vadd.f32 v48, v15  }
0x7d: {  	v18 =	vmax.f32 v18, v63;
	v13 =	vadd.f32 v50, v13;
	v16 =	vadd.f32 v52, v16  }
0x7e: {  	v37 =	vld [tilespmem:s0+$0x150];
	v36 =	vmul.f32 v29, v29;
	v8 =	vadd.f32 v47, v8;
	v9 =	vadd.f32 v49, v9  }
0x7f: {  	v39 =	vld [tilespmem:s0+$0x160];
	v19 =	vmax.f32 v19, v29;
	v10 =	vadd.f32 v51, v10;
	v12 =	vadd.f32 v53, v12  }
0x80: {  	v41 =	vld [tilespmem:s0+$0x170];
	v38 =	vmul.f32 v31, v31;
	v17 =	vmax.f32 v17, v31;
	v40 =	vmul.f32 v33, v33  }
0x81: {  	v43 =	vld [tilespmem:s0+$0x180];
	v14 =	vmax.f32 v14, v33;
	v42 =	vmul.f32 v35, v35;
	v11 =	vadd.f32 v54, v11  }
0x82: {  	v18 =	vmax.f32 v18, v35;
	v15 =	vadd.f32 v56, v15;
	v13 =	vadd.f32 v58, v13  }
0x83: {  	v45 =	vld [tilespmem:s0+$0x190];
	v44 =	vmul.f32 v37, v37;
	v16 =	vadd.f32 v60, v16;
	v8 =	vadd.f32 v55, v8  }
0x84: {  	v19 =	vmax.f32 v19, v37;
	v9 =	vadd.f32 v57, v9;
	v10 =	vadd.f32 v59, v10  }
0x85: {  	v47 =	vld [tilespmem:s0+$0x1A0];
	v12 =	vadd.f32 v61, v12;
	v46 =	vmul.f32 v39, v39;
	v17 =	vmax.f32 v17, v39  }
0x86: {  	v49 =	vld [tilespmem:s0+$0x1B0];
	v48 =	vmul.f32 v41, v41;
	v14 =	vmax.f32 v14, v41;
	v50 =	vmul.f32 v43, v43  }
0x87: {  	v51 =	vld [tilespmem:s0+$0x1C0];
	v18 =	vmax.f32 v18, v43;
	v11 =	vadd.f32 v62, v11;
	v15 =	vadd.f32 v28, v15  }
0x88: {  	v52 =	vmul.f32 v45, v45;
	v13 =	vadd.f32 v30, v13;
	v16 =	vadd.f32 v32, v16  }
0x89: {  	v53 =	vld [tilespmem:s0+$0x1D0];
	v19 =	vmax.f32 v19, v45;
	v8 =	vadd.f32 v63, v8;
	v9 =	vadd.f32 v29, v9  }
0x8a: {  	v10 =	vadd.f32 v31, v10;
	v12 =	vadd.f32 v33, v12;
	v54 =	vmul.f32 v47, v47  }
0x8b: {  	v27 =	vld [tilespmem:s0+$0x1F0];
	v17 =	vmax.f32 v17, v47;
	v56 =	vmul.f32 v49, v49;
	v14 =	vmax.f32 v14, v49  }
0x8c: {  	v55 =	vld [tilespmem:s0+$0x1E0];
	v58 =	vmul.f32 v51, v51;
	v11 =	vadd.f32 v34, v11;
	v15 =	vadd.f32 v36, v15  }
0x8d: {  	v57 =	vld [tilespmem:s0+$0x200];
	v18 =	vmax.f32 v18, v51;
	v13 =	vadd.f32 v38, v13;
	v16 =	vadd.f32 v40, v16  }
0x8e: {  	s3 =	sshra.s32 s30, $0x2;
	v59 =	vld [tilespmem:s0+$0x210];
	v60 =	vmul.f32 v53, v53;
	v8 =	vadd.f32 v35, v8;
	v9 =	vadd.f32 v37, v9  }
0x8f: {  	v29 =	vld [tilespmem:s3+$0x14500];
	v19 =	vmax.f32 v19, v53;
	v10 =	vadd.f32 v39, v10;
	v12 =	vadd.f32 v41, v12  }
0x90: {  	v61 =	vld [tilespmem:s0+$0x220];
	v36 =	vmul.f32 v27, v27;
	v14 =	vmax.f32 v14, v27;
	v11 =	vadd.f32 v42, v11  }
0x91: {  	v62 =	vmul.f32 v55, v55;
	v15 =	vadd.f32 v44, v15;
	v13 =	vadd.f32 v46, v13  }
0x92: {  	v17 =	vmax.f32 v17, v55;
	v16 =	vadd.f32 v48, v16;
	v8 =	vadd.f32 v43, v8  }
0x93: {  	v28 =	vld [tilespmem:s0+$0x230];
	v38 =	vmul.f32 v57, v57;
	v9 =	vadd.f32 v45, v9;
	v10 =	vadd.f32 v47, v10  }
0x94: {  	v32 =	vld [tilespmem:s3+$0x14510];
	v40 =	vmul.f32 v59, v59;
	v12 =	vadd.f32 v49, v12;
	v31 =	vadd.f32 v29, v29  }
0x95: {  	v63 =	vld [tilespmem:s0+$0x240];
	v41 =	vmul.f32 v61, v61;
	v11 =	vadd.f32 v50, v11;
	v15 =	vadd.f32 v52, v15  }
0x96: {  	v30 =	vld [tilespmem:s0+$0x270];
	v18 =	vmax.f32 v18, v57;
	v13 =	vadd.f32 v54, v13;
	v16 =	vadd.f32 v56, v16  }
0x97: {  	v37 =	vld [tilespmem:s0+$0x250];
	v19 =	vmax.f32 v19, v59;
	v8 =	vadd.f32 v51, v8;
	v9 =	vadd.f32 v53, v9  }
0x98: {  	v47 =	vld [tilespmem:s3+$0x14520];
	v17 =	vmax.f32 v17, v61;
	v10 =	vadd.f32 v55, v10;
	v12 =	vadd.f32 v27, v12  }
0x99: {  	v49 =	vld [tilespmem:s3+$0x14530];
	v42 =	vmul.f32 v28, v28;
	v51 =	vadd.f32 v32, v32;
	v11 =	vadd.f32 v58, v11  }
0x9a: {  	v39 =	vld [tilespmem:s0+$0x260];
	v43 =	vmul.f32 v63, v63;
	v15 =	vadd.f32 v60, v15;
	v13 =	vadd.f32 v62, v13  }
0x9b: {  	v45 =	vmul.f32 $2.000000000e+01, v29;
	v16 =	vadd.f32 v36, v16;
	v8 =	vadd.f32 v57, v8  }
0x9c: {  	v33 =	vmul.f32 v30, v30;
	v9 =	vadd.f32 v59, v9;
	v10 =	vadd.f32 v61, v10  }
0x9d: {  	v50 =	vmul.f32 $2.000000000e+01, v32;
	v12 =	vadd.f32 v28, v12;
	v54 =	vadd.f32 v47, v47  }
0x9e: {  	v44 =	vmul.f32 v37, v37;
	v56 =	vadd.f32 v49, v49;
	v11 =	vadd.f32 v38, v11  }
0x9f: {  	v46 =	vmul.f32 v39, v39;
	v15 =	vadd.f32 v40, v15;
	v13 =	vadd.f32 v41, v13  }
0xa0: {  	v29 =	vmul.f32 v45, v29;
	v16 =	vadd.f32 v42, v16;
	v8 =	vadd.f32 v63, v8  }
0xa1: {  	v53 =	vmul.f32 $2.000000000e+01, v47;
	v9 =	vadd.f32 v37, v9;
	v10 =	vadd.f32 v39, v10  }
0xa2: {  	v12 =	vadd.f32 v30, v12;
	v31 =	vmul.f32 v31, v8;
	v8 =	vadd.f32 v45, v8  }
0xa3: {  	v55 =	vmul.f32 $2.000000000e+01, v49;
	v11 =	vadd.f32 v43, v11;
	v15 =	vadd.f32 v44, v15  }
0xa4: {  	v52 =	vmul.f32 v51, v9;
	v7 =	vadd.f32 v8, v7;
	v8 =	vmul.f32 v50, v32  }
0xa5: {  	v20 =	vmul.f32 v53, v47;
	v13 =	vadd.f32 v46, v13;
	v16 =	vadd.f32 v33, v16  }
0xa6: {  	v9 =	vadd.f32 v50, v9;
	v57 =	vmul.f32 v54, v10;
	v8 =	vadd.f32 v52, v8  }
0xa7: {  	v59 =	vmul.f32 v56, v12;
	v10 =	vadd.f32 v53, v10;
	v12 =	vadd.f32 v55, v12  }
0xa8: {  	v58 =	vmul.f32 v55, v49;
	v48 =	vadd.f32 v31, v29;
	v8 =	vadd.f32 v8, v15  }
0xa9: {  	p1 =	sne.s32 s30, $0x1F00;
	v14 =	vmax.f32 v14, v28;
	v6 =	vadd.f32 v9, v6;
	v60 =	vadd.f32 v57, v20  }
.Ltmp0:
0xaa: {  	v18 =	vmax.f32 v18, v63;
	v3 =	vadd.f32 v8, v3;
	v8 =	vadd.f32 v59, v58;
	(pc) =	sbr.rel @p1 .LBB2_3-.Ltmp0, $4  }
0xab: {  	[tilespmem:s3+$0x15500] =	vst v18;
	v61 =	vmax.f32 v19, v37;
	v4 =	vadd.f32 v10, v4;
	v11 =	vadd.f32 v48, v11  }
0xac: {  	v62 =	vmax.f32 v17, v39;
	[tilespmem:s3+$0x15510] =	vst v61;
	v9 =	vadd.f32 v60, v13;
	v8 =	vadd.f32 v8, v16  }
0xad: {  	[tilespmem:s3+$0x15520] =	vst v62;
	v63 =	vmax.f32 v14, v30;
	v2 =	vadd.f32 v12, v2;
	v5 =	vadd.f32 v11, v5  }
0xae: {  	s30 =	sadd.s32 $0x100, s30;
	s0 =	sadd.s32 $0x500, s0;
	[tilespmem:s3+$0x15530] =	vst v63;
	v1 =	vadd.f32 v9, v1;
	v0 =	vadd.f32 v8, v0  }
0xaf: {  	p1 =	seq.s32 s29, $0x7  }
0xb0: {  	s30 =	sshll.u32 s31, $0x3;
	s0 =	sadd.s32 @!p1 $0x40, s31  }
0xb1: {  	s3 =	sadd.s32 s6, s30;
	s31 =	smul.u32 @!p1 $0x14, s0  }
0xb2: {  	[hbm4b:s3+s2] =	stream.linear.scatter [tilespmem:s20], [sflag:$0x3], $0x800, $0x38;
	[tilespmem:$0x16580] =	vst v63  }
0xb3: {  	s3 =	sshrl.u32 @!p1 s31, $0x3  }
0xb4: {  	s31 =	simm.s32 @!p1 $0x0;
	s3 =	sadd.s32 @!p1 s4, s3  }
0xb5: {  	[tilespmem:s31], [sflag:$0x5] =	stream.linear.gather @!p1 [hbm4b:s3+s31], $0x280, $0x38;
	[tilespmem:$0x16580] =	vst v63  }
0xb6: {  	s3 =	simm.s32 @!p1 $0x5  }
0xb7: {  	_ =	swait.ge @!p1 [sflag:s3], $0x280  }
0xb8: {  	s15 =	simm.s32 @!p1 $0x500;
	s0 =	sshll.u32 @!p1 s0, $0x3;
	[sflag:s3] =	ssyncset.done @!p1 $0x0  }
0xb9: {  	s0 =	sand.u32 @!p1 $0x1FFFFE00, s0;
	[sflag:s3] =	ssyncadd.s32 @!p1 $0xFFFFFD80;
	s3 =	simm.s32 @!p1 $0x280  }
0xba: {  	[tilespmem:s15], [sflag:$0x1] =	stream.indirect.gather @!p1 [hbm4b:s1+s3], $0x40, s31, s3, $0xb8;
	[tilespmem:$0x16580] =	vst v63  }
0xbb: {  	s0 =	sadd.s32 @!p1 s5, s0;
	s3 =	simm.s32 @!p1 $0x14500  }
0xbc: {  	[tilespmem:s3], [sflag:$0x1] =	stream.linear.gather @!p1 [hbm4b:s0+s31], $0x800, $0x38;
	[tilespmem:$0x16580] =	vst v63  }
0xbd: {  	_ =	swait.ge [sflag:s21], $0xA000  }
0xbe: {  	[sflag:s21] =	ssyncset.done $0x0  }
0xbf: {  	[sflag:s21] =	ssyncadd.s32 $0xFFFF6000  }
0xc0: {  	_ =	swait.ge [sflag:s21], $0x800  }
0xc1: {  	[sflag:s21] =	ssyncset.done $0x0  }
0xc2: {  	s0 =	simm.s32 @!p0 $0x4;
	[sflag:s21] =	ssyncadd.s32 $0xFFFFF800  }
0xc3: {  	_ =	swait.ge @!p0 [sflag:s0], $0x800  }
0xc4: {  	[sflag:s0] =	ssyncset.done @!p0 $0x0  }
0xc5: {  	s31 =	simm.s32 $0x0;
	[sflag:s0] =	ssyncadd.s32 @!p0 $0xFFFFF800;
	s0 =	simm.s32 $0xA780  }
.LBB2_5:
0xc6: {  	v8 =	vld [tilespmem:s0+$0xFFFFFD80]  }
0xc7: {  	v9 =	vld [tilespmem:s0+$0xFFFFFD90]  }
0xc8: {  	v10 =	vld [tilespmem:s0+$0xFFFFFDA0]  }
0xc9: {  	v11 =	vld [tilespmem:s0+$0xFFFFFDC0]  }
0xca: {  	v12 =	vld [tilespmem:s0+$0xFFFFFDB0]  }
0xcb: {  	v13 =	vld [tilespmem:s0+$0xFFFFFDD0]  }
0xcc: {  	v14 =	vld [tilespmem:s0+$0xFFFFFDE0]  }
0xcd: {  	v16 =	vld [tilespmem:s0+$0xFFFFFDF0]  }
0xce: {  	v22 =	vld [tilespmem:s0+$0xFFFFFE00]  }
0xcf: {  	v38 =	vld [tilespmem:s0+$0xFFFFFE10]  }
0xd0: {  	v24 =	vld [tilespmem:s0+$0xFFFFFE20]  }
0xd1: {  	v42 =	vld [tilespmem:s0+$0xFFFFFE30]  }
0xd2: {  	v45 =	vld [tilespmem:s0+$0xFFFFFE40]  }
0xd3: {  	v26 =	vld [tilespmem:s0+$0xFFFFFE50]  }
0xd4: {  	v49 =	vld [tilespmem:s0+$0xFFFFFE60]  }
0xd5: {  	v51 =	vld [tilespmem:s0+$0xFFFFFE70];
	v15 =	vmul.f32 v8, v8  }
0xd6: {  	v53 =	vld [tilespmem:s0+$0xFFFFFE80];
	v17 =	vmul.f32 v9, v9;
	v18 =	vmul.f32 v11, v11  }
0xd7: {  	v56 =	vld [tilespmem:s0+$0xFFFFFE90];
	v19 =	vmul.f32 v10, v10;
	v20 =	vmul.f32 v12, v12;
	v21 =	vmax.f32 v8, v11  }
0xd8: {  	v58 =	vld [tilespmem:s0+$0xFFFFFEA0];
	v8 =	vadd.f32 v11, v8;
	v37 =	vmul.f32 v13, v13;
	v39 =	vmul.f32 v14, v14  }
0xd9: {  	v60 =	vld [tilespmem:s0+$0xFFFFFEB0];
	v23 =	vmax.f32 v9, v13;
	v25 =	vmul.f32 v16, v16;
	v44 =	vmul.f32 v22, v22  }
0xda: {  	v63 =	vld [tilespmem:s0+$0xFFFFFEC0];
	v9 =	vadd.f32 v13, v9;
	v46 =	vmul.f32 v38, v38;
	v48 =	vmul.f32 v24, v24  }
0xdb: {  	v40 =	vmax.f32 v10, v14;
	v50 =	vmul.f32 v42, v42;
	v52 =	vmul.f32 v45, v45  }
0xdc: {  	v10 =	vadd.f32 v14, v10;
	v54 =	vmul.f32 v26, v26;
	v57 =	vmul.f32 v49, v49  }
0xdd: {  	v41 =	vmax.f32 v12, v16;
	v59 =	vmul.f32 v51, v51;
	v61 =	vmul.f32 v53, v53  }
0xde: {  	v31 =	vld [tilespmem:s0+$0xFFFFFEE0];
	v12 =	vadd.f32 v16, v12;
	v28 =	vmul.f32 v56, v56;
	v30 =	vmul.f32 v58, v58  }
0xdf: {  	v33 =	vld [tilespmem:s0+$0xFFFFFEF0];
	v32 =	vmul.f32 v60, v60;
	v34 =	vmul.f32 v63, v63;
	v21 =	vmax.f32 v21, v22  }
0xe0: {  	v35 =	vld [tilespmem:s0+$0xFFFFFF00];
	v47 =	vmax.f32 v23, v38;
	v36 =	vadd.f32 v18, v15;
	v15 =	vadd.f32 v37, v17  }
0xe1: {  	v14 =	vmax.f32 v41, v42;
	v13 =	vadd.f32 v39, v19;
	v43 =	vadd.f32 v25, v20  }
0xe2: {  	v8 =	vadd.f32 v22, v8;
	v9 =	vadd.f32 v38, v9;
	v17 =	vmax.f32 v40, v24  }
0xe3: {  	v10 =	vadd.f32 v24, v10;
	v12 =	vadd.f32 v42, v12;
	v21 =	vmax.f32 v21, v45  }
0xe4: {  	v55 =	vmax.f32 v47, v26;
	v14 =	vmax.f32 v14, v51;
	v38 =	vmul.f32 v31, v31  }
0xe5: {  	v29 =	vld [tilespmem:s0+$0xFFFFFED0];
	v40 =	vmul.f32 v33, v33;
	v42 =	vmul.f32 v35, v35;
	v17 =	vmax.f32 v17, v49  }
0xe6: {  	v62 =	vmax.f32 v21, v53;
	v11 =	vadd.f32 v44, v36;
	v15 =	vadd.f32 v46, v15  }
0xe7: {  	v19 =	vmax.f32 v55, v56;
	v13 =	vadd.f32 v48, v13;
	v16 =	vadd.f32 v50, v43  }
0xe8: {  	v14 =	vmax.f32 v14, v60;
	v8 =	vadd.f32 v45, v8;
	v9 =	vadd.f32 v26, v9  }
0xe9: {  	v41 =	vld [tilespmem:s0+$0xFFFFFF30];
	v10 =	vadd.f32 v49, v10;
	v12 =	vadd.f32 v51, v12;
	v17 =	vmax.f32 v17, v58  }
0xea: {  	v37 =	vld [tilespmem:s0+$0xFFFFFF10];
	v18 =	vmax.f32 v62, v63;
	v36 =	vmul.f32 v29, v29;
	v19 =	vmax.f32 v19, v29  }
0xeb: {  	v39 =	vld [tilespmem:s0+$0xFFFFFF20];
	v14 =	vmax.f32 v14, v33;
	v11 =	vadd.f32 v52, v11;
	v15 =	vadd.f32 v54, v15  }
0xec: {  	v47 =	vld [tilespmem:s0+$0xFFFFFF60];
	v17 =	vmax.f32 v17, v31;
	v13 =	vadd.f32 v57, v13;
	v16 =	vadd.f32 v59, v16  }
0xed: {  	v55 =	vld [tilespmem:s0+$0xFFFFFFA0];
	v18 =	vmax.f32 v18, v35;
	v8 =	vadd.f32 v53, v8;
	v9 =	vadd.f32 v56, v9  }
0xee: {  	v43 =	vld [tilespmem:s0+$0xFFFFFF40];
	v10 =	vadd.f32 v58, v10;
	v12 =	vadd.f32 v60, v12;
	v48 =	vmul.f32 v41, v41  }
0xef: {  	v45 =	vld [tilespmem:s0+$0xFFFFFF50];
	v14 =	vmax.f32 v14, v41;
	v44 =	vmul.f32 v37, v37;
	v19 =	vmax.f32 v19, v37  }
0xf0: {  	v49 =	vld [tilespmem:s0+$0xFFFFFF70];
	v46 =	vmul.f32 v39, v39;
	v11 =	vadd.f32 v61, v11;
	v15 =	vadd.f32 v28, v15  }
0xf1: {  	v17 =	vmax.f32 v17, v39;
	v13 =	vadd.f32 v30, v13;
	v16 =	vadd.f32 v32, v16  }
0xf2: {  	v51 =	vld [tilespmem:s0+$0xFFFFFF80];
	v54 =	vmul.f32 v47, v47;
	v8 =	vadd.f32 v63, v8;
	v9 =	vadd.f32 v29, v9  }
0xf3: {  	v10 =	vadd.f32 v31, v10;
	v12 =	vadd.f32 v33, v12;
	v17 =	vmax.f32 v17, v47  }
0xf4: {  	v53 =	vld [tilespmem:s0+$0xFFFFFF90];
	v62 =	vmul.f32 v55, v55;
	v50 =	vmul.f32 v43, v43;
	v18 =	vmax.f32 v18, v43  }
0xf5: {  	v57 =	vld [tilespmem:s0+$0xFFFFFFB0];
	v52 =	vmul.f32 v45, v45;
	v19 =	vmax.f32 v19, v45;
	v56 =	vmul.f32 v49, v49  }
0xf6: {  	v14 =	vmax.f32 v14, v49;
	v11 =	vadd.f32 v34, v11;
	v15 =	vadd.f32 v36, v15  }
0xf7: {  	v59 =	vld [tilespmem:s0+$0xFFFFFFC0];
	v58 =	vmul.f32 v51, v51;
	v13 =	vadd.f32 v38, v13;
	v16 =	vadd.f32 v40, v16  }
0xf8: {  	v17 =	vmax.f32 v17, v55;
	v8 =	vadd.f32 v35, v8;
	v9 =	vadd.f32 v37, v9  }
0xf9: {  	v61 =	vld [tilespmem:s0+$0xFFFFFFD0];
	v10 =	vadd.f32 v39, v10;
	v12 =	vadd.f32 v41, v12;
	v18 =	vmax.f32 v18, v51  }
0xfa: {  	v63 =	vld [tilespmem:s0+$0xFFFFFFE0];
	v60 =	vmul.f32 v53, v53;
	v19 =	vmax.f32 v19, v53;
	v28 =	vmul.f32 v57, v57  }
0xfb: {  	v29 =	vld [tilespmem:s0+$0xFFFFFFF0];
	v14 =	vmax.f32 v14, v57;
	v11 =	vadd.f32 v42, v11;
	v15 =	vadd.f32 v44, v15  }
0xfc: {  	v31 =	vld [tilespmem:s0+$0x0];
	v30 =	vmul.f32 v59, v59;
	v13 =	vadd.f32 v46, v13;
	v16 =	vadd.f32 v48, v16  }
0xfd: {  	v18 =	vmax.f32 v18, v59;
	v8 =	vadd.f32 v43, v8;
	v9 =	vadd.f32 v45, v9  }
0xfe: {  	v33 =	vld [tilespmem:s0+$0x10];
	v10 =	vadd.f32 v47, v10;
	v12 =	vadd.f32 v49, v12;
	v32 =	vmul.f32 v61, v61  }
0xff: {  	v35 =	vld [tilespmem:s0+$0x20];
	v19 =	vmax.f32 v19, v61;
	v34 =	vmul.f32 v63, v63;
	v17 =	vmax.f32 v17, v63  }
0x100: {  	v37 =	vld [tilespmem:s0+$0x30];
	v36 =	vmul.f32 v29, v29;
	v14 =	vmax.f32 v14, v29;
	v11 =	vadd.f32 v50, v11  }
0x101: {  	v39 =	vld [tilespmem:s0+$0x40];
	v38 =	vmul.f32 v31, v31;
	v15 =	vadd.f32 v52, v15;
	v13 =	vadd.f32 v54, v13  }
0x102: {  	v18 =	vmax.f32 v18, v31;
	v16 =	vadd.f32 v56, v16;
	v8 =	vadd.f32 v51, v8  }
0x103: {  	v41 =	vld [tilespmem:s0+$0x50];
	v40 =	vmul.f32 v33, v33;
	v9 =	vadd.f32 v53, v9;
	v10 =	vadd.f32 v55, v10  }
0x104: {  	v43 =	vld [tilespmem:s0+$0x60];
	v12 =	vadd.f32 v57, v12;
	v19 =	vmax.f32 v19, v33;
	v42 =	vmul.f32 v35, v35  }
0x105: {  	v45 =	vld [tilespmem:s0+$0x70];
	v17 =	vmax.f32 v17, v35;
	v44 =	vmul.f32 v37, v37;
	v14 =	vmax.f32 v14, v37  }
0x106: {  	v47 =	vld [tilespmem:s0+$0x80];
	v46 =	vmul.f32 v39, v39;
	v11 =	vadd.f32 v58, v11;
	v15 =	vadd.f32 v60, v15  }
0x107: {  	v18 =	vmax.f32 v18, v39;
	v13 =	vadd.f32 v62, v13;
	v16 =	vadd.f32 v28, v16  }
0x108: {  	v49 =	vld [tilespmem:s0+$0x90];
	v48 =	vmul.f32 v41, v41;
	v8 =	vadd.f32 v59, v8;
	v9 =	vadd.f32 v61, v9  }
0x109: {  	v51 =	vld [tilespmem:s0+$0xA0];
	v19 =	vmax.f32 v19, v41;
	v10 =	vadd.f32 v63, v10;
	v12 =	vadd.f32 v29, v12  }
0x10a: {  	v53 =	vld [tilespmem:s0+$0xB0];
	v50 =	vmul.f32 v43, v43;
	v17 =	vmax.f32 v17, v43;
	v52 =	vmul.f32 v45, v45  }
0x10b: {  	v55 =	vld [tilespmem:s0+$0xC0];
	v14 =	vmax.f32 v14, v45;
	v54 =	vmul.f32 v47, v47;
	v11 =	vadd.f32 v30, v11  }
0x10c: {  	v18 =	vmax.f32 v18, v47;
	v15 =	vadd.f32 v32, v15;
	v13 =	vadd.f32 v34, v13  }
0x10d: {  	v57 =	vld [tilespmem:s0+$0xD0];
	v56 =	vmul.f32 v49, v49;
	v16 =	vadd.f32 v36, v16;
	v8 =	vadd.f32 v31, v8  }
0x10e: {  	v19 =	vmax.f32 v19, v49;
	v9 =	vadd.f32 v33, v9;
	v10 =	vadd.f32 v35, v10  }
0x10f: {  	v59 =	vld [tilespmem:s0+$0xE0];
	v12 =	vadd.f32 v37, v12;
	v58 =	vmul.f32 v51, v51;
	v17 =	vmax.f32 v17, v51  }
0x110: {  	v61 =	vld [tilespmem:s0+$0xF0];
	v60 =	vmul.f32 v53, v53;
	v14 =	vmax.f32 v14, v53;
	v62 =	vmul.f32 v55, v55  }
0x111: {  	v63 =	vld [tilespmem:s0+$0x100];
	v18 =	vmax.f32 v18, v55;
	v11 =	vadd.f32 v38, v11;
	v15 =	vadd.f32 v40, v15  }
0x112: {  	v28 =	vmul.f32 v57, v57;
	v13 =	vadd.f32 v42, v13;
	v16 =	vadd.f32 v44, v16  }
0x113: {  	v29 =	vld [tilespmem:s0+$0x110];
	v19 =	vmax.f32 v19, v57;
	v8 =	vadd.f32 v39, v8;
	v9 =	vadd.f32 v41, v9  }
0x114: {  	v31 =	vld [tilespmem:s0+$0x120];
	v10 =	vadd.f32 v43, v10;
	v12 =	vadd.f32 v45, v12;
	v30 =	vmul.f32 v59, v59  }
0x115: {  	v33 =	vld [tilespmem:s0+$0x130];
	v17 =	vmax.f32 v17, v59;
	v32 =	vmul.f32 v61, v61;
	v14 =	vmax.f32 v14, v61  }
0x116: {  	v35 =	vld [tilespmem:s0+$0x140];
	v34 =	vmul.f32 v63, v63;
	v11 =	vadd.f32 v46, v11;
	v15 =	vadd.f32 v48, v15  }
0x117: {  	v18 =	vmax.f32 v18, v63;
	v13 =	vadd.f32 v50, v13;
	v16 =	vadd.f32 v52, v16  }
0x118: {  	v37 =	vld [tilespmem:s0+$0x150];
	v36 =	vmul.f32 v29, v29;
	v8 =	vadd.f32 v47, v8;
	v9 =	vadd.f32 v49, v9  }
0x119: {  	v39 =	vld [tilespmem:s0+$0x160];
	v19 =	vmax.f32 v19, v29;
	v10 =	vadd.f32 v51, v10;
	v12 =	vadd.f32 v53, v12  }
0x11a: {  	v41 =	vld [tilespmem:s0+$0x170];
	v38 =	vmul.f32 v31, v31;
	v17 =	vmax.f32 v17, v31;
	v40 =	vmul.f32 v33, v33  }
0x11b: {  	v43 =	vld [tilespmem:s0+$0x180];
	v14 =	vmax.f32 v14, v33;
	v42 =	vmul.f32 v35, v35;
	v11 =	vadd.f32 v54, v11  }
0x11c: {  	v18 =	vmax.f32 v18, v35;
	v15 =	vadd.f32 v56, v15;
	v13 =	vadd.f32 v58, v13  }
0x11d: {  	v45 =	vld [tilespmem:s0+$0x190];
	v44 =	vmul.f32 v37, v37;
	v16 =	vadd.f32 v60, v16;
	v8 =	vadd.f32 v55, v8  }
0x11e: {  	v19 =	vmax.f32 v19, v37;
	v9 =	vadd.f32 v57, v9;
	v10 =	vadd.f32 v59, v10  }
0x11f: {  	v47 =	vld [tilespmem:s0+$0x1A0];
	v12 =	vadd.f32 v61, v12;
	v46 =	vmul.f32 v39, v39;
	v17 =	vmax.f32 v17, v39  }
0x120: {  	v49 =	vld [tilespmem:s0+$0x1B0];
	v48 =	vmul.f32 v41, v41;
	v14 =	vmax.f32 v14, v41;
	v50 =	vmul.f32 v43, v43  }
0x121: {  	v51 =	vld [tilespmem:s0+$0x1C0];
	v18 =	vmax.f32 v18, v43;
	v11 =	vadd.f32 v62, v11;
	v15 =	vadd.f32 v28, v15  }
0x122: {  	v52 =	vmul.f32 v45, v45;
	v13 =	vadd.f32 v30, v13;
	v16 =	vadd.f32 v32, v16  }
0x123: {  	v53 =	vld [tilespmem:s0+$0x1D0];
	v19 =	vmax.f32 v19, v45;
	v8 =	vadd.f32 v63, v8;
	v9 =	vadd.f32 v29, v9  }
0x124: {  	v10 =	vadd.f32 v31, v10;
	v12 =	vadd.f32 v33, v12;
	v54 =	vmul.f32 v47, v47  }
0x125: {  	v27 =	vld [tilespmem:s0+$0x1F0];
	v17 =	vmax.f32 v17, v47;
	v56 =	vmul.f32 v49, v49;
	v14 =	vmax.f32 v14, v49  }
0x126: {  	v55 =	vld [tilespmem:s0+$0x1E0];
	v58 =	vmul.f32 v51, v51;
	v11 =	vadd.f32 v34, v11;
	v15 =	vadd.f32 v36, v15  }
0x127: {  	v57 =	vld [tilespmem:s0+$0x200];
	v18 =	vmax.f32 v18, v51;
	v13 =	vadd.f32 v38, v13;
	v16 =	vadd.f32 v40, v16  }
0x128: {  	s3 =	sshra.s32 s31, $0x2;
	v59 =	vld [tilespmem:s0+$0x210];
	v60 =	vmul.f32 v53, v53;
	v8 =	vadd.f32 v35, v8;
	v9 =	vadd.f32 v37, v9  }
0x129: {  	v29 =	vld [tilespmem:s3+$0x14D00];
	v19 =	vmax.f32 v19, v53;
	v10 =	vadd.f32 v39, v10;
	v12 =	vadd.f32 v41, v12  }
0x12a: {  	v61 =	vld [tilespmem:s0+$0x220];
	v36 =	vmul.f32 v27, v27;
	v14 =	vmax.f32 v14, v27;
	v11 =	vadd.f32 v42, v11  }
0x12b: {  	v62 =	vmul.f32 v55, v55;
	v15 =	vadd.f32 v44, v15;
	v13 =	vadd.f32 v46, v13  }
0x12c: {  	v17 =	vmax.f32 v17, v55;
	v16 =	vadd.f32 v48, v16;
	v8 =	vadd.f32 v43, v8  }
0x12d: {  	v28 =	vld [tilespmem:s0+$0x230];
	v38 =	vmul.f32 v57, v57;
	v9 =	vadd.f32 v45, v9;
	v10 =	vadd.f32 v47, v10  }
0x12e: {  	v32 =	vld [tilespmem:s3+$0x14D10];
	v40 =	vmul.f32 v59, v59;
	v12 =	vadd.f32 v49, v12;
	v31 =	vadd.f32 v29, v29  }
0x12f: {  	v63 =	vld [tilespmem:s0+$0x240];
	v41 =	vmul.f32 v61, v61;
	v11 =	vadd.f32 v50, v11;
	v15 =	vadd.f32 v52, v15  }
0x130: {  	v30 =	vld [tilespmem:s0+$0x270];
	v18 =	vmax.f32 v18, v57;
	v13 =	vadd.f32 v54, v13;
	v16 =	vadd.f32 v56, v16  }
0x131: {  	v37 =	vld [tilespmem:s0+$0x250];
	v19 =	vmax.f32 v19, v59;
	v8 =	vadd.f32 v51, v8;
	v9 =	vadd.f32 v53, v9  }
0x132: {  	v47 =	vld [tilespmem:s3+$0x14D20];
	v17 =	vmax.f32 v17, v61;
	v10 =	vadd.f32 v55, v10;
	v12 =	vadd.f32 v27, v12  }
0x133: {  	v49 =	vld [tilespmem:s3+$0x14D30];
	v42 =	vmul.f32 v28, v28;
	v51 =	vadd.f32 v32, v32;
	v11 =	vadd.f32 v58, v11  }
0x134: {  	v39 =	vld [tilespmem:s0+$0x260];
	v43 =	vmul.f32 v63, v63;
	v15 =	vadd.f32 v60, v15;
	v13 =	vadd.f32 v62, v13  }
0x135: {  	v45 =	vmul.f32 $2.000000000e+01, v29;
	v16 =	vadd.f32 v36, v16;
	v8 =	vadd.f32 v57, v8  }
0x136: {  	v33 =	vmul.f32 v30, v30;
	v9 =	vadd.f32 v59, v9;
	v10 =	vadd.f32 v61, v10  }
0x137: {  	v50 =	vmul.f32 $2.000000000e+01, v32;
	v12 =	vadd.f32 v28, v12;
	v54 =	vadd.f32 v47, v47  }
0x138: {  	v44 =	vmul.f32 v37, v37;
	v56 =	vadd.f32 v49, v49;
	v11 =	vadd.f32 v38, v11  }
0x139: {  	v46 =	vmul.f32 v39, v39;
	v15 =	vadd.f32 v40, v15;
	v13 =	vadd.f32 v41, v13  }
0x13a: {  	v29 =	vmul.f32 v45, v29;
	v16 =	vadd.f32 v42, v16;
	v8 =	vadd.f32 v63, v8  }
0x13b: {  	v53 =	vmul.f32 $2.000000000e+01, v47;
	v9 =	vadd.f32 v37, v9;
	v10 =	vadd.f32 v39, v10  }
0x13c: {  	v12 =	vadd.f32 v30, v12;
	v31 =	vmul.f32 v31, v8;
	v8 =	vadd.f32 v45, v8  }
0x13d: {  	v55 =	vmul.f32 $2.000000000e+01, v49;
	v11 =	vadd.f32 v43, v11;
	v15 =	vadd.f32 v44, v15  }
0x13e: {  	v52 =	vmul.f32 v51, v9;
	v7 =	vadd.f32 v8, v7;
	v8 =	vmul.f32 v50, v32  }
0x13f: {  	v20 =	vmul.f32 v53, v47;
	v13 =	vadd.f32 v46, v13;
	v16 =	vadd.f32 v33, v16  }
0x140: {  	v9 =	vadd.f32 v50, v9;
	v57 =	vmul.f32 v54, v10;
	v8 =	vadd.f32 v52, v8  }
0x141: {  	v59 =	vmul.f32 v56, v12;
	v10 =	vadd.f32 v53, v10;
	v12 =	vadd.f32 v55, v12  }
0x142: {  	v58 =	vmul.f32 v55, v49;
	v48 =	vadd.f32 v31, v29;
	v8 =	vadd.f32 v8, v15  }
0x143: {  	p0 =	sne.s32 s31, $0x1F00;
	v14 =	vmax.f32 v14, v28;
	v6 =	vadd.f32 v9, v6;
	v60 =	vadd.f32 v57, v20  }
.Ltmp1:
0x144: {  	v18 =	vmax.f32 v18, v63;
	v3 =	vadd.f32 v8, v3;
	v8 =	vadd.f32 v59, v58;
	(pc) =	sbr.rel @p0 .LBB2_5-.Ltmp1, $4  }
0x145: {  	[tilespmem:s3+$0x15D00] =	vst v18;
	v61 =	vmax.f32 v19, v37;
	v4 =	vadd.f32 v10, v4;
	v11 =	vadd.f32 v48, v11  }
0x146: {  	v62 =	vmax.f32 v17, v39;
	[tilespmem:s3+$0x15D10] =	vst v61;
	v9 =	vadd.f32 v60, v13;
	v8 =	vadd.f32 v8, v16  }
0x147: {  	[tilespmem:s3+$0x15D20] =	vst v62;
	v63 =	vmax.f32 v14, v30;
	v2 =	vadd.f32 v12, v2;
	v5 =	vadd.f32 v11, v5  }
0x148: {  	s31 =	sadd.s32 $0x100, s31;
	s0 =	sadd.s32 $0x500, s0;
	[tilespmem:s3+$0x15D30] =	vst v63;
	v1 =	vadd.f32 v9, v1;
	v0 =	vadd.f32 v8, v0  }
0x149: {  	s29 =	sadd.s32 $0x1, s29  }
0x14a: {  	p0 =	sne.s32 s29, $0x8  }
.Ltmp2:
0x14b: {  	_ = 	snop;
	(pc) =	sbr.rel @p0 .LBB2_2-.Ltmp2, $4  }
0x14c: {  	_ = 	snop  }
0x14d: {  	s0 =	sadd.s32 s30, s6  }
0x14e: {  	s0 =	sadd.s32 $0x100, s0  }
0x14f: {  	[hbm4b:s0+s2] =	stream.linear.scatter [tilespmem:s22], [sflag:$0x4], $0x800, $0x38;
	[tilespmem:$0x16580] =	vst v63  }
0x150: {  	[tilespmem:$0x16500] =	vst v7  }
0x151: {  	[tilespmem:$0x16540] =	vst v5  }
0x152: {  	[tilespmem:$0x16510] =	vst v6  }
0x153: {  	[tilespmem:$0x16550] =	vst v3  }
0x154: {  	[tilespmem:$0x16520] =	vst v4  }
0x155: {  	[tilespmem:$0x16560] =	vst v1  }
0x156: {  	[tilespmem:$0x16530] =	vst v2  }
0x157: {  	[tilespmem:$0x16570] =	vst v0  }
0x158: {  	_ =	swait.ge [sflag:s23], $0x800  }
0x159: {  	[sflag:s23] =	ssyncset.done $0x0  }
0x15a: {  	[sflag:s23] =	ssyncadd.s32 $0xFFFFF800  }
0x15b: {  	_ =	swait.ge [sflag:s24], $0x800  }
0x15c: {  	[sflag:s24] =	ssyncset.done $0x0  }
0x15d: {  	[sflag:s24] =	ssyncadd.s32 $0xFFFFF800  }
0x15e: {  	[hbm4b:s10+s2] =	stream.linear.scatter [tilespmem:s25], [sflag:$0x5], $0x40, $0x38;
	[tilespmem:$0x16580] =	vst v63  }
0x15f: {  	s28 =	sadd.s32 $0x1, s28;
	_ =	swait.ge [sflag:s13], $0x40  }
0x160: {  	p0 =	sne.s32 s28, s12;
	[sflag:s13] =	ssyncset.done $0x0  }
.Ltmp3:
0x161: {  	[sflag:s13] =	ssyncadd.s32 $0xFFFFFFC0;
	(pc) =	sbr.rel @p0 .LBB2_1-.Ltmp3, $4  }
0x162: {  	[hbm4b:s11+s2] =	stream.linear.scatter [tilespmem:s26], [sflag:$0x5], $0x40, $0x38;
	[tilespmem:$0x16580] =	vst v63  }
0x163: {  	_ =	swait.ge [sflag:s13], $0x40  }
0x164: {  	[sflag:s13] =	ssyncset.done $0x0  }
0x165: {  	[sflag:s13] =	ssyncadd.s32 $0xFFFFFFC0  }
0x166: {  	_ =	sfence.sel $0x180000  }
0x167: {  	[bflag:$0x0] =	sbarrier.arrive $0xFFFF  }
0x168: {  	_ =	strace $0x90000047  }
0x169: {  	s0 =	stileid.u32;
	[bflag:$0x2] =	sbarrier.arrive $0xFFFF  }
0x16a: {  	p0 =	sne.s32 s0, $0x0;
	s0 =	rddreg [dreg:$0x2]  }
0x16b: {  	s0 =	sadd.s32 @!p0 $0x100000, s0  }
0x16c: {  	[sflag:s0] =	ssyncadd.tile.s32 @!p0 $0x1;
	_ =	shalt  }
.Lfunc_end2:
_tile_overlayer_lowered:
.L_overlay_start_2:
0x16d: {  	(tag) =	ssettag $0x2  }
0x16e: {  	s0 =	rddreg [dreg:$0x0];
	s2 =	stileid.u32  }
0x16f: {  	s1 =	rddreg [dreg:$0x1];
	p0 =	sne.s32 s2, $0x0  }
0x170: {  	s3 =	rddreg [dreg:$0x2];
	[bflag:$0x3] =	sbarrier.arrive $0xFFFF;
	s2 =	simm.s32 @!p0 $0x1C05  }
0x171: {  	[timem:s3], [sflag:s2] =	dma.local @!p0 [hbm:s0], s1  }
0x172: {  	s0 =	simm.s32 @!p0 $0x5  }
0x173: {  	_ =	swait.ge @!p0 [sflag:s0], s1  }
0x174: {  	s1 =	ssub.s32 @!p0 $0x0, s1;
	[sflag:s0] =	ssyncset.done @!p0 $0x0  }
0x175: {  	[sflag:s0] =	ssyncadd.s32 @!p0 s1  }
0x176: {  	[bflag:$0x3] =	sbarrier.arrive $0xFFFF  }
0x177: {  	_ =	shalt  }

</sc_bundles>
